<compile_context>
chip_gen: v7x
topology: tpu7x:2x2x1
jax: 0.10.2.dev20260603
libtpu: 0.0.44.dev20260713+nightly
codegen_flags: <defaults>
</compile_context>

<pallas_src>
import functools

import numpy as np

import jax
import jax.numpy as jnp
from jax import lax
from jax.experimental import pallas as pl
from jax.experimental.pallas import tpu as pltpu
from jax.experimental.pallas import tpu_sc as plsc

N = 10000
E = 320000
C = 128
SH = 9
RBF = 16
H = 64

NC = 2
NS = 16
L = 16
NW = NC * NS
B = 128
E2 = E // 2
NPAIR = E2 // B
NPF = NPAIR // NW
NLEFT = NPAIR - NPF * NW
ZB = 80
NCHUNK = N // ZB

BE = 3200


_DNT = (((0,), (0,)), ((), ()))


def _edge_w_body(rbft_lo, sht_lo, rbft_hi, sht_hi,
                 w1, b1, w2, b2, w3, b3, w4, b4, wsh,
                 out_ref, shpad_ref):
    @pl.when(pl.program_id(0) == 0)
    def _():
        shpad_ref[...] = jnp.zeros((2 * SH - 2, BE), jnp.float32)

    def half_w(rbft_ref, sht_ref):
        shpad_ref[pl.ds(0, SH), :] = sht_ref[...]
        x = lax.dot_general(rbft_ref[...], w1[...], _DNT) + b1[...]
        x = jax.nn.silu(x)
        x = jax.nn.silu(x @ w2[...] + b2[...])
        x = jax.nn.silu(x @ w3[...] + b3[...])
        tp = x @ w4[...] + b4[...]
        shp = lax.dot_general(shpad_ref[...], wsh[...], _DNT)
        return tp * shp

    w_lo = half_w(rbft_lo, sht_lo)
    w_hi = half_w(rbft_hi, sht_hi)
    half_ulp = jnp.int32(0x8000)
    lo_b = lax.shift_right_logical(
        lax.bitcast_convert_type(w_lo, jnp.int32) + half_ulp, 16)
    hi_b = ((lax.bitcast_convert_type(w_hi, jnp.int32) + half_ulp)
            & jnp.int32(np.int32(-65536)))
    out_ref[...] = lo_b | hi_b


def _edge_w(rbft, sht, W1, b1, W2, b2, W3, b3, W4, b4, W_sh):
    grid = (E2 // BE,)
    nblk = E2 // BE
    full = lambda r, c: pl.BlockSpec((r, c), lambda i: (0, 0))
    return pl.pallas_call(
        _edge_w_body,
        grid=grid,
        in_specs=[
            pl.BlockSpec((RBF, BE), lambda i: (0, i)),
            pl.BlockSpec((SH, BE), lambda i: (0, i)),
            pl.BlockSpec((RBF, BE), lambda i: (0, i + nblk)),
            pl.BlockSpec((SH, BE), lambda i: (0, i + nblk)),
            full(RBF, H), full(1, H),
            full(H, H), full(1, H),
            full(H, H), full(1, H),
            full(H, C), full(1, C),
            full(2 * SH - 2, C),
        ],
        out_specs=pl.BlockSpec((BE, C), lambda i: (i, 0)),
        out_shape=jax.ShapeDtypeStruct((E2, C), jnp.int32),
        scratch_shapes=[pltpu.VMEM((2 * SH - 2, BE), jnp.float32)],
    )(rbft, sht, rbft, sht, W1, b1.reshape(1, H), W2, b2.reshape(1, H),
      W3, b3.reshape(1, H), W4, b4.reshape(1, C),
      jnp.zeros((2 * SH - 2, C), W_sh.dtype).at[:SH].set(W_sh))


def _sc_body(h_hbm, w_hbm, ei_hbm, out_hbm,
             srcv, dstv, hrow, gsem,
             srcv2, dstv2, hrow2, gsem2, wrow, wsem, agg):
    c = lax.axis_index("c")
    s = lax.axis_index("s")
    wid = c * NS + s
    bufs = ((srcv, dstv, hrow, gsem), (srcv2, dstv2, hrow2, gsem2))

    def _fetch(b, buf):
        sv, dv, hr, gs = buf
        base = b * B
        pltpu.sync_copy(ei_hbm.at[0, pl.ds(base, B)], sv)
        pltpu.sync_copy(ei_hbm.at[1, pl.ds(base, B)], dv)
        pltpu.async_copy(h_hbm.at[sv], hr, gs)

    def _wload(p):
        pltpu.async_copy(w_hbm.at[pl.ds(p * B, B)], wrow, wsem)

    def _wwait(p):
        pltpu.make_async_copy(w_hbm.at[pl.ds(p * B, B)], wrow, wsem).wait()

    def _mul(hr, hi_half):
        @plsc.parallel_loop(0, B, unroll=4)
        def _mul_row(e):
            for g in range(C // L):
                sl = pl.ds(L * g, L)
                wi = wrow[e, sl]
                if hi_half:
                    wv = lax.bitcast_convert_type(
                        wi & jnp.int32(np.int32(-65536)), jnp.float32)
                else:
                    wv = lax.bitcast_convert_type(wi << 16, jnp.float32)
                hr[e, sl] = hr[e, sl] * wv

    def _compute(p, buf, hi_half, wait_w, next_w):
        sv, dv, hr, gs = buf
        pltpu.make_async_copy(h_hbm.at[sv], hr, gs).wait()
        if wait_w:
            _wwait(p)
        _mul(hr, hi_half)
        if next_w is not None:
            next_w()
        pltpu.sync_copy(hr, agg.at[dv], add=True)

    zeros = jnp.zeros((L,), jnp.float32)

    def _zero_row(e, _):
        for t in range(C // L):
            hrow[e, pl.ds(t * L, L)] = zeros
        return 0

    lax.fori_loop(0, ZB, _zero_row, 0)
    for k in range((NCHUNK + NS - 1) // NS):
        chunk = s + k * NS

        @pl.when(chunk < NCHUNK)
        def _():
            pltpu.sync_copy(hrow.at[pl.ds(0, ZB)], agg.at[pl.ds(chunk * ZB, ZB)])

    plsc.subcore_barrier()

    p0 = wid * NPF
    _wload(p0)
    _fetch(p0, bufs[0])

    def _pair(m, _):
        p = p0 + m
        _fetch(p + NPAIR, bufs[1])
        _compute(p, bufs[0], False, True, None)

        @pl.when(m < NPF - 1)
        def _():
            _fetch(p + 1, bufs[0])

        def _next_w():
            @pl.when(m < NPF - 1)
            def _():
                _wload(p + 1)

        _compute(p + NPAIR, bufs[1], True, False, _next_w)
        return 0

    lax.fori_loop(0, NPF, _pair, 0)

    @pl.when(wid < NLEFT)
    def _():
        pleft = NW * NPF + wid
        _wload(pleft)
        _fetch(pleft, bufs[0])
        _compute(pleft, bufs[0], False, True, None)
        _fetch(pleft + NPAIR, bufs[1])
        _compute(pleft + NPAIR, bufs[1], True, False, None)

    plsc.subcore_barrier()

    for k in range((NCHUNK + NS - 1) // NS):
        chunk = s + k * NS

        @pl.when(chunk < NCHUNK)
        def _():
            pltpu.sync_copy(agg.at[pl.ds(chunk * ZB, ZB)],
                            out_hbm.at[c, pl.ds(chunk * ZB, ZB)])


def _sc_aggregate(h, w, edge_index):
    mesh = plsc.VectorSubcoreMesh(core_axis_name="c", subcore_axis_name="s")
    f = functools.partial(
        pl.kernel,
        out_type=jax.ShapeDtypeStruct((NC, N, C), jnp.float32),
        mesh=mesh,
        scratch_types=[
            pltpu.VMEM((B,), jnp.int32),
            pltpu.VMEM((B,), jnp.int32),
            pltpu.VMEM((B, C), jnp.float32),
            pltpu.SemaphoreType.DMA,
            pltpu.VMEM((B,), jnp.int32),
            pltpu.VMEM((B,), jnp.int32),
            pltpu.VMEM((B, C), jnp.float32),
            pltpu.SemaphoreType.DMA,
            pltpu.VMEM((B, C), jnp.int32),
            pltpu.SemaphoreType.DMA,
            pltpu.VMEM_SHARED((N, C), jnp.float32),
        ],
    )(_sc_body)
    return f(h, w, edge_index)


def _node_body(p_ref, h_ref, wmid, wsc, u1, u2, u3, gamma, beta, out_ref):
    agg = p_ref[0] + p_ref[1]
    a = agg @ wmid[...]
    sc = h_ref[...] @ wsc[...]
    msg = a @ u1[...] + (a * a) @ u2[...] + (a * a * a) @ u3[...] + sc
    mean = jnp.mean(msg, axis=0, keepdims=True)
    var = jnp.mean((msg - mean) * (msg - mean), axis=0, keepdims=True)
    out_ref[...] = ((msg - mean) * lax.rsqrt(var + 1e-5) * gamma[...]
                    + beta[...])


def _node_tail(partials, h, W_mid, W_sc, U1, U2, U3, gamma, beta):
    return pl.pallas_call(
        _node_body,
        out_shape=jax.ShapeDtypeStruct((N, C), jnp.float32),
    )(partials, h, W_mid, W_sc, U1, U2, U3,
      gamma.reshape(1, C), beta.reshape(1, C))


def kernel(h, edge_index, edge_sh, edge_radial_embedding, W1, b1, W2, b2,
           W3, b3, W4, b4, W_sh, W_mid, W_sc, U1, U2, U3, gamma, beta):
    w = _edge_w(edge_radial_embedding.T, edge_sh.T,
                W1, b1, W2, b2, W3, b3, W4, b4, W_sh)
    partials = _sc_aggregate(h, w, edge_index)
    return _node_tail(partials, h, W_mid, W_sc, U1, U2, U3, gamma, beta)

# --- scband reference (transcript-rebuilt; emitter-appended) ---
"""Pipeline reference for scband-maceblock-67577015435584 (READ-ONLY COPY).

The authoritative reference and input builder live on the scoring server;
editing this copy changes nothing except your own understanding.
"""

import jax, jax.numpy as jnp
import numpy as np

N = 10000
E = 320000
C = 128
SH = 9
RBF = 16
H = 64
AVG_NUM_NEIGHBORS = 1.0


def setup_inputs(seed: int = 0) -> dict:
    key = jax.random.key(seed)
    ks = jax.random.split(key, 24)
    inp = {}
    inp["h"] = jax.random.normal(ks[0], (N, C), dtype=jnp.float32)
    inp["edge_index"] = jax.random.randint(ks[1], (2, E), 0, N, dtype=jnp.int32)
    inp["edge_sh"] = jax.random.normal(ks[2], (E, SH), dtype=jnp.float32)
    inp["edge_radial_embedding"] = jax.random.uniform(ks[3], (E, RBF), dtype=jnp.float32)
    # radial MLP [num_rbf -> 64 -> 64 -> 64 -> C] producing per-edge tensor-product weights
    inp["W1"] = jax.random.normal(ks[4], (RBF, H), dtype=jnp.float32) / np.sqrt(RBF)
    inp["b1"] = jnp.zeros((H,), dtype=jnp.float32)
    inp["W2"] = jax.random.normal(ks[5], (H, H), dtype=jnp.float32) / np.sqrt(H)
    inp["b2"] = jnp.zeros((H,), dtype=jnp.float32)
    inp["W3"] = jax.random.normal(ks[6], (H, H), dtype=jnp.float32) / np.sqrt(H)
    inp["b3"] = jnp.zeros((H,), dtype=jnp.float32)
    inp["W4"] = jax.random.normal(ks[7], (H, C), dtype=jnp.float32) / np.sqrt(H)
    inp["b4"] = jnp.zeros((C,), dtype=jnp.float32)
    # projection of spherical-harmonic edge attrs into channel space (tensor-product paths)
    inp["W_sh"] = jax.random.normal(ks[8], (SH, C), dtype=jnp.float32) / np.sqrt(SH)
    # post-aggregation linear (interaction linear-down)
    inp["W_mid"] = jax.random.normal(ks[9], (C, C), dtype=jnp.float32) / np.sqrt(C)
    # self-connection (skip tensor product with node_attrs=1x0e)
    inp["W_sc"] = jax.random.normal(ks[10], (C, C), dtype=jnp.float32) / np.sqrt(C)
    # equivariant product basis / symmetric contraction weights, correlation order 1..3
    inp["U1"] = jax.random.normal(ks[11], (C, C), dtype=jnp.float32) / np.sqrt(C)
    inp["U2"] = jax.random.normal(ks[12], (C, C), dtype=jnp.float32) / np.sqrt(C)
    inp["U3"] = jax.random.normal(ks[13], (C, C), dtype=jnp.float32) / np.sqrt(C)
    # batch norm affine params
    inp["gamma"] = jnp.ones((C,), dtype=jnp.float32)
    inp["beta"] = jnp.zeros((C,), dtype=jnp.float32)
    return inp


def reference(h, edge_index, edge_sh, edge_radial_embedding,
              W1, b1, W2, b2, W3, b3, W4, b4,
              W_sh, W_mid, W_sc, U1, U2, U3, gamma, beta):
    src = edge_index[0]
    dst = edge_index[1]
    # radial MLP -> per-edge tensor-product weights
    x = jax.nn.silu(edge_radial_embedding @ W1 + b1)
    x = jax.nn.silu(x @ W2 + b2)
    x = jax.nn.silu(x @ W3 + b3)
    tp_w = x @ W4 + b4  # [E, C]
    # spherical harmonics projected to channels (tensor-product path mixing)
    sh_proj = edge_sh @ W_sh  # [E, C]
    # message: gather source node feats, modulate by radial weights and sh paths
    m = h[src] * tp_w * sh_proj  # [E, C]
    # scatter-add aggregation to destination nodes
    agg = jax.ops.segment_sum(m, dst, num_segments=N) / AVG_NUM_NEIGHBORS  # [N, C]
    a_features = agg @ W_mid  # [N, C]
    # self-connection (residual skip via node_attrs = 1x0e)
    sc = h @ W_sc  # [N, C]
    # product basis: symmetric contractions up to correlation order 3, use_sc=True
    messages = a_features @ U1 + (a_features * a_features) @ U2 + (a_features * a_features * a_features) @ U3 + sc
    # equivariant batch norm (scalar channels: standard per-channel BN over nodes)
    mean = jnp.mean(messages, axis=0, keepdims=True)
    var = jnp.var(messages, axis=0, keepdims=True)
    h_out = (messages - mean) / jnp.sqrt(var + 1e-5) * gamma + beta
    return h_out

if __name__ == "__main__":
    import jax
    _d = setup_inputs()
    print(jax.jit(kernel)(*tuple(_d.values())))

</pallas_src>

<mosaic_0001>
#map = affine_map<(d0, d1) -> (0, 0)>
#map1 = affine_map<(d0, d1) -> (0, 0, 0)>
module attributes {stable_mosaic.version = 14 : i64} {
  func.func @_sc_body(%arg0: i32, %arg1: i32, %arg2: memref<10000x128xf32, #tpu.memory_space<hbm>>, %arg3: memref<160000x128xi32, #tpu.memory_space<hbm>>, %arg4: memref<2x320000xi32, #tpu.memory_space<hbm>>, %arg5: memref<2x10000x128xf32, #tpu.memory_space<hbm>>, %arg6: memref<128xi32, #tpu.memory_space<vmem>>, %arg7: memref<128xi32, #tpu.memory_space<vmem>>, %arg8: memref<128x128xf32, #tpu.memory_space<vmem>>, %arg9: memref<!tpu.dma_semaphore, #tpu.memory_space<semaphore_mem>>, %arg10: memref<128xi32, #tpu.memory_space<vmem>>, %arg11: memref<128xi32, #tpu.memory_space<vmem>>, %arg12: memref<128x128xf32, #tpu.memory_space<vmem>>, %arg13: memref<!tpu.dma_semaphore, #tpu.memory_space<semaphore_mem>>, %arg14: memref<128x128xi32, #tpu.memory_space<vmem>>, %arg15: memref<!tpu.dma_semaphore, #tpu.memory_space<semaphore_mem>>, %arg16: memref<10000x128xf32, #tpu.memory_space<vmem_shared>>) attributes {dimension_semantics = [#tpu.dimension_semantics<core_parallel>, #tpu.dimension_semantics<subcore_parallel>], iteration_bounds = array<i64: 2, 16>, scalar_prefetch = 0 : i64, scratch_operands = 11 : i64, tpu.core_type = #tpu.core_type<sc_vector_subcore>, window_params = [{transform_indices = #map}, {transform_indices = #map}, {transform_indices = #map}, {transform_indices = #map1}]} {
    %mul3A = arith.constant 16 : i32
    %mul3A_0 = arith.muli %arg0, %mul3A : i32
    %add3A = arith.addi %mul3A_0, %arg1 : i32
    %broadcast_in_dim3A = arith.constant 0.000000e+00 : f32
    %broadcast_in_dim3A_1 = vector.broadcast %broadcast_in_dim3A : f32 to vector<16xf32>
    %scan3A = arith.constant 0 : i32
    %scan3A_2 = arith.constant 0 : i32
    %scan3A_3 = arith.constant 80 : i32
    %scan3A_4 = arith.addi %scan3A_2, %scan3A_3 : i32
    %scan3A_5 = arith.constant 1 : i32
    %scan3A_6 = scf.for %scan3A_143 = %scan3A_2 to %scan3A_4 step %scan3A_5 iter_args(%scan3A_144 = %scan3A) -> (i32)  : i32 {
      %swap3A = arith.index_cast %scan3A_143 : i32 to index
      %swap3A_145 = arith.constant 0 : index
      %swap3A_146 = tpu.vector_load %arg8[%swap3A, %swap3A_145] {strides = array<i32>} : memref<128x128xf32, #tpu.memory_space<vmem>>, vector<1x16xf32>,
      %swap3A_147 = vector.shape_cast %swap3A_146 : vector<1x16xf32> to vector<16xf32>
      %swap3A_148 = vector.shape_cast %broadcast_in_dim3A_1 : vector<16xf32> to vector<1x16xf32>
      tpu.vector_store %arg8[%swap3A, %swap3A_145], %swap3A_148 {strides = array<i32>} : memref<128x128xf32, #tpu.memory_space<vmem>>, vector<1x16xf32>,
      %swap3A_149 = arith.index_cast %scan3A_143 : i32 to index
      %swap3A_150 = arith.constant 16 : index
      %swap3A_151 = tpu.vector_load %arg8[%swap3A_149, %swap3A_150] {strides = array<i32>} : memref<128x128xf32, #tpu.memory_space<vmem>>, vector<1x16xf32>,
      %swap3A_152 = vector.shape_cast %swap3A_151 : vector<1x16xf32> to vector<16xf32>
      %swap3A_153 = vector.shape_cast %broadcast_in_dim3A_1 : vector<16xf32> to vector<1x16xf32>
      tpu.vector_store %arg8[%swap3A_149, %swap3A_150], %swap3A_153 {strides = array<i32>} : memref<128x128xf32, #tpu.memory_space<vmem>>, vector<1x16xf32>,
      %swap3A_154 = arith.index_cast %scan3A_143 : i32 to index
      %swap3A_155 = arith.constant 32 : index
      %swap3A_156 = tpu.vector_load %arg8[%swap3A_154, %swap3A_155] {strides = array<i32>} : memref<128x128xf32, #tpu.memory_space<vmem>>, vector<1x16xf32>,
      %swap3A_157 = vector.shape_cast %swap3A_156 : vector<1x16xf32> to vector<16xf32>
      %swap3A_158 = vector.shape_cast %broadcast_in_dim3A_1 : vector<16xf32> to vector<1x16xf32>
      tpu.vector_store %arg8[%swap3A_154, %swap3A_155], %swap3A_158 {strides = array<i32>} : memref<128x128xf32, #tpu.memory_space<vmem>>, vector<1x16xf32>,
      %swap3A_159 = arith.index_cast %scan3A_143 : i32 to index
      %swap3A_160 = arith.constant 48 : index
      %swap3A_161 = tpu.vector_load %arg8[%swap3A_159, %swap3A_160] {strides = array<i32>} : memref<128x128xf32, #tpu.memory_space<vmem>>, vector<1x16xf32>,
      %swap3A_162 = vector.shape_cast %swap3A_161 : vector<1x16xf32> to vector<16xf32>
      %swap3A_163 = vector.shape_cast %broadcast_in_dim3A_1 : vector<16xf32> to vector<1x16xf32>
      tpu.vector_store %arg8[%swap3A_159, %swap3A_160], %swap3A_163 {strides = array<i32>} : memref<128x128xf32, #tpu.memory_space<vmem>>, vector<1x16xf32>,
      %swap3A_164 = arith.index_cast %scan3A_143 : i32 to index
      %swap3A_165 = arith.constant 64 : index
      %swap3A_166 = tpu.vector_load %arg8[%swap3A_164, %swap3A_165] {strides = array<i32>} : memref<128x128xf32, #tpu.memory_space<vmem>>, vector<1x16xf32>,
      %swap3A_167 = vector.shape_cast %swap3A_166 : vector<1x16xf32> to vector<16xf32>
      %swap3A_168 = vector.shape_cast %broadcast_in_dim3A_1 : vector<16xf32> to vector<1x16xf32>
      tpu.vector_store %arg8[%swap3A_164, %swap3A_165], %swap3A_168 {strides = array<i32>} : memref<128x128xf32, #tpu.memory_space<vmem>>, vector<1x16xf32>,
      %swap3A_169 = arith.index_cast %scan3A_143 : i32 to index
      %swap3A_170 = arith.constant 80 : index
      %swap3A_171 = tpu.vector_load %arg8[%swap3A_169, %swap3A_170] {strides = array<i32>} : memref<128x128xf32, #tpu.memory_space<vmem>>, vector<1x16xf32>,
      %swap3A_172 = vector.shape_cast %swap3A_171 : vector<1x16xf32> to vector<16xf32>
      %swap3A_173 = vector.shape_cast %broadcast_in_dim3A_1 : vector<16xf32> to vector<1x16xf32>
      tpu.vector_store %arg8[%swap3A_169, %swap3A_170], %swap3A_173 {strides = array<i32>} : memref<128x128xf32, #tpu.memory_space<vmem>>, vector<1x16xf32>,
      %swap3A_174 = arith.index_cast %scan3A_143 : i32 to index
      %swap3A_175 = arith.constant 96 : index
      %swap3A_176 = tpu.vector_load %arg8[%swap3A_174, %swap3A_175] {strides = array<i32>} : memref<128x128xf32, #tpu.memory_space<vmem>>, vector<1x16xf32>,
      %swap3A_177 = vector.shape_cast %swap3A_176 : vector<1x16xf32> to vector<16xf32>
      %swap3A_178 = vector.shape_cast %broadcast_in_dim3A_1 : vector<16xf32> to vector<1x16xf32>
      tpu.vector_store %arg8[%swap3A_174, %swap3A_175], %swap3A_178 {strides = array<i32>} : memref<128x128xf32, #tpu.memory_space<vmem>>, vector<1x16xf32>,
      %swap3A_179 = arith.index_cast %scan3A_143 : i32 to index
      %swap3A_180 = arith.constant 112 : index
      %swap3A_181 = tpu.vector_load %arg8[%swap3A_179, %swap3A_180] {strides = array<i32>} : memref<128x128xf32, #tpu.memory_space<vmem>>, vector<1x16xf32>,
      %swap3A_182 = vector.shape_cast %swap3A_181 : vector<1x16xf32> to vector<16xf32>
      %swap3A_183 = vector.shape_cast %broadcast_in_dim3A_1 : vector<16xf32> to vector<1x16xf32>
      tpu.vector_store %arg8[%swap3A_179, %swap3A_180], %swap3A_183 {strides = array<i32>} : memref<128x128xf32, #tpu.memory_space<vmem>>, vector<1x16xf32>,
      %scan3A_184 = arith.constant 0 : i32
      scf.yield %scan3A_184 : i32
    }
    %scan3A_7 = arith.constant 80 : i32
    %add3A_8 = arith.constant 0 : i32
    %add3A_9 = arith.addi %arg1, %add3A_8 : i32
    %lt3A = arith.constant 125 : i32
    %lt3A_10 = arith.cmpi slt, %add3A_9, %lt3A : i32
    %convert_element_type3A = arith.extui %lt3A_10 : i1 to i32
    %cond3A = arith.constant 0 : i32
    %cond3A_11 = arith.cmpi ne, %convert_element_type3A, %cond3A : i32
    scf.if %cond3A_11 {
      %mul3A_143 = arith.constant 80 : i32
      %mul3A_144 = arith.muli %add3A_9, %mul3A_143 : i32
      "tpu.region"() ({
        %run_scoped3A_145 = tpu.sem_alloc : memref<!tpu.dma_semaphore, #tpu.memory_space<semaphore_mem>>
        %dma_start3A_146 = arith.constant 0 : i32
        %dma_start3A_147 = arith.constant 0 : i32
        %dma_start3A_148 = tpu.memref_slice %arg8[%dma_start3A_146, %dma_start3A_147] : memref<128x128xf32, #tpu.memory_space<vmem>> -> memref<80x128xf32, #tpu.memory_space<vmem>>
        %dma_start3A_149 = arith.constant 0 : i32
        %dma_start3A_150 = tpu.memref_slice %arg16[%mul3A_144, %dma_start3A_149] : memref<10000x128xf32, #tpu.memory_space<vmem_shared>> -> memref<80x128xf32, #tpu.memory_space<vmem_shared>>
        %dma_start3A_151 = arith.constant 0 : i32
        %dma_start3A_152 = tpu.memref_slice %arg16[%mul3A_144, %dma_start3A_151] : memref<10000x128xf32, #tpu.memory_space<vmem_shared>> -> memref<80x128xf32, #tpu.memory_space<vmem_shared>>
        %dma_start3A_153 = arith.constant 0 : i32
        %dma_start3A_154 = arith.constant 0 : i32
        %dma_start3A_155 = tpu.memref_slice %arg8[%dma_start3A_153, %dma_start3A_154] : memref<128x128xf32, #tpu.memory_space<vmem>> -> memref<80x128xf32, #tpu.memory_space<vmem>>
        tpu.enqueue_dma source(%dma_start3A_155 : memref<80x128xf32, #tpu.memory_space<vmem>>) target(%dma_start3A_152 : memref<80x128xf32, #tpu.memory_space<vmem_shared>>) target_semaphore(%run_scoped3A_145 : memref<!tpu.dma_semaphore, #tpu.memory_space<semaphore_mem>>)
        %dma_wait3A = arith.constant 0 : i32
        %dma_wait3A_156 = arith.constant 0 : i32
        %dma_wait3A_157 = tpu.memref_slice %arg8[%dma_wait3A, %dma_wait3A_156] : memref<128x128xf32, #tpu.memory_space<vmem>> -> memref<80x128xf32, #tpu.memory_space<vmem>>
        %dma_wait3A_158 = arith.constant 0 : i32
        %dma_wait3A_159 = tpu.memref_slice %arg16[%mul3A_144, %dma_wait3A_158] : memref<10000x128xf32, #tpu.memory_space<vmem_shared>> -> memref<80x128xf32, #tpu.memory_space<vmem_shared>>
        %dma_wait3A_160 = arith.constant 0 : i32
        %dma_wait3A_161 = tpu.memref_slice %arg16[%mul3A_144, %dma_wait3A_160] : memref<10000x128xf32, #tpu.memory_space<vmem_shared>> -> memref<80x128xf32, #tpu.memory_space<vmem_shared>>
        %dma_wait3A_162 = arith.constant 0 : i32
        %dma_wait3A_163 = arith.constant 0 : i32
        %dma_wait3A_164 = tpu.memref_slice %arg8[%dma_wait3A_162, %dma_wait3A_163] : memref<128x128xf32, #tpu.memory_space<vmem>> -> memref<80x128xf32, #tpu.memory_space<vmem>>
        tpu.wait_dma2 semaphore(%run_scoped3A_145 : memref<!tpu.dma_semaphore, #tpu.memory_space<semaphore_mem>>) src(%dma_wait3A_164 : memref<80x128xf32, #tpu.memory_space<vmem>>) dst(%dma_wait3A_161 : memref<80x128xf32, #tpu.memory_space<vmem_shared>>)
        tpu.yield
      }) : () -> ()
    } else {
    }
    %add3A_12 = arith.constant 16 : i32
    %add3A_13 = arith.addi %arg1, %add3A_12 : i32
    %lt3A_14 = arith.constant 125 : i32
    %lt3A_15 = arith.cmpi slt, %add3A_13, %lt3A_14 : i32
    %convert_element_type3A_16 = arith.extui %lt3A_15 : i1 to i32
    %cond3A_17 = arith.constant 0 : i32
    %cond3A_18 = arith.cmpi ne, %convert_element_type3A_16, %cond3A_17 : i32
    scf.if %cond3A_18 {
      %mul3A_143 = arith.constant 80 : i32
      %mul3A_144 = arith.muli %add3A_13, %mul3A_143 : i32
      "tpu.region"() ({
        %run_scoped3A_145 = tpu.sem_alloc : memref<!tpu.dma_semaphore, #tpu.memory_space<semaphore_mem>>
        %dma_start3A_146 = arith.constant 0 : i32
        %dma_start3A_147 = arith.constant 0 : i32
        %dma_start3A_148 = tpu.memref_slice %arg8[%dma_start3A_146, %dma_start3A_147] : memref<128x128xf32, #tpu.memory_space<vmem>> -> memref<80x128xf32, #tpu.memory_space<vmem>>
        %dma_start3A_149 = arith.constant 0 : i32
        %dma_start3A_150 = tpu.memref_slice %arg16[%mul3A_144, %dma_start3A_149] : memref<10000x128xf32, #tpu.memory_space<vmem_shared>> -> memref<80x128xf32, #tpu.memory_space<vmem_shared>>
        %dma_start3A_151 = arith.constant 0 : i32
        %dma_start3A_152 = tpu.memref_slice %arg16[%mul3A_144, %dma_start3A_151] : memref<10000x128xf32, #tpu.memory_space<vmem_shared>> -> memref<80x128xf32, #tpu.memory_space<vmem_shared>>
        %dma_start3A_153 = arith.constant 0 : i32
        %dma_start3A_154 = arith.constant 0 : i32
        %dma_start3A_155 = tpu.memref_slice %arg8[%dma_start3A_153, %dma_start3A_154] : memref<128x128xf32, #tpu.memory_space<vmem>> -> memref<80x128xf32, #tpu.memory_space<vmem>>
        tpu.enqueue_dma source(%dma_start3A_155 : memref<80x128xf32, #tpu.memory_space<vmem>>) target(%dma_start3A_152 : memref<80x128xf32, #tpu.memory_space<vmem_shared>>) target_semaphore(%run_scoped3A_145 : memref<!tpu.dma_semaphore, #tpu.memory_space<semaphore_mem>>)
        %dma_wait3A = arith.constant 0 : i32
        %dma_wait3A_156 = arith.constant 0 : i32
        %dma_wait3A_157 = tpu.memref_slice %arg8[%dma_wait3A, %dma_wait3A_156] : memref<128x128xf32, #tpu.memory_space<vmem>> -> memref<80x128xf32, #tpu.memory_space<vmem>>
        %dma_wait3A_158 = arith.constant 0 : i32
        %dma_wait3A_159 = tpu.memref_slice %arg16[%mul3A_144, %dma_wait3A_158] : memref<10000x128xf32, #tpu.memory_space<vmem_shared>> -> memref<80x128xf32, #tpu.memory_space<vmem_shared>>
        %dma_wait3A_160 = arith.constant 0 : i32
        %dma_wait3A_161 = tpu.memref_slice %arg16[%mul3A_144, %dma_wait3A_160] : memref<10000x128xf32, #tpu.memory_space<vmem_shared>> -> memref<80x128xf32, #tpu.memory_space<vmem_shared>>
        %dma_wait3A_162 = arith.constant 0 : i32
        %dma_wait3A_163 = arith.constant 0 : i32
        %dma_wait3A_164 = tpu.memref_slice %arg8[%dma_wait3A_162, %dma_wait3A_163] : memref<128x128xf32, #tpu.memory_space<vmem>> -> memref<80x128xf32, #tpu.memory_space<vmem>>
        tpu.wait_dma2 semaphore(%run_scoped3A_145 : memref<!tpu.dma_semaphore, #tpu.memory_space<semaphore_mem>>) src(%dma_wait3A_164 : memref<80x128xf32, #tpu.memory_space<vmem>>) dst(%dma_wait3A_161 : memref<80x128xf32, #tpu.memory_space<vmem_shared>>)
        tpu.yield
      }) : () -> ()
    } else {
    }
    %add3A_19 = arith.constant 32 : i32
    %add3A_20 = arith.addi %arg1, %add3A_19 : i32
    %lt3A_21 = arith.constant 125 : i32
    %lt3A_22 = arith.cmpi slt, %add3A_20, %lt3A_21 : i32
    %convert_element_type3A_23 = arith.extui %lt3A_22 : i1 to i32
    %cond3A_24 = arith.constant 0 : i32
    %cond3A_25 = arith.cmpi ne, %convert_element_type3A_23, %cond3A_24 : i32
    scf.if %cond3A_25 {
      %mul3A_143 = arith.constant 80 : i32
      %mul3A_144 = arith.muli %add3A_20, %mul3A_143 : i32
      "tpu.region"() ({
        %run_scoped3A_145 = tpu.sem_alloc : memref<!tpu.dma_semaphore, #tpu.memory_space<semaphore_mem>>
        %dma_start3A_146 = arith.constant 0 : i32
        %dma_start3A_147 = arith.constant 0 : i32
        %dma_start3A_148 = tpu.memref_slice %arg8[%dma_start3A_146, %dma_start3A_147] : memref<128x128xf32, #tpu.memory_space<vmem>> -> memref<80x128xf32, #tpu.memory_space<vmem>>
        %dma_start3A_149 = arith.constant 0 : i32
        %dma_start3A_150 = tpu.memref_slice %arg16[%mul3A_144, %dma_start3A_149] : memref<10000x128xf32, #tpu.memory_space<vmem_shared>> -> memref<80x128xf32, #tpu.memory_space<vmem_shared>>
        %dma_start3A_151 = arith.constant 0 : i32
        %dma_start3A_152 = tpu.memref_slice %arg16[%mul3A_144, %dma_start3A_151] : memref<10000x128xf32, #tpu.memory_space<vmem_shared>> -> memref<80x128xf32, #tpu.memory_space<vmem_shared>>
        %dma_start3A_153 = arith.constant 0 : i32
        %dma_start3A_154 = arith.constant 0 : i32
        %dma_start3A_155 = tpu.memref_slice %arg8[%dma_start3A_153, %dma_start3A_154] : memref<128x128xf32, #tpu.memory_space<vmem>> -> memref<80x128xf32, #tpu.memory_space<vmem>>
        tpu.enqueue_dma source(%dma_start3A_155 : memref<80x128xf32, #tpu.memory_space<vmem>>) target(%dma_start3A_152 : memref<80x128xf32, #tpu.memory_space<vmem_shared>>) target_semaphore(%run_scoped3A_145 : memref<!tpu.dma_semaphore, #tpu.memory_space<semaphore_mem>>)
        %dma_wait3A = arith.constant 0 : i32
        %dma_wait3A_156 = arith.constant 0 : i32
        %dma_wait3A_157 = tpu.memref_slice %arg8[%dma_wait3A, %dma_wait3A_156] : memref<128x128xf32, #tpu.memory_space<vmem>> -> memref<80x128xf32, #tpu.memory_space<vmem>>
        %dma_wait3A_158 = arith.constant 0 : i32
        %dma_wait3A_159 = tpu.memref_slice %arg16[%mul3A_144, %dma_wait3A_158] : memref<10000x128xf32, #tpu.memory_space<vmem_shared>> -> memref<80x128xf32, #tpu.memory_space<vmem_shared>>
        %dma_wait3A_160 = arith.constant 0 : i32
        %dma_wait3A_161 = tpu.memref_slice %arg16[%mul3A_144, %dma_wait3A_160] : memref<10000x128xf32, #tpu.memory_space<vmem_shared>> -> memref<80x128xf32, #tpu.memory_space<vmem_shared>>
        %dma_wait3A_162 = arith.constant 0 : i32
        %dma_wait3A_163 = arith.constant 0 : i32
        %dma_wait3A_164 = tpu.memref_slice %arg8[%dma_wait3A_162, %dma_wait3A_163] : memref<128x128xf32, #tpu.memory_space<vmem>> -> memref<80x128xf32, #tpu.memory_space<vmem>>
        tpu.wait_dma2 semaphore(%run_scoped3A_145 : memref<!tpu.dma_semaphore, #tpu.memory_space<semaphore_mem>>) src(%dma_wait3A_164 : memref<80x128xf32, #tpu.memory_space<vmem>>) dst(%dma_wait3A_161 : memref<80x128xf32, #tpu.memory_space<vmem_shared>>)
        tpu.yield
      }) : () -> ()
    } else {
    }
    %add3A_26 = arith.constant 48 : i32
    %add3A_27 = arith.addi %arg1, %add3A_26 : i32
    %lt3A_28 = arith.constant 125 : i32
    %lt3A_29 = arith.cmpi slt, %add3A_27, %lt3A_28 : i32
    %convert_element_type3A_30 = arith.extui %lt3A_29 : i1 to i32
    %cond3A_31 = arith.constant 0 : i32
    %cond3A_32 = arith.cmpi ne, %convert_element_type3A_30, %cond3A_31 : i32
    scf.if %cond3A_32 {
      %mul3A_143 = arith.constant 80 : i32
      %mul3A_144 = arith.muli %add3A_27, %mul3A_143 : i32
      "tpu.region"() ({
        %run_scoped3A_145 = tpu.sem_alloc : memref<!tpu.dma_semaphore, #tpu.memory_space<semaphore_mem>>
        %dma_start3A_146 = arith.constant 0 : i32
        %dma_start3A_147 = arith.constant 0 : i32
        %dma_start3A_148 = tpu.memref_slice %arg8[%dma_start3A_146, %dma_start3A_147] : memref<128x128xf32, #tpu.memory_space<vmem>> -> memref<80x128xf32, #tpu.memory_space<vmem>>
        %dma_start3A_149 = arith.constant 0 : i32
        %dma_start3A_150 = tpu.memref_slice %arg16[%mul3A_144, %dma_start3A_149] : memref<10000x128xf32, #tpu.memory_space<vmem_shared>> -> memref<80x128xf32, #tpu.memory_space<vmem_shared>>
        %dma_start3A_151 = arith.constant 0 : i32
        %dma_start3A_152 = tpu.memref_slice %arg16[%mul3A_144, %dma_start3A_151] : memref<10000x128xf32, #tpu.memory_space<vmem_shared>> -> memref<80x128xf32, #tpu.memory_space<vmem_shared>>
        %dma_start3A_153 = arith.constant 0 : i32
        %dma_start3A_154 = arith.constant 0 : i32
        %dma_start3A_155 = tpu.memref_slice %arg8[%dma_start3A_153, %dma_start3A_154] : memref<128x128xf32, #tpu.memory_space<vmem>> -> memref<80x128xf32, #tpu.memory_space<vmem>>
        tpu.enqueue_dma source(%dma_start3A_155 : memref<80x128xf32, #tpu.memory_space<vmem>>) target(%dma_start3A_152 : memref<80x128xf32, #tpu.memory_space<vmem_shared>>) target_semaphore(%run_scoped3A_145 : memref<!tpu.dma_semaphore, #tpu.memory_space<semaphore_mem>>)
        %dma_wait3A = arith.constant 0 : i32
        %dma_wait3A_156 = arith.constant 0 : i32
        %dma_wait3A_157 = tpu.memref_slice %arg8[%dma_wait3A, %dma_wait3A_156] : memref<128x128xf32, #tpu.memory_space<vmem>> -> memref<80x128xf32, #tpu.memory_space<vmem>>
        %dma_wait3A_158 = arith.constant 0 : i32
        %dma_wait3A_159 = tpu.memref_slice %arg16[%mul3A_144, %dma_wait3A_158] : memref<10000x128xf32, #tpu.memory_space<vmem_shared>> -> memref<80x128xf32, #tpu.memory_space<vmem_shared>>
        %dma_wait3A_160 = arith.constant 0 : i32
        %dma_wait3A_161 = tpu.memref_slice %arg16[%mul3A_144, %dma_wait3A_160] : memref<10000x128xf32, #tpu.memory_space<vmem_shared>> -> memref<80x128xf32, #tpu.memory_space<vmem_shared>>
        %dma_wait3A_162 = arith.constant 0 : i32
        %dma_wait3A_163 = arith.constant 0 : i32
        %dma_wait3A_164 = tpu.memref_slice %arg8[%dma_wait3A_162, %dma_wait3A_163] : memref<128x128xf32, #tpu.memory_space<vmem>> -> memref<80x128xf32, #tpu.memory_space<vmem>>
        tpu.wait_dma2 semaphore(%run_scoped3A_145 : memref<!tpu.dma_semaphore, #tpu.memory_space<semaphore_mem>>) src(%dma_wait3A_164 : memref<80x128xf32, #tpu.memory_space<vmem>>) dst(%dma_wait3A_161 : memref<80x128xf32, #tpu.memory_space<vmem_shared>>)
        tpu.yield
      }) : () -> ()
    } else {
    }
    %add3A_33 = arith.constant 64 : i32
    %add3A_34 = arith.addi %arg1, %add3A_33 : i32
    %lt3A_35 = arith.constant 125 : i32
    %lt3A_36 = arith.cmpi slt, %add3A_34, %lt3A_35 : i32
    %convert_element_type3A_37 = arith.extui %lt3A_36 : i1 to i32
    %cond3A_38 = arith.constant 0 : i32
    %cond3A_39 = arith.cmpi ne, %convert_element_type3A_37, %cond3A_38 : i32
    scf.if %cond3A_39 {
      %mul3A_143 = arith.constant 80 : i32
      %mul3A_144 = arith.muli %add3A_34, %mul3A_143 : i32
      "tpu.region"() ({
        %run_scoped3A_145 = tpu.sem_alloc : memref<!tpu.dma_semaphore, #tpu.memory_space<semaphore_mem>>
        %dma_start3A_146 = arith.constant 0 : i32
        %dma_start3A_147 = arith.constant 0 : i32
        %dma_start3A_148 = tpu.memref_slice %arg8[%dma_start3A_146, %dma_start3A_147] : memref<128x128xf32, #tpu.memory_space<vmem>> -> memref<80x128xf32, #tpu.memory_space<vmem>>
        %dma_start3A_149 = arith.constant 0 : i32
        %dma_start3A_150 = tpu.memref_slice %arg16[%mul3A_144, %dma_start3A_149] : memref<10000x128xf32, #tpu.memory_space<vmem_shared>> -> memref<80x128xf32, #tpu.memory_space<vmem_shared>>
        %dma_start3A_151 = arith.constant 0 : i32
        %dma_start3A_152 = tpu.memref_slice %arg16[%mul3A_144, %dma_start3A_151] : memref<10000x128xf32, #tpu.memory_space<vmem_shared>> -> memref<80x128xf32, #tpu.memory_space<vmem_shared>>
        %dma_start3A_153 = arith.constant 0 : i32
        %dma_start3A_154 = arith.constant 0 : i32
        %dma_start3A_155 = tpu.memref_slice %arg8[%dma_start3A_153, %dma_start3A_154] : memref<128x128xf32, #tpu.memory_space<vmem>> -> memref<80x128xf32, #tpu.memory_space<vmem>>
        tpu.enqueue_dma source(%dma_start3A_155 : memref<80x128xf32, #tpu.memory_space<vmem>>) target(%dma_start3A_152 : memref<80x128xf32, #tpu.memory_space<vmem_shared>>) target_semaphore(%run_scoped3A_145 : memref<!tpu.dma_semaphore, #tpu.memory_space<semaphore_mem>>)
        %dma_wait3A = arith.constant 0 : i32
        %dma_wait3A_156 = arith.constant 0 : i32
        %dma_wait3A_157 = tpu.memref_slice %arg8[%dma_wait3A, %dma_wait3A_156] : memref<128x128xf32, #tpu.memory_space<vmem>> -> memref<80x128xf32, #tpu.memory_space<vmem>>
        %dma_wait3A_158 = arith.constant 0 : i32
        %dma_wait3A_159 = tpu.memref_slice %arg16[%mul3A_144, %dma_wait3A_158] : memref<10000x128xf32, #tpu.memory_space<vmem_shared>> -> memref<80x128xf32, #tpu.memory_space<vmem_shared>>
        %dma_wait3A_160 = arith.constant 0 : i32
        %dma_wait3A_161 = tpu.memref_slice %arg16[%mul3A_144, %dma_wait3A_160] : memref<10000x128xf32, #tpu.memory_space<vmem_shared>> -> memref<80x128xf32, #tpu.memory_space<vmem_shared>>
        %dma_wait3A_162 = arith.constant 0 : i32
        %dma_wait3A_163 = arith.constant 0 : i32
        %dma_wait3A_164 = tpu.memref_slice %arg8[%dma_wait3A_162, %dma_wait3A_163] : memref<128x128xf32, #tpu.memory_space<vmem>> -> memref<80x128xf32, #tpu.memory_space<vmem>>
        tpu.wait_dma2 semaphore(%run_scoped3A_145 : memref<!tpu.dma_semaphore, #tpu.memory_space<semaphore_mem>>) src(%dma_wait3A_164 : memref<80x128xf32, #tpu.memory_space<vmem>>) dst(%dma_wait3A_161 : memref<80x128xf32, #tpu.memory_space<vmem_shared>>)
        tpu.yield
      }) : () -> ()
    } else {
    }
    %add3A_40 = arith.constant 80 : i32
    %add3A_41 = arith.addi %arg1, %add3A_40 : i32
    %lt3A_42 = arith.constant 125 : i32
    %lt3A_43 = arith.cmpi slt, %add3A_41, %lt3A_42 : i32
    %convert_element_type3A_44 = arith.extui %lt3A_43 : i1 to i32
    %cond3A_45 = arith.constant 0 : i32
    %cond3A_46 = arith.cmpi ne, %convert_element_type3A_44, %cond3A_45 : i32
    scf.if %cond3A_46 {
      %mul3A_143 = arith.constant 80 : i32
      %mul3A_144 = arith.muli %add3A_41, %mul3A_143 : i32
      "tpu.region"() ({
        %run_scoped3A_145 = tpu.sem_alloc : memref<!tpu.dma_semaphore, #tpu.memory_space<semaphore_mem>>
        %dma_start3A_146 = arith.constant 0 : i32
        %dma_start3A_147 = arith.constant 0 : i32
        %dma_start3A_148 = tpu.memref_slice %arg8[%dma_start3A_146, %dma_start3A_147] : memref<128x128xf32, #tpu.memory_space<vmem>> -> memref<80x128xf32, #tpu.memory_space<vmem>>
        %dma_start3A_149 = arith.constant 0 : i32
        %dma_start3A_150 = tpu.memref_slice %arg16[%mul3A_144, %dma_start3A_149] : memref<10000x128xf32, #tpu.memory_space<vmem_shared>> -> memref<80x128xf32, #tpu.memory_space<vmem_shared>>
        %dma_start3A_151 = arith.constant 0 : i32
        %dma_start3A_152 = tpu.memref_slice %arg16[%mul3A_144, %dma_start3A_151] : memref<10000x128xf32, #tpu.memory_space<vmem_shared>> -> memref<80x128xf32, #tpu.memory_space<vmem_shared>>
        %dma_start3A_153 = arith.constant 0 : i32
        %dma_start3A_154 = arith.constant 0 : i32
        %dma_start3A_155 = tpu.memref_slice %arg8[%dma_start3A_153, %dma_start3A_154] : memref<128x128xf32, #tpu.memory_space<vmem>> -> memref<80x128xf32, #tpu.memory_space<vmem>>
        tpu.enqueue_dma source(%dma_start3A_155 : memref<80x128xf32, #tpu.memory_space<vmem>>) target(%dma_start3A_152 : memref<80x128xf32, #tpu.memory_space<vmem_shared>>) target_semaphore(%run_scoped3A_145 : memref<!tpu.dma_semaphore, #tpu.memory_space<semaphore_mem>>)
        %dma_wait3A = arith.constant 0 : i32
        %dma_wait3A_156 = arith.constant 0 : i32
        %dma_wait3A_157 = tpu.memref_slice %arg8[%dma_wait3A, %dma_wait3A_156] : memref<128x128xf32, #tpu.memory_space<vmem>> -> memref<80x128xf32, #tpu.memory_space<vmem>>
        %dma_wait3A_158 = arith.constant 0 : i32
        %dma_wait3A_159 = tpu.memref_slice %arg16[%mul3A_144, %dma_wait3A_158] : memref<10000x128xf32, #tpu.memory_space<vmem_shared>> -> memref<80x128xf32, #tpu.memory_space<vmem_shared>>
        %dma_wait3A_160 = arith.constant 0 : i32
        %dma_wait3A_161 = tpu.memref_slice %arg16[%mul3A_144, %dma_wait3A_160] : memref<10000x128xf32, #tpu.memory_space<vmem_shared>> -> memref<80x128xf32, #tpu.memory_space<vmem_shared>>
        %dma_wait3A_162 = arith.constant 0 : i32
        %dma_wait3A_163 = arith.constant 0 : i32
        %dma_wait3A_164 = tpu.memref_slice %arg8[%dma_wait3A_162, %dma_wait3A_163] : memref<128x128xf32, #tpu.memory_space<vmem>> -> memref<80x128xf32, #tpu.memory_space<vmem>>
        tpu.wait_dma2 semaphore(%run_scoped3A_145 : memref<!tpu.dma_semaphore, #tpu.memory_space<semaphore_mem>>) src(%dma_wait3A_164 : memref<80x128xf32, #tpu.memory_space<vmem>>) dst(%dma_wait3A_161 : memref<80x128xf32, #tpu.memory_space<vmem_shared>>)
        tpu.yield
      }) : () -> ()
    } else {
    }
    %add3A_47 = arith.constant 96 : i32
    %add3A_48 = arith.addi %arg1, %add3A_47 : i32
    %lt3A_49 = arith.constant 125 : i32
    %lt3A_50 = arith.cmpi slt, %add3A_48, %lt3A_49 : i32
    %convert_element_type3A_51 = arith.extui %lt3A_50 : i1 to i32
    %cond3A_52 = arith.constant 0 : i32
    %cond3A_53 = arith.cmpi ne, %convert_element_type3A_51, %cond3A_52 : i32
    scf.if %cond3A_53 {
      %mul3A_143 = arith.constant 80 : i32
      %mul3A_144 = arith.muli %add3A_48, %mul3A_143 : i32
      "tpu.region"() ({
        %run_scoped3A_145 = tpu.sem_alloc : memref<!tpu.dma_semaphore, #tpu.memory_space<semaphore_mem>>
        %dma_start3A_146 = arith.constant 0 : i32
        %dma_start3A_147 = arith.constant 0 : i32
        %dma_start3A_148 = tpu.memref_slice %arg8[%dma_start3A_146, %dma_start3A_147] : memref<128x128xf32, #tpu.memory_space<vmem>> -> memref<80x128xf32, #tpu.memory_space<vmem>>
        %dma_start3A_149 = arith.constant 0 : i32
        %dma_start3A_150 = tpu.memref_slice %arg16[%mul3A_144, %dma_start3A_149] : memref<10000x128xf32, #tpu.memory_space<vmem_shared>> -> memref<80x128xf32, #tpu.memory_space<vmem_shared>>
        %dma_start3A_151 = arith.constant 0 : i32
        %dma_start3A_152 = tpu.memref_slice %arg16[%mul3A_144, %dma_start3A_151] : memref<10000x128xf32, #tpu.memory_space<vmem_shared>> -> memref<80x128xf32, #tpu.memory_space<vmem_shared>>
        %dma_start3A_153 = arith.constant 0 : i32
        %dma_start3A_154 = arith.constant 0 : i32
        %dma_start3A_155 = tpu.memref_slice %arg8[%dma_start3A_153, %dma_start3A_154] : memref<128x128xf32, #tpu.memory_space<vmem>> -> memref<80x128xf32, #tpu.memory_space<vmem>>
        tpu.enqueue_dma source(%dma_start3A_155 : memref<80x128xf32, #tpu.memory_space<vmem>>) target(%dma_start3A_152 : memref<80x128xf32, #tpu.memory_space<vmem_shared>>) target_semaphore(%run_scoped3A_145 : memref<!tpu.dma_semaphore, #tpu.memory_space<semaphore_mem>>)
        %dma_wait3A = arith.constant 0 : i32
        %dma_wait3A_156 = arith.constant 0 : i32
        %dma_wait3A_157 = tpu.memref_slice %arg8[%dma_wait3A, %dma_wait3A_156] : memref<128x128xf32, #tpu.memory_space<vmem>> -> memref<80x128xf32, #tpu.memory_space<vmem>>
        %dma_wait3A_158 = arith.constant 0 : i32
        %dma_wait3A_159 = tpu.memref_slice %arg16[%mul3A_144, %dma_wait3A_158] : memref<10000x128xf32, #tpu.memory_space<vmem_shared>> -> memref<80x128xf32, #tpu.memory_space<vmem_shared>>
        %dma_wait3A_160 = arith.constant 0 : i32
        %dma_wait3A_161 = tpu.memref_slice %arg16[%mul3A_144, %dma_wait3A_160] : memref<10000x128xf32, #tpu.memory_space<vmem_shared>> -> memref<80x128xf32, #tpu.memory_space<vmem_shared>>
        %dma_wait3A_162 = arith.constant 0 : i32
        %dma_wait3A_163 = arith.constant 0 : i32
        %dma_wait3A_164 = tpu.memref_slice %arg8[%dma_wait3A_162, %dma_wait3A_163] : memref<128x128xf32, #tpu.memory_space<vmem>> -> memref<80x128xf32, #tpu.memory_space<vmem>>
        tpu.wait_dma2 semaphore(%run_scoped3A_145 : memref<!tpu.dma_semaphore, #tpu.memory_space<semaphore_mem>>) src(%dma_wait3A_164 : memref<80x128xf32, #tpu.memory_space<vmem>>) dst(%dma_wait3A_161 : memref<80x128xf32, #tpu.memory_space<vmem_shared>>)
        tpu.yield
      }) : () -> ()
    } else {
    }
    %add3A_54 = arith.constant 112 : i32
    %add3A_55 = arith.addi %arg1, %add3A_54 : i32
    %lt3A_56 = arith.constant 125 : i32
    %lt3A_57 = arith.cmpi slt, %add3A_55, %lt3A_56 : i32
    %convert_element_type3A_58 = arith.extui %lt3A_57 : i1 to i32
    %cond3A_59 = arith.constant 0 : i32
    %cond3A_60 = arith.cmpi ne, %convert_element_type3A_58, %cond3A_59 : i32
    scf.if %cond3A_60 {
      %mul3A_143 = arith.constant 80 : i32
      %mul3A_144 = arith.muli %add3A_55, %mul3A_143 : i32
      "tpu.region"() ({
        %run_scoped3A_145 = tpu.sem_alloc : memref<!tpu.dma_semaphore, #tpu.memory_space<semaphore_mem>>
        %dma_start3A_146 = arith.constant 0 : i32
        %dma_start3A_147 = arith.constant 0 : i32
        %dma_start3A_148 = tpu.memref_slice %arg8[%dma_start3A_146, %dma_start3A_147] : memref<128x128xf32, #tpu.memory_space<vmem>> -> memref<80x128xf32, #tpu.memory_space<vmem>>
        %dma_start3A_149 = arith.constant 0 : i32
        %dma_start3A_150 = tpu.memref_slice %arg16[%mul3A_144, %dma_start3A_149] : memref<10000x128xf32, #tpu.memory_space<vmem_shared>> -> memref<80x128xf32, #tpu.memory_space<vmem_shared>>
        %dma_start3A_151 = arith.constant 0 : i32
        %dma_start3A_152 = tpu.memref_slice %arg16[%mul3A_144, %dma_start3A_151] : memref<10000x128xf32, #tpu.memory_space<vmem_shared>> -> memref<80x128xf32, #tpu.memory_space<vmem_shared>>
        %dma_start3A_153 = arith.constant 0 : i32
        %dma_start3A_154 = arith.constant 0 : i32
        %dma_start3A_155 = tpu.memref_slice %arg8[%dma_start3A_153, %dma_start3A_154] : memref<128x128xf32, #tpu.memory_space<vmem>> -> memref<80x128xf32, #tpu.memory_space<vmem>>
        tpu.enqueue_dma source(%dma_start3A_155 : memref<80x128xf32, #tpu.memory_space<vmem>>) target(%dma_start3A_152 : memref<80x128xf32, #tpu.memory_space<vmem_shared>>) target_semaphore(%run_scoped3A_145 : memref<!tpu.dma_semaphore, #tpu.memory_space<semaphore_mem>>)
        %dma_wait3A = arith.constant 0 : i32
        %dma_wait3A_156 = arith.constant 0 : i32
        %dma_wait3A_157 = tpu.memref_slice %arg8[%dma_wait3A, %dma_wait3A_156] : memref<128x128xf32, #tpu.memory_space<vmem>> -> memref<80x128xf32, #tpu.memory_space<vmem>>
        %dma_wait3A_158 = arith.constant 0 : i32
        %dma_wait3A_159 = tpu.memref_slice %arg16[%mul3A_144, %dma_wait3A_158] : memref<10000x128xf32, #tpu.memory_space<vmem_shared>> -> memref<80x128xf32, #tpu.memory_space<vmem_shared>>
        %dma_wait3A_160 = arith.constant 0 : i32
        %dma_wait3A_161 = tpu.memref_slice %arg16[%mul3A_144, %dma_wait3A_160] : memref<10000x128xf32, #tpu.memory_space<vmem_shared>> -> memref<80x128xf32, #tpu.memory_space<vmem_shared>>
        %dma_wait3A_162 = arith.constant 0 : i32
        %dma_wait3A_163 = arith.constant 0 : i32
        %dma_wait3A_164 = tpu.memref_slice %arg8[%dma_wait3A_162, %dma_wait3A_163] : memref<128x128xf32, #tpu.memory_space<vmem>> -> memref<80x128xf32, #tpu.memory_space<vmem>>
        tpu.wait_dma2 semaphore(%run_scoped3A_145 : memref<!tpu.dma_semaphore, #tpu.memory_space<semaphore_mem>>) src(%dma_wait3A_164 : memref<80x128xf32, #tpu.memory_space<vmem>>) dst(%dma_wait3A_161 : memref<80x128xf32, #tpu.memory_space<vmem_shared>>)
        tpu.yield
      }) : () -> ()
    } else {
    }
    %barrier3A = arith.constant 0 : index
    tpu.barrier barrier_id(%barrier3A)
    %mul3A_61 = arith.constant 39 : i32
    %mul3A_62 = arith.muli %add3A, %mul3A_61 : i32
    %mul3A_63 = arith.constant 128 : i32
    %mul3A_64 = arith.muli %mul3A_62, %mul3A_63 : i32
    %dma_start3A = arith.constant 0 : i32
    %dma_start3A_65 = tpu.memref_slice %arg3[%mul3A_64, %dma_start3A] : memref<160000x128xi32, #tpu.memory_space<hbm>> -> memref<128x128xi32, #tpu.memory_space<hbm>>
    %dma_start3A_66 = arith.constant 0 : i32
    %dma_start3A_67 = tpu.memref_slice %arg3[%mul3A_64, %dma_start3A_66] : memref<160000x128xi32, #tpu.memory_space<hbm>> -> memref<128x128xi32, #tpu.memory_space<hbm>>
    tpu.enqueue_dma source(%dma_start3A_67 : memref<128x128xi32, #tpu.memory_space<hbm>>) target(%arg14 : memref<128x128xi32, #tpu.memory_space<vmem>>) target_semaphore(%arg15 : memref<!tpu.dma_semaphore, #tpu.memory_space<semaphore_mem>>)
    %mul3A_68 = arith.constant 128 : i32
    %mul3A_69 = arith.muli %mul3A_62, %mul3A_68 : i32
    %run_scoped3A = arith.constant 0 : i32
    "tpu.region"() ({
      %run_scoped3A_143 = tpu.sem_alloc : memref<!tpu.dma_semaphore, #tpu.memory_space<semaphore_mem>>
      %dma_start3A_144 = tpu.memref_slice %arg4[%run_scoped3A, %mul3A_69] : memref<2x320000xi32, #tpu.memory_space<hbm>> -> memref<1x128xi32, #tpu.memory_space<hbm>>
      %dma_start3A_145 = tpu.memref_squeeze %dma_start3A_144 : memref<1x128xi32, #tpu.memory_space<hbm>> -> memref<128xi32, #tpu.memory_space<hbm>>
      %dma_start3A_146 = tpu.memref_slice %arg4[%run_scoped3A, %mul3A_69] : memref<2x320000xi32, #tpu.memory_space<hbm>> -> memref<1x128xi32, #tpu.memory_space<hbm>>
      %dma_start3A_147 = tpu.memref_squeeze %dma_start3A_146 : memref<1x128xi32, #tpu.memory_space<hbm>> -> memref<128xi32, #tpu.memory_space<hbm>>
      tpu.enqueue_dma source(%dma_start3A_147 : memref<128xi32, #tpu.memory_space<hbm>>) target(%arg6 : memref<128xi32, #tpu.memory_space<vmem>>) target_semaphore(%run_scoped3A_143 : memref<!tpu.dma_semaphore, #tpu.memory_space<semaphore_mem>>)
      %dma_wait3A = tpu.memref_slice %arg4[%run_scoped3A, %mul3A_69] : memref<2x320000xi32, #tpu.memory_space<hbm>> -> memref<1x128xi32, #tpu.memory_space<hbm>>
      %dma_wait3A_148 = tpu.memref_squeeze %dma_wait3A : memref<1x128xi32, #tpu.memory_space<hbm>> -> memref<128xi32, #tpu.memory_space<hbm>>
      %dma_wait3A_149 = tpu.memref_slice %arg4[%run_scoped3A, %mul3A_69] : memref<2x320000xi32, #tpu.memory_space<hbm>> -> memref<1x128xi32, #tpu.memory_space<hbm>>
      %dma_wait3A_150 = tpu.memref_squeeze %dma_wait3A_149 : memref<1x128xi32, #tpu.memory_space<hbm>> -> memref<128xi32, #tpu.memory_space<hbm>>
      tpu.wait_dma2 semaphore(%run_scoped3A_143 : memref<!tpu.dma_semaphore, #tpu.memory_space<semaphore_mem>>) src(%dma_wait3A_150 : memref<128xi32, #tpu.memory_space<hbm>>) dst(%arg6 : memref<128xi32, #tpu.memory_space<vmem>>)
      tpu.yield
    }) : () -> ()
    %run_scoped3A_70 = arith.constant 1 : i32
    "tpu.region"() ({
      %run_scoped3A_143 = tpu.sem_alloc : memref<!tpu.dma_semaphore, #tpu.memory_space<semaphore_mem>>
      %dma_start3A_144 = tpu.memref_slice %arg4[%run_scoped3A_70, %mul3A_69] : memref<2x320000xi32, #tpu.memory_space<hbm>> -> memref<1x128xi32, #tpu.memory_space<hbm>>
      %dma_start3A_145 = tpu.memref_squeeze %dma_start3A_144 : memref<1x128xi32, #tpu.memory_space<hbm>> -> memref<128xi32, #tpu.memory_space<hbm>>
      %dma_start3A_146 = tpu.memref_slice %arg4[%run_scoped3A_70, %mul3A_69] : memref<2x320000xi32, #tpu.memory_space<hbm>> -> memref<1x128xi32, #tpu.memory_space<hbm>>
      %dma_start3A_147 = tpu.memref_squeeze %dma_start3A_146 : memref<1x128xi32, #tpu.memory_space<hbm>> -> memref<128xi32, #tpu.memory_space<hbm>>
      tpu.enqueue_dma source(%dma_start3A_147 : memref<128xi32, #tpu.memory_space<hbm>>) target(%arg7 : memref<128xi32, #tpu.memory_space<vmem>>) target_semaphore(%run_scoped3A_143 : memref<!tpu.dma_semaphore, #tpu.memory_space<semaphore_mem>>)
      %dma_wait3A = tpu.memref_slice %arg4[%run_scoped3A_70, %mul3A_69] : memref<2x320000xi32, #tpu.memory_space<hbm>> -> memref<1x128xi32, #tpu.memory_space<hbm>>
      %dma_wait3A_148 = tpu.memref_squeeze %dma_wait3A : memref<1x128xi32, #tpu.memory_space<hbm>> -> memref<128xi32, #tpu.memory_space<hbm>>
      %dma_wait3A_149 = tpu.memref_slice %arg4[%run_scoped3A_70, %mul3A_69] : memref<2x320000xi32, #tpu.memory_space<hbm>> -> memref<1x128xi32, #tpu.memory_space<hbm>>
      %dma_wait3A_150 = tpu.memref_squeeze %dma_wait3A_149 : memref<1x128xi32, #tpu.memory_space<hbm>> -> memref<128xi32, #tpu.memory_space<hbm>>
      tpu.wait_dma2 semaphore(%run_scoped3A_143 : memref<!tpu.dma_semaphore, #tpu.memory_space<semaphore_mem>>) src(%dma_wait3A_150 : memref<128xi32, #tpu.memory_space<hbm>>) dst(%arg7 : memref<128xi32, #tpu.memory_space<vmem>>)
      tpu.yield
    }) : () -> ()
    %dma_start3A_71 = arith.constant 0 : i32
    %dma_start3A_72 = arith.constant 0 : i32
    %dma_start3A_73 = tpu.memref_slice %arg2[%dma_start3A_71, %dma_start3A_72] : memref<10000x128xf32, #tpu.memory_space<hbm>> -> memref<10000x128xf32, #tpu.memory_space<hbm>>
    tpu.enqueue_indirect_dma source(%dma_start3A_73 : memref<10000x128xf32, #tpu.memory_space<hbm>>) target(%arg8 : memref<128x128xf32, #tpu.memory_space<vmem>>) offsets(%arg6 : memref<128xi32, #tpu.memory_space<vmem>>) semaphore(%arg9 : memref<!tpu.dma_semaphore, #tpu.memory_space<semaphore_mem>>)
    %scan3A_74 = arith.constant 0 : i32
    %scan3A_75 = arith.constant 0 : i32
    %scan3A_76 = arith.constant 39 : i32
    %scan3A_77 = arith.addi %scan3A_75, %scan3A_76 : i32
    %scan3A_78 = arith.constant 1 : i32
    %scan3A_79 = scf.for %scan3A_143 = %scan3A_75 to %scan3A_77 step %scan3A_78 iter_args(%scan3A_144 = %scan3A_74) -> (i32)  : i32 {
      %add3A_145 = arith.addi %mul3A_62, %scan3A_143 : i32
      %add3A_146 = arith.constant 1250 : i32
      %add3A_147 = arith.addi %add3A_145, %add3A_146 : i32
      %mul3A_148 = arith.constant 128 : i32
      %mul3A_149 = arith.muli %add3A_147, %mul3A_148 : i32
      %run_scoped3A_150 = arith.constant 0 : i32
      "tpu.region"() ({
        %run_scoped3A_184 = tpu.sem_alloc : memref<!tpu.dma_semaphore, #tpu.memory_space<semaphore_mem>>
        %dma_start3A_185 = tpu.memref_slice %arg4[%run_scoped3A_150, %mul3A_149] : memref<2x320000xi32, #tpu.memory_space<hbm>> -> memref<1x128xi32, #tpu.memory_space<hbm>>
        %dma_start3A_186 = tpu.memref_squeeze %dma_start3A_185 : memref<1x128xi32, #tpu.memory_space<hbm>> -> memref<128xi32, #tpu.memory_space<hbm>>
        %dma_start3A_187 = tpu.memref_slice %arg4[%run_scoped3A_150, %mul3A_149] : memref<2x320000xi32, #tpu.memory_space<hbm>> -> memref<1x128xi32, #tpu.memory_space<hbm>>
        %dma_start3A_188 = tpu.memref_squeeze %dma_start3A_187 : memref<1x128xi32, #tpu.memory_space<hbm>> -> memref<128xi32, #tpu.memory_space<hbm>>
        tpu.enqueue_dma source(%dma_start3A_188 : memref<128xi32, #tpu.memory_space<hbm>>) target(%arg10 : memref<128xi32, #tpu.memory_space<vmem>>) target_semaphore(%run_scoped3A_184 : memref<!tpu.dma_semaphore, #tpu.memory_space<semaphore_mem>>)
        %dma_wait3A_189 = tpu.memref_slice %arg4[%run_scoped3A_150, %mul3A_149] : memref<2x320000xi32, #tpu.memory_space<hbm>> -> memref<1x128xi32, #tpu.memory_space<hbm>>
        %dma_wait3A_190 = tpu.memref_squeeze %dma_wait3A_189 : memref<1x128xi32, #tpu.memory_space<hbm>> -> memref<128xi32, #tpu.memory_space<hbm>>
        %dma_wait3A_191 = tpu.memref_slice %arg4[%run_scoped3A_150, %mul3A_149] : memref<2x320000xi32, #tpu.memory_space<hbm>> -> memref<1x128xi32, #tpu.memory_space<hbm>>
        %dma_wait3A_192 = tpu.memref_squeeze %dma_wait3A_191 : memref<1x128xi32, #tpu.memory_space<hbm>> -> memref<128xi32, #tpu.memory_space<hbm>>
        tpu.wait_dma2 semaphore(%run_scoped3A_184 : memref<!tpu.dma_semaphore, #tpu.memory_space<semaphore_mem>>) src(%dma_wait3A_192 : memref<128xi32, #tpu.memory_space<hbm>>) dst(%arg10 : memref<128xi32, #tpu.memory_space<vmem>>)
        tpu.yield
      }) : () -> ()
      %run_scoped3A_151 = arith.constant 1 : i32
      "tpu.region"() ({
        %run_scoped3A_184 = tpu.sem_alloc : memref<!tpu.dma_semaphore, #tpu.memory_space<semaphore_mem>>
        %dma_start3A_185 = tpu.memref_slice %arg4[%run_scoped3A_151, %mul3A_149] : memref<2x320000xi32, #tpu.memory_space<hbm>> -> memref<1x128xi32, #tpu.memory_space<hbm>>
        %dma_start3A_186 = tpu.memref_squeeze %dma_start3A_185 : memref<1x128xi32, #tpu.memory_space<hbm>> -> memref<128xi32, #tpu.memory_space<hbm>>
        %dma_start3A_187 = tpu.memref_slice %arg4[%run_scoped3A_151, %mul3A_149] : memref<2x320000xi32, #tpu.memory_space<hbm>> -> memref<1x128xi32, #tpu.memory_space<hbm>>
        %dma_start3A_188 = tpu.memref_squeeze %dma_start3A_187 : memref<1x128xi32, #tpu.memory_space<hbm>> -> memref<128xi32, #tpu.memory_space<hbm>>
        tpu.enqueue_dma source(%dma_start3A_188 : memref<128xi32, #tpu.memory_space<hbm>>) target(%arg11 : memref<128xi32, #tpu.memory_space<vmem>>) target_semaphore(%run_scoped3A_184 : memref<!tpu.dma_semaphore, #tpu.memory_space<semaphore_mem>>)
        %dma_wait3A_189 = tpu.memref_slice %arg4[%run_scoped3A_151, %mul3A_149] : memref<2x320000xi32, #tpu.memory_space<hbm>> -> memref<1x128xi32, #tpu.memory_space<hbm>>
        %dma_wait3A_190 = tpu.memref_squeeze %dma_wait3A_189 : memref<1x128xi32, #tpu.memory_space<hbm>> -> memref<128xi32, #tpu.memory_space<hbm>>
        %dma_wait3A_191 = tpu.memref_slice %arg4[%run_scoped3A_151, %mul3A_149] : memref<2x320000xi32, #tpu.memory_space<hbm>> -> memref<1x128xi32, #tpu.memory_space<hbm>>
        %dma_wait3A_192 = tpu.memref_squeeze %dma_wait3A_191 : memref<1x128xi32, #tpu.memory_space<hbm>> -> memref<128xi32, #tpu.memory_space<hbm>>
        tpu.wait_dma2 semaphore(%run_scoped3A_184 : memref<!tpu.dma_semaphore, #tpu.memory_space<semaphore_mem>>) src(%dma_wait3A_192 : memref<128xi32, #tpu.memory_space<hbm>>) dst(%arg11 : memref<128xi32, #tpu.memory_space<vmem>>)
        tpu.yield
      }) : () -> ()
      %dma_start3A_152 = arith.constant 0 : i32
      %dma_start3A_153 = arith.constant 0 : i32
      %dma_start3A_154 = tpu.memref_slice %arg2[%dma_start3A_152, %dma_start3A_153] : memref<10000x128xf32, #tpu.memory_space<hbm>> -> memref<10000x128xf32, #tpu.memory_space<hbm>>
      tpu.enqueue_indirect_dma source(%dma_start3A_154 : memref<10000x128xf32, #tpu.memory_space<hbm>>) target(%arg12 : memref<128x128xf32, #tpu.memory_space<vmem>>) offsets(%arg10 : memref<128xi32, #tpu.memory_space<vmem>>) semaphore(%arg13 : memref<!tpu.dma_semaphore, #tpu.memory_space<semaphore_mem>>)
      %dma_wait3A = arith.constant 0 : i32
      %dma_wait3A_155 = arith.constant 0 : i32
      %dma_wait3A_156 = tpu.memref_slice %arg2[%dma_wait3A, %dma_wait3A_155] : memref<10000x128xf32, #tpu.memory_space<hbm>> -> memref<10000x128xf32, #tpu.memory_space<hbm>>
      tpu.wait_indirect_dma semaphore(%arg9 : memref<!tpu.dma_semaphore, #tpu.memory_space<semaphore_mem>>) src(%dma_wait3A_156 : memref<10000x128xf32, #tpu.memory_space<hbm>>) dst(%arg8 : memref<128x128xf32, #tpu.memory_space<vmem>>)
      %mul3A_157 = arith.constant 128 : i32
      %mul3A_158 = arith.muli %add3A_145, %mul3A_157 : i32
      %dma_wait3A_159 = arith.constant 0 : i32
      %dma_wait3A_160 = tpu.memref_slice %arg3[%mul3A_158, %dma_wait3A_159] : memref<160000x128xi32, #tpu.memory_space<hbm>> -> memref<128x128xi32, #tpu.memory_space<hbm>>
      %dma_wait3A_161 = arith.constant 0 : i32
      %dma_wait3A_162 = tpu.memref_slice %arg3[%mul3A_158, %dma_wait3A_161] : memref<160000x128xi32, #tpu.memory_space<hbm>> -> memref<128x128xi32, #tpu.memory_space<hbm>>
      tpu.wait_dma2 semaphore(%arg15 : memref<!tpu.dma_semaphore, #tpu.memory_space<semaphore_mem>>) src(%dma_wait3A_162 : memref<128x128xi32, #tpu.memory_space<hbm>>) dst(%arg14 : memref<128x128xi32, #tpu.memory_space<vmem>>)
      %parallel_loop3A = arith.constant 0 : i32
      %parallel_loop3A_163 = arith.constant 128 : i32
      %parallel_loop3A_164 = arith.constant 1 : i32
      scf.for %parallel_loop3A_184 = %parallel_loop3A to %parallel_loop3A_163 step %parallel_loop3A_164  : i32 {
        %parallel_loop3A_185 = arith.index_cast %parallel_loop3A_184 : i32 to index
        %parallel_loop3A_186 = arith.constant 0 : index
        %parallel_loop3A_187 = tpu.vector_load %arg14[%parallel_loop3A_185, %parallel_loop3A_186] {strides = array<i32>} : memref<128x128xi32, #tpu.memory_space<vmem>>, vector<1x16xi32>,
        %parallel_loop3A_188 = vector.shape_cast %parallel_loop3A_187 : vector<1x16xi32> to vector<16xi32>
        %parallel_loop3A_189 = arith.constant 16 : i32
        %parallel_loop3A_190 = vector.broadcast %parallel_loop3A_189 : i32 to vector<16xi32>
        %parallel_loop3A_191 = arith.shli %parallel_loop3A_188, %parallel_loop3A_190 : vector<16xi32>
        %parallel_loop3A_192 = tpu.bitcast %parallel_loop3A_191 : vector<16xi32> -> vector<16xf32>
        %parallel_loop3A_193 = arith.index_cast %parallel_loop3A_184 : i32 to index
        %parallel_loop3A_194 = arith.constant 0 : index
        %parallel_loop3A_195 = tpu.vector_load %arg8[%parallel_loop3A_193, %parallel_loop3A_194] {strides = array<i32>} : memref<128x128xf32, #tpu.memory_space<vmem>>, vector<1x16xf32>,
        %parallel_loop3A_196 = vector.shape_cast %parallel_loop3A_195 : vector<1x16xf32> to vector<16xf32>
        %parallel_loop3A_197 = arith.mulf %parallel_loop3A_196, %parallel_loop3A_192 : vector<16xf32>
        %parallel_loop3A_198 = arith.index_cast %parallel_loop3A_184 : i32 to index
        %parallel_loop3A_199 = arith.constant 0 : index
        %parallel_loop3A_200 = tpu.vector_load %arg8[%parallel_loop3A_198, %parallel_loop3A_199] {strides = array<i32>} : memref<128x128xf32, #tpu.memory_space<vmem>>, vector<1x16xf32>,
        %parallel_loop3A_201 = vector.shape_cast %parallel_loop3A_200 : vector<1x16xf32> to vector<16xf32>
        %parallel_loop3A_202 = vector.shape_cast %parallel_loop3A_197 : vector<16xf32> to vector<1x16xf32>
        tpu.vector_store %arg8[%parallel_loop3A_198, %parallel_loop3A_199], %parallel_loop3A_202 {strides = array<i32>} : memref<128x128xf32, #tpu.memory_space<vmem>>, vector<1x16xf32>,
        %parallel_loop3A_203 = arith.index_cast %parallel_loop3A_184 : i32 to index
        %parallel_loop3A_204 = arith.constant 16 : index
        %parallel_loop3A_205 = tpu.vector_load %arg14[%parallel_loop3A_203, %parallel_loop3A_204] {strides = array<i32>} : memref<128x128xi32, #tpu.memory_space<vmem>>, vector<1x16xi32>,
        %parallel_loop3A_206 = vector.shape_cast %parallel_loop3A_205 : vector<1x16xi32> to vector<16xi32>
        %parallel_loop3A_207 = arith.constant 16 : i32
        %parallel_loop3A_208 = vector.broadcast %parallel_loop3A_207 : i32 to vector<16xi32>
        %parallel_loop3A_209 = arith.shli %parallel_loop3A_206, %parallel_loop3A_208 : vector<16xi32>
        %parallel_loop3A_210 = tpu.bitcast %parallel_loop3A_209 : vector<16xi32> -> vector<16xf32>
        %parallel_loop3A_211 = arith.index_cast %parallel_loop3A_184 : i32 to index
        %parallel_loop3A_212 = arith.constant 16 : index
        %parallel_loop3A_213 = tpu.vector_load %arg8[%parallel_loop3A_211, %parallel_loop3A_212] {strides = array<i32>} : memref<128x128xf32, #tpu.memory_space<vmem>>, vector<1x16xf32>,
        %parallel_loop3A_214 = vector.shape_cast %parallel_loop3A_213 : vector<1x16xf32> to vector<16xf32>
        %parallel_loop3A_215 = arith.mulf %parallel_loop3A_214, %parallel_loop3A_210 : vector<16xf32>
        %parallel_loop3A_216 = arith.index_cast %parallel_loop3A_184 : i32 to index
        %parallel_loop3A_217 = arith.constant 16 : index
        %parallel_loop3A_218 = tpu.vector_load %arg8[%parallel_loop3A_216, %parallel_loop3A_217] {strides = array<i32>} : memref<128x128xf32, #tpu.memory_space<vmem>>, vector<1x16xf32>,
        %parallel_loop3A_219 = vector.shape_cast %parallel_loop3A_218 : vector<1x16xf32> to vector<16xf32>
        %parallel_loop3A_220 = vector.shape_cast %parallel_loop3A_215 : vector<16xf32> to vector<1x16xf32>
        tpu.vector_store %arg8[%parallel_loop3A_216, %parallel_loop3A_217], %parallel_loop3A_220 {strides = array<i32>} : memref<128x128xf32, #tpu.memory_space<vmem>>, vector<1x16xf32>,
        %parallel_loop3A_221 = arith.index_cast %parallel_loop3A_184 : i32 to index
        %parallel_loop3A_222 = arith.constant 32 : index
        %parallel_loop3A_223 = tpu.vector_load %arg14[%parallel_loop3A_221, %parallel_loop3A_222] {strides = array<i32>} : memref<128x128xi32, #tpu.memory_space<vmem>>, vector<1x16xi32>,
        %parallel_loop3A_224 = vector.shape_cast %parallel_loop3A_223 : vector<1x16xi32> to vector<16xi32>
        %parallel_loop3A_225 = arith.constant 16 : i32
        %parallel_loop3A_226 = vector.broadcast %parallel_loop3A_225 : i32 to vector<16xi32>
        %parallel_loop3A_227 = arith.shli %parallel_loop3A_224, %parallel_loop3A_226 : vector<16xi32>
        %parallel_loop3A_228 = tpu.bitcast %parallel_loop3A_227 : vector<16xi32> -> vector<16xf32>
        %parallel_loop3A_229 = arith.index_cast %parallel_loop3A_184 : i32 to index
        %parallel_loop3A_230 = arith.constant 32 : index
        %parallel_loop3A_231 = tpu.vector_load %arg8[%parallel_loop3A_229, %parallel_loop3A_230] {strides = array<i32>} : memref<128x128xf32, #tpu.memory_space<vmem>>, vector<1x16xf32>,
        %parallel_loop3A_232 = vector.shape_cast %parallel_loop3A_231 : vector<1x16xf32> to vector<16xf32>
        %parallel_loop3A_233 = arith.mulf %parallel_loop3A_232, %parallel_loop3A_228 : vector<16xf32>
        %parallel_loop3A_234 = arith.index_cast %parallel_loop3A_184 : i32 to index
        %parallel_loop3A_235 = arith.constant 32 : index
        %parallel_loop3A_236 = tpu.vector_load %arg8[%parallel_loop3A_234, %parallel_loop3A_235] {strides = array<i32>} : memref<128x128xf32, #tpu.memory_space<vmem>>, vector<1x16xf32>,
        %parallel_loop3A_237 = vector.shape_cast %parallel_loop3A_236 : vector<1x16xf32> to vector<16xf32>
        %parallel_loop3A_238 = vector.shape_cast %parallel_loop3A_233 : vector<16xf32> to vector<1x16xf32>
        tpu.vector_store %arg8[%parallel_loop3A_234, %parallel_loop3A_235], %parallel_loop3A_238 {strides = array<i32>} : memref<128x128xf32, #tpu.memory_space<vmem>>, vector<1x16xf32>,
        %parallel_loop3A_239 = arith.index_cast %parallel_loop3A_184 : i32 to index
        %parallel_loop3A_240 = arith.constant 48 : index
        %parallel_loop3A_241 = tpu.vector_load %arg14[%parallel_loop3A_239, %parallel_loop3A_240] {strides = array<i32>} : memref<128x128xi32, #tpu.memory_space<vmem>>, vector<1x16xi32>,
        %parallel_loop3A_242 = vector.shape_cast %parallel_loop3A_241 : vector<1x16xi32> to vector<16xi32>
        %parallel_loop3A_243 = arith.constant 16 : i32
        %parallel_loop3A_244 = vector.broadcast %parallel_loop3A_243 : i32 to vector<16xi32>
        %parallel_loop3A_245 = arith.shli %parallel_loop3A_242, %parallel_loop3A_244 : vector<16xi32>
        %parallel_loop3A_246 = tpu.bitcast %parallel_loop3A_245 : vector<16xi32> -> vector<16xf32>
        %parallel_loop3A_247 = arith.index_cast %parallel_loop3A_184 : i32 to index
        %parallel_loop3A_248 = arith.constant 48 : index
        %parallel_loop3A_249 = tpu.vector_load %arg8[%parallel_loop3A_247, %parallel_loop3A_248] {strides = array<i32>} : memref<128x128xf32, #tpu.memory_space<vmem>>, vector<1x16xf32>,
        %parallel_loop3A_250 = vector.shape_cast %parallel_loop3A_249 : vector<1x16xf32> to vector<16xf32>
        %parallel_loop3A_251 = arith.mulf %parallel_loop3A_250, %parallel_loop3A_246 : vector<16xf32>
        %parallel_loop3A_252 = arith.index_cast %parallel_loop3A_184 : i32 to index
        %parallel_loop3A_253 = arith.constant 48 : index
        %parallel_loop3A_254 = tpu.vector_load %arg8[%parallel_loop3A_252, %parallel_loop3A_253] {strides = array<i32>} : memref<128x128xf32, #tpu.memory_space<vmem>>, vector<1x16xf32>,
        %parallel_loop3A_255 = vector.shape_cast %parallel_loop3A_254 : vector<1x16xf32> to vector<16xf32>
        %parallel_loop3A_256 = vector.shape_cast %parallel_loop3A_251 : vector<16xf32> to vector<1x16xf32>
        tpu.vector_store %arg8[%parallel_loop3A_252, %parallel_loop3A_253], %parallel_loop3A_256 {strides = array<i32>} : memref<128x128xf32, #tpu.memory_space<vmem>>, vector<1x16xf32>,
        %parallel_loop3A_257 = arith.index_cast %parallel_loop3A_184 : i32 to index
        %parallel_loop3A_258 = arith.constant 64 : index
        %parallel_loop3A_259 = tpu.vector_load %arg14[%parallel_loop3A_257, %parallel_loop3A_258] {strides = array<i32>} : memref<128x128xi32, #tpu.memory_space<vmem>>, vector<1x16xi32>,
        %parallel_loop3A_260 = vector.shape_cast %parallel_loop3A_259 : vector<1x16xi32> to vector<16xi32>
        %parallel_loop3A_261 = arith.constant 16 : i32
        %parallel_loop3A_262 = vector.broadcast %parallel_loop3A_261 : i32 to vector<16xi32>
        %parallel_loop3A_263 = arith.shli %parallel_loop3A_260, %parallel_loop3A_262 : vector<16xi32>
        %parallel_loop3A_264 = tpu.bitcast %parallel_loop3A_263 : vector<16xi32> -> vector<16xf32>
        %parallel_loop3A_265 = arith.index_cast %parallel_loop3A_184 : i32 to index
        %parallel_loop3A_266 = arith.constant 64 : index
        %parallel_loop3A_267 = tpu.vector_load %arg8[%parallel_loop3A_265, %parallel_loop3A_266] {strides = array<i32>} : memref<128x128xf32, #tpu.memory_space<vmem>>, vector<1x16xf32>,
        %parallel_loop3A_268 = vector.shape_cast %parallel_loop3A_267 : vector<1x16xf32> to vector<16xf32>
        %parallel_loop3A_269 = arith.mulf %parallel_loop3A_268, %parallel_loop3A_264 : vector<16xf32>
        %parallel_loop3A_270 = arith.index_cast %parallel_loop3A_184 : i32 to index
        %parallel_loop3A_271 = arith.constant 64 : index
        %parallel_loop3A_272 = tpu.vector_load %arg8[%parallel_loop3A_270, %parallel_loop3A_271] {strides = array<i32>} : memref<128x128xf32, #tpu.memory_space<vmem>>, vector<1x16xf32>,
        %parallel_loop3A_273 = vector.shape_cast %parallel_loop3A_272 : vector<1x16xf32> to vector<16xf32>
        %parallel_loop3A_274 = vector.shape_cast %parallel_loop3A_269 : vector<16xf32> to vector<1x16xf32>
        tpu.vector_store %arg8[%parallel_loop3A_270, %parallel_loop3A_271], %parallel_loop3A_274 {strides = array<i32>} : memref<128x128xf32, #tpu.memory_space<vmem>>, vector<1x16xf32>,
        %parallel_loop3A_275 = arith.index_cast %parallel_loop3A_184 : i32 to index
        %parallel_loop3A_276 = arith.constant 80 : index
        %parallel_loop3A_277 = tpu.vector_load %arg14[%parallel_loop3A_275, %parallel_loop3A_276] {strides = array<i32>} : memref<128x128xi32, #tpu.memory_space<vmem>>, vector<1x16xi32>,
        %parallel_loop3A_278 = vector.shape_cast %parallel_loop3A_277 : vector<1x16xi32> to vector<16xi32>
        %parallel_loop3A_279 = arith.constant 16 : i32
        %parallel_loop3A_280 = vector.broadcast %parallel_loop3A_279 : i32 to vector<16xi32>
        %parallel_loop3A_281 = arith.shli %parallel_loop3A_278, %parallel_loop3A_280 : vector<16xi32>
        %parallel_loop3A_282 = tpu.bitcast %parallel_loop3A_281 : vector<16xi32> -> vector<16xf32>
        %parallel_loop3A_283 = arith.index_cast %parallel_loop3A_184 : i32 to index
        %parallel_loop3A_284 = arith.constant 80 : index
        %parallel_loop3A_285 = tpu.vector_load %arg8[%parallel_loop3A_283, %parallel_loop3A_284] {strides = array<i32>} : memref<128x128xf32, #tpu.memory_space<vmem>>, vector<1x16xf32>,
        %parallel_loop3A_286 = vector.shape_cast %parallel_loop3A_285 : vector<1x16xf32> to vector<16xf32>
        %parallel_loop3A_287 = arith.mulf %parallel_loop3A_286, %parallel_loop3A_282 : vector<16xf32>
        %parallel_loop3A_288 = arith.index_cast %parallel_loop3A_184 : i32 to index
        %parallel_loop3A_289 = arith.constant 80 : index
        %parallel_loop3A_290 = tpu.vector_load %arg8[%parallel_loop3A_288, %parallel_loop3A_289] {strides = array<i32>} : memref<128x128xf32, #tpu.memory_space<vmem>>, vector<1x16xf32>,
        %parallel_loop3A_291 = vector.shape_cast %parallel_loop3A_290 : vector<1x16xf32> to vector<16xf32>
        %parallel_loop3A_292 = vector.shape_cast %parallel_loop3A_287 : vector<16xf32> to vector<1x16xf32>
        tpu.vector_store %arg8[%parallel_loop3A_288, %parallel_loop3A_289], %parallel_loop3A_292 {strides = array<i32>} : memref<128x128xf32, #tpu.memory_space<vmem>>, vector<1x16xf32>,
        %parallel_loop3A_293 = arith.index_cast %parallel_loop3A_184 : i32 to index
        %parallel_loop3A_294 = arith.constant 96 : index
        %parallel_loop3A_295 = tpu.vector_load %arg14[%parallel_loop3A_293, %parallel_loop3A_294] {strides = array<i32>} : memref<128x128xi32, #tpu.memory_space<vmem>>, vector<1x16xi32>,
        %parallel_loop3A_296 = vector.shape_cast %parallel_loop3A_295 : vector<1x16xi32> to vector<16xi32>
        %parallel_loop3A_297 = arith.constant 16 : i32
        %parallel_loop3A_298 = vector.broadcast %parallel_loop3A_297 : i32 to vector<16xi32>
        %parallel_loop3A_299 = arith.shli %parallel_loop3A_296, %parallel_loop3A_298 : vector<16xi32>
        %parallel_loop3A_300 = tpu.bitcast %parallel_loop3A_299 : vector<16xi32> -> vector<16xf32>
        %parallel_loop3A_301 = arith.index_cast %parallel_loop3A_184 : i32 to index
        %parallel_loop3A_302 = arith.constant 96 : index
        %parallel_loop3A_303 = tpu.vector_load %arg8[%parallel_loop3A_301, %parallel_loop3A_302] {strides = array<i32>} : memref<128x128xf32, #tpu.memory_space<vmem>>, vector<1x16xf32>,
        %parallel_loop3A_304 = vector.shape_cast %parallel_loop3A_303 : vector<1x16xf32> to vector<16xf32>
        %parallel_loop3A_305 = arith.mulf %parallel_loop3A_304, %parallel_loop3A_300 : vector<16xf32>
        %parallel_loop3A_306 = arith.index_cast %parallel_loop3A_184 : i32 to index
        %parallel_loop3A_307 = arith.constant 96 : index
        %parallel_loop3A_308 = tpu.vector_load %arg8[%parallel_loop3A_306, %parallel_loop3A_307] {strides = array<i32>} : memref<128x128xf32, #tpu.memory_space<vmem>>, vector<1x16xf32>,
        %parallel_loop3A_309 = vector.shape_cast %parallel_loop3A_308 : vector<1x16xf32> to vector<16xf32>
        %parallel_loop3A_310 = vector.shape_cast %parallel_loop3A_305 : vector<16xf32> to vector<1x16xf32>
        tpu.vector_store %arg8[%parallel_loop3A_306, %parallel_loop3A_307], %parallel_loop3A_310 {strides = array<i32>} : memref<128x128xf32, #tpu.memory_space<vmem>>, vector<1x16xf32>,
        %parallel_loop3A_311 = arith.index_cast %parallel_loop3A_184 : i32 to index
        %parallel_loop3A_312 = arith.constant 112 : index
        %parallel_loop3A_313 = tpu.vector_load %arg14[%parallel_loop3A_311, %parallel_loop3A_312] {strides = array<i32>} : memref<128x128xi32, #tpu.memory_space<vmem>>, vector<1x16xi32>,
        %parallel_loop3A_314 = vector.shape_cast %parallel_loop3A_313 : vector<1x16xi32> to vector<16xi32>
        %parallel_loop3A_315 = arith.constant 16 : i32
        %parallel_loop3A_316 = vector.broadcast %parallel_loop3A_315 : i32 to vector<16xi32>
        %parallel_loop3A_317 = arith.shli %parallel_loop3A_314, %parallel_loop3A_316 : vector<16xi32>
        %parallel_loop3A_318 = tpu.bitcast %parallel_loop3A_317 : vector<16xi32> -> vector<16xf32>
        %parallel_loop3A_319 = arith.index_cast %parallel_loop3A_184 : i32 to index
        %parallel_loop3A_320 = arith.constant 112 : index
        %parallel_loop3A_321 = tpu.vector_load %arg8[%parallel_loop3A_319, %parallel_loop3A_320] {strides = array<i32>} : memref<128x128xf32, #tpu.memory_space<vmem>>, vector<1x16xf32>,
        %parallel_loop3A_322 = vector.shape_cast %parallel_loop3A_321 : vector<1x16xf32> to vector<16xf32>
        %parallel_loop3A_323 = arith.mulf %parallel_loop3A_322, %parallel_loop3A_318 : vector<16xf32>
        %parallel_loop3A_324 = arith.index_cast %parallel_loop3A_184 : i32 to index
        %parallel_loop3A_325 = arith.constant 112 : index
        %parallel_loop3A_326 = tpu.vector_load %arg8[%parallel_loop3A_324, %parallel_loop3A_325] {strides = array<i32>} : memref<128x128xf32, #tpu.memory_space<vmem>>, vector<1x16xf32>,
        %parallel_loop3A_327 = vector.shape_cast %parallel_loop3A_326 : vector<1x16xf32> to vector<16xf32>
        %parallel_loop3A_328 = vector.shape_cast %parallel_loop3A_323 : vector<16xf32> to vector<1x16xf32>
        tpu.vector_store %arg8[%parallel_loop3A_324, %parallel_loop3A_325], %parallel_loop3A_328 {strides = array<i32>} : memref<128x128xf32, #tpu.memory_space<vmem>>, vector<1x16xf32>,
      } {sc.loop_unroll_factor = 4 : i64, sc.parallel_access}
      "tpu.region"() ({
        %run_scoped3A_184 = tpu.sem_alloc : memref<!tpu.dma_semaphore, #tpu.memory_space<semaphore_mem>>
        %dma_start3A_185 = arith.constant 0 : i32
        %dma_start3A_186 = arith.constant 0 : i32
        %dma_start3A_187 = tpu.memref_slice %arg16[%dma_start3A_185, %dma_start3A_186] : memref<10000x128xf32, #tpu.memory_space<vmem_shared>> -> memref<10000x128xf32, #tpu.memory_space<vmem_shared>>
        tpu.enqueue_indirect_dma source(%arg8 : memref<128x128xf32, #tpu.memory_space<vmem>>) target(%dma_start3A_187 : memref<10000x128xf32, #tpu.memory_space<vmem_shared>>) offsets(%arg7 : memref<128xi32, #tpu.memory_space<vmem>>) semaphore(%run_scoped3A_184 : memref<!tpu.dma_semaphore, #tpu.memory_space<semaphore_mem>>) {add = true}
        %dma_wait3A_188 = arith.constant 0 : i32
        %dma_wait3A_189 = arith.constant 0 : i32
        %dma_wait3A_190 = tpu.memref_slice %arg16[%dma_wait3A_188, %dma_wait3A_189] : memref<10000x128xf32, #tpu.memory_space<vmem_shared>> -> memref<10000x128xf32, #tpu.memory_space<vmem_shared>>
        tpu.wait_indirect_dma semaphore(%run_scoped3A_184 : memref<!tpu.dma_semaphore, #tpu.memory_space<semaphore_mem>>) src(%arg8 : memref<128x128xf32, #tpu.memory_space<vmem>>) dst(%dma_wait3A_190 : memref<10000x128xf32, #tpu.memory_space<vmem_shared>>)
        tpu.yield
      }) : () -> ()
      %lt3A_165 = arith.constant 38 : i32
      %lt3A_166 = arith.cmpi slt, %scan3A_143, %lt3A_165 : i32
      %convert_element_type3A_167 = arith.extui %lt3A_166 : i1 to i32
      %cond3A_168 = arith.constant 0 : i32
      %cond3A_169 = arith.cmpi ne, %convert_element_type3A_167, %cond3A_168 : i32
      scf.if %cond3A_169 {
        %add3A_184 = arith.constant 1 : i32
        %add3A_185 = arith.addi %add3A_145, %add3A_184 : i32
        %mul3A_186 = arith.constant 128 : i32
        %mul3A_187 = arith.muli %add3A_185, %mul3A_186 : i32
        %run_scoped3A_188 = arith.constant 0 : i32
        "tpu.region"() ({
          %run_scoped3A_193 = tpu.sem_alloc : memref<!tpu.dma_semaphore, #tpu.memory_space<semaphore_mem>>
          %dma_start3A_194 = tpu.memref_slice %arg4[%run_scoped3A_188, %mul3A_187] : memref<2x320000xi32, #tpu.memory_space<hbm>> -> memref<1x128xi32, #tpu.memory_space<hbm>>
          %dma_start3A_195 = tpu.memref_squeeze %dma_start3A_194 : memref<1x128xi32, #tpu.memory_space<hbm>> -> memref<128xi32, #tpu.memory_space<hbm>>
          %dma_start3A_196 = tpu.memref_slice %arg4[%run_scoped3A_188, %mul3A_187] : memref<2x320000xi32, #tpu.memory_space<hbm>> -> memref<1x128xi32, #tpu.memory_space<hbm>>
          %dma_start3A_197 = tpu.memref_squeeze %dma_start3A_196 : memref<1x128xi32, #tpu.memory_space<hbm>> -> memref<128xi32, #tpu.memory_space<hbm>>
          tpu.enqueue_dma source(%dma_start3A_197 : memref<128xi32, #tpu.memory_space<hbm>>) target(%arg6 : memref<128xi32, #tpu.memory_space<vmem>>) target_semaphore(%run_scoped3A_193 : memref<!tpu.dma_semaphore, #tpu.memory_space<semaphore_mem>>)
          %dma_wait3A_198 = tpu.memref_slice %arg4[%run_scoped3A_188, %mul3A_187] : memref<2x320000xi32, #tpu.memory_space<hbm>> -> memref<1x128xi32, #tpu.memory_space<hbm>>
          %dma_wait3A_199 = tpu.memref_squeeze %dma_wait3A_198 : memref<1x128xi32, #tpu.memory_space<hbm>> -> memref<128xi32, #tpu.memory_space<hbm>>
          %dma_wait3A_200 = tpu.memref_slice %arg4[%run_scoped3A_188, %mul3A_187] : memref<2x320000xi32, #tpu.memory_space<hbm>> -> memref<1x128xi32, #tpu.memory_space<hbm>>
          %dma_wait3A_201 = tpu.memref_squeeze %dma_wait3A_200 : memref<1x128xi32, #tpu.memory_space<hbm>> -> memref<128xi32, #tpu.memory_space<hbm>>
          tpu.wait_dma2 semaphore(%run_scoped3A_193 : memref<!tpu.dma_semaphore, #tpu.memory_space<semaphore_mem>>) src(%dma_wait3A_201 : memref<128xi32, #tpu.memory_space<hbm>>) dst(%arg6 : memref<128xi32, #tpu.memory_space<vmem>>)
          tpu.yield
        }) : () -> ()
        %run_scoped3A_189 = arith.constant 1 : i32
        "tpu.region"() ({
          %run_scoped3A_193 = tpu.sem_alloc : memref<!tpu.dma_semaphore, #tpu.memory_space<semaphore_mem>>
          %dma_start3A_194 = tpu.memref_slice %arg4[%run_scoped3A_189, %mul3A_187] : memref<2x320000xi32, #tpu.memory_space<hbm>> -> memref<1x128xi32, #tpu.memory_space<hbm>>
          %dma_start3A_195 = tpu.memref_squeeze %dma_start3A_194 : memref<1x128xi32, #tpu.memory_space<hbm>> -> memref<128xi32, #tpu.memory_space<hbm>>
          %dma_start3A_196 = tpu.memref_slice %arg4[%run_scoped3A_189, %mul3A_187] : memref<2x320000xi32, #tpu.memory_space<hbm>> -> memref<1x128xi32, #tpu.memory_space<hbm>>
          %dma_start3A_197 = tpu.memref_squeeze %dma_start3A_196 : memref<1x128xi32, #tpu.memory_space<hbm>> -> memref<128xi32, #tpu.memory_space<hbm>>
          tpu.enqueue_dma source(%dma_start3A_197 : memref<128xi32, #tpu.memory_space<hbm>>) target(%arg7 : memref<128xi32, #tpu.memory_space<vmem>>) target_semaphore(%run_scoped3A_193 : memref<!tpu.dma_semaphore, #tpu.memory_space<semaphore_mem>>)
          %dma_wait3A_198 = tpu.memref_slice %arg4[%run_scoped3A_189, %mul3A_187] : memref<2x320000xi32, #tpu.memory_space<hbm>> -> memref<1x128xi32, #tpu.memory_space<hbm>>
          %dma_wait3A_199 = tpu.memref_squeeze %dma_wait3A_198 : memref<1x128xi32, #tpu.memory_space<hbm>> -> memref<128xi32, #tpu.memory_space<hbm>>
          %dma_wait3A_200 = tpu.memref_slice %arg4[%run_scoped3A_189, %mul3A_187] : memref<2x320000xi32, #tpu.memory_space<hbm>> -> memref<1x128xi32, #tpu.memory_space<hbm>>
          %dma_wait3A_201 = tpu.memref_squeeze %dma_wait3A_200 : memref<1x128xi32, #tpu.memory_space<hbm>> -> memref<128xi32, #tpu.memory_space<hbm>>
          tpu.wait_dma2 semaphore(%run_scoped3A_193 : memref<!tpu.dma_semaphore, #tpu.memory_space<semaphore_mem>>) src(%dma_wait3A_201 : memref<128xi32, #tpu.memory_space<hbm>>) dst(%arg7 : memref<128xi32, #tpu.memory_space<vmem>>)
          tpu.yield
        }) : () -> ()
        %dma_start3A_190 = arith.constant 0 : i32
        %dma_start3A_191 = arith.constant 0 : i32
        %dma_start3A_192 = tpu.memref_slice %arg2[%dma_start3A_190, %dma_start3A_191] : memref<10000x128xf32, #tpu.memory_space<hbm>> -> memref<10000x128xf32, #tpu.memory_space<hbm>>
        tpu.enqueue_indirect_dma source(%dma_start3A_192 : memref<10000x128xf32, #tpu.memory_space<hbm>>) target(%arg8 : memref<128x128xf32, #tpu.memory_space<vmem>>) offsets(%arg6 : memref<128xi32, #tpu.memory_space<vmem>>) semaphore(%arg9 : memref<!tpu.dma_semaphore, #tpu.memory_space<semaphore_mem>>)
      } else {
      }
      %add3A_170 = arith.constant 1250 : i32
      %add3A_171 = arith.addi %add3A_145, %add3A_170 : i32
      %dma_wait3A_172 = arith.constant 0 : i32
      %dma_wait3A_173 = arith.constant 0 : i32
      %dma_wait3A_174 = tpu.memref_slice %arg2[%dma_wait3A_172, %dma_wait3A_173] : memref<10000x128xf32, #tpu.memory_space<hbm>> -> memref<10000x128xf32, #tpu.memory_space<hbm>>
      tpu.wait_indirect_dma semaphore(%arg13 : memref<!tpu.dma_semaphore, #tpu.memory_space<semaphore_mem>>) src(%dma_wait3A_174 : memref<10000x128xf32, #tpu.memory_space<hbm>>) dst(%arg12 : memref<128x128xf32, #tpu.memory_space<vmem>>)
      %parallel_loop3A_175 = arith.constant 0 : i32
      %parallel_loop3A_176 = arith.constant 128 : i32
      %parallel_loop3A_177 = arith.constant 1 : i32
      scf.for %parallel_loop3A_184 = %parallel_loop3A_175 to %parallel_loop3A_176 step %parallel_loop3A_177  : i32 {
        %parallel_loop3A_185 = arith.index_cast %parallel_loop3A_184 : i32 to index
        %parallel_loop3A_186 = arith.constant 0 : index
        %parallel_loop3A_187 = tpu.vector_load %arg14[%parallel_loop3A_185, %parallel_loop3A_186] {strides = array<i32>} : memref<128x128xi32, #tpu.memory_space<vmem>>, vector<1x16xi32>,
        %parallel_loop3A_188 = vector.shape_cast %parallel_loop3A_187 : vector<1x16xi32> to vector<16xi32>
        %parallel_loop3A_189 = arith.constant -65536 : i32
        %parallel_loop3A_190 = vector.broadcast %parallel_loop3A_189 : i32 to vector<16xi32>
        %parallel_loop3A_191 = arith.andi %parallel_loop3A_188, %parallel_loop3A_190 : vector<16xi32>
        %parallel_loop3A_192 = tpu.bitcast %parallel_loop3A_191 : vector<16xi32> -> vector<16xf32>
        %parallel_loop3A_193 = arith.index_cast %parallel_loop3A_184 : i32 to index
        %parallel_loop3A_194 = arith.constant 0 : index
        %parallel_loop3A_195 = tpu.vector_load %arg12[%parallel_loop3A_193, %parallel_loop3A_194] {strides = array<i32>} : memref<128x128xf32, #tpu.memory_space<vmem>>, vector<1x16xf32>,
        %parallel_loop3A_196 = vector.shape_cast %parallel_loop3A_195 : vector<1x16xf32> to vector<16xf32>
        %parallel_loop3A_197 = arith.mulf %parallel_loop3A_196, %parallel_loop3A_192 : vector<16xf32>
        %parallel_loop3A_198 = arith.index_cast %parallel_loop3A_184 : i32 to index
        %parallel_loop3A_199 = arith.constant 0 : index
        %parallel_loop3A_200 = tpu.vector_load %arg12[%parallel_loop3A_198, %parallel_loop3A_199] {strides = array<i32>} : memref<128x128xf32, #tpu.memory_space<vmem>>, vector<1x16xf32>,
        %parallel_loop3A_201 = vector.shape_cast %parallel_loop3A_200 : vector<1x16xf32> to vector<16xf32>
        %parallel_loop3A_202 = vector.shape_cast %parallel_loop3A_197 : vector<16xf32> to vector<1x16xf32>
        tpu.vector_store %arg12[%parallel_loop3A_198, %parallel_loop3A_199], %parallel_loop3A_202 {strides = array<i32>} : memref<128x128xf32, #tpu.memory_space<vmem>>, vector<1x16xf32>,
        %parallel_loop3A_203 = arith.index_cast %parallel_loop3A_184 : i32 to index
        %parallel_loop3A_204 = arith.constant 16 : index
        %parallel_loop3A_205 = tpu.vector_load %arg14[%parallel_loop3A_203, %parallel_loop3A_204] {strides = array<i32>} : memref<128x128xi32, #tpu.memory_space<vmem>>, vector<1x16xi32>,
        %parallel_loop3A_206 = vector.shape_cast %parallel_loop3A_205 : vector<1x16xi32> to vector<16xi32>
        %parallel_loop3A_207 = arith.constant -65536 : i32
        %parallel_loop3A_208 = vector.broadcast %parallel_loop3A_207 : i32 to vector<16xi32>
        %parallel_loop3A_209 = arith.andi %parallel_loop3A_206, %parallel_loop3A_208 : vector<16xi32>
        %parallel_loop3A_210 = tpu.bitcast %parallel_loop3A_209 : vector<16xi32> -> vector<16xf32>
        %parallel_loop3A_211 = arith.index_cast %parallel_loop3A_184 : i32 to index
        %parallel_loop3A_212 = arith.constant 16 : index
        %parallel_loop3A_213 = tpu.vector_load %arg12[%parallel_loop3A_211, %parallel_loop3A_212] {strides = array<i32>} : memref<128x128xf32, #tpu.memory_space<vmem>>, vector<1x16xf32>,
        %parallel_loop3A_214 = vector.shape_cast %parallel_loop3A_213 : vector<1x16xf32> to vector<16xf32>
        %parallel_loop3A_215 = arith.mulf %parallel_loop3A_214, %parallel_loop3A_210 : vector<16xf32>
        %parallel_loop3A_216 = arith.index_cast %parallel_loop3A_184 : i32 to index
        %parallel_loop3A_217 = arith.constant 16 : index
        %parallel_loop3A_218 = tpu.vector_load %arg12[%parallel_loop3A_216, %parallel_loop3A_217] {strides = array<i32>} : memref<128x128xf32, #tpu.memory_space<vmem>>, vector<1x16xf32>,
        %parallel_loop3A_219 = vector.shape_cast %parallel_loop3A_218 : vector<1x16xf32> to vector<16xf32>
        %parallel_loop3A_220 = vector.shape_cast %parallel_loop3A_215 : vector<16xf32> to vector<1x16xf32>
        tpu.vector_store %arg12[%parallel_loop3A_216, %parallel_loop3A_217], %parallel_loop3A_220 {strides = array<i32>} : memref<128x128xf32, #tpu.memory_space<vmem>>, vector<1x16xf32>,
        %parallel_loop3A_221 = arith.index_cast %parallel_loop3A_184 : i32 to index
        %parallel_loop3A_222 = arith.constant 32 : index
        %parallel_loop3A_223 = tpu.vector_load %arg14[%parallel_loop3A_221, %parallel_loop3A_222] {strides = array<i32>} : memref<128x128xi32, #tpu.memory_space<vmem>>, vector<1x16xi32>,
        %parallel_loop3A_224 = vector.shape_cast %parallel_loop3A_223 : vector<1x16xi32> to vector<16xi32>
        %parallel_loop3A_225 = arith.constant -65536 : i32
        %parallel_loop3A_226 = vector.broadcast %parallel_loop3A_225 : i32 to vector<16xi32>
        %parallel_loop3A_227 = arith.andi %parallel_loop3A_224, %parallel_loop3A_226 : vector<16xi32>
        %parallel_loop3A_228 = tpu.bitcast %parallel_loop3A_227 : vector<16xi32> -> vector<16xf32>
        %parallel_loop3A_229 = arith.index_cast %parallel_loop3A_184 : i32 to index
        %parallel_loop3A_230 = arith.constant 32 : index
        %parallel_loop3A_231 = tpu.vector_load %arg12[%parallel_loop3A_229, %parallel_loop3A_230] {strides = array<i32>} : memref<128x128xf32, #tpu.memory_space<vmem>>, vector<1x16xf32>,
        %parallel_loop3A_232 = vector.shape_cast %parallel_loop3A_231 : vector<1x16xf32> to vector<16xf32>
        %parallel_loop3A_233 = arith.mulf %parallel_loop3A_232, %parallel_loop3A_228 : vector<16xf32>
        %parallel_loop3A_234 = arith.index_cast %parallel_loop3A_184 : i32 to index
        %parallel_loop3A_235 = arith.constant 32 : index
        %parallel_loop3A_236 = tpu.vector_load %arg12[%parallel_loop3A_234, %parallel_loop3A_235] {strides = array<i32>} : memref<128x128xf32, #tpu.memory_space<vmem>>, vector<1x16xf32>,
        %parallel_loop3A_237 = vector.shape_cast %parallel_loop3A_236 : vector<1x16xf32> to vector<16xf32>
        %parallel_loop3A_238 = vector.shape_cast %parallel_loop3A_233 : vector<16xf32> to vector<1x16xf32>
        tpu.vector_store %arg12[%parallel_loop3A_234, %parallel_loop3A_235], %parallel_loop3A_238 {strides = array<i32>} : memref<128x128xf32, #tpu.memory_space<vmem>>, vector<1x16xf32>,
        %parallel_loop3A_239 = arith.index_cast %parallel_loop3A_184 : i32 to index
        %parallel_loop3A_240 = arith.constant 48 : index
        %parallel_loop3A_241 = tpu.vector_load %arg14[%parallel_loop3A_239, %parallel_loop3A_240] {strides = array<i32>} : memref<128x128xi32, #tpu.memory_space<vmem>>, vector<1x16xi32>,
        %parallel_loop3A_242 = vector.shape_cast %parallel_loop3A_241 : vector<1x16xi32> to vector<16xi32>
        %parallel_loop3A_243 = arith.constant -65536 : i32
        %parallel_loop3A_244 = vector.broadcast %parallel_loop3A_243 : i32 to vector<16xi32>
        %parallel_loop3A_245 = arith.andi %parallel_loop3A_242, %parallel_loop3A_244 : vector<16xi32>
        %parallel_loop3A_246 = tpu.bitcast %parallel_loop3A_245 : vector<16xi32> -> vector<16xf32>
        %parallel_loop3A_247 = arith.index_cast %parallel_loop3A_184 : i32 to index
        %parallel_loop3A_248 = arith.constant 48 : index
        %parallel_loop3A_249 = tpu.vector_load %arg12[%parallel_loop3A_247, %parallel_loop3A_248] {strides = array<i32>} : memref<128x128xf32, #tpu.memory_space<vmem>>, vector<1x16xf32>,
        %parallel_loop3A_250 = vector.shape_cast %parallel_loop3A_249 : vector<1x16xf32> to vector<16xf32>
        %parallel_loop3A_251 = arith.mulf %parallel_loop3A_250, %parallel_loop3A_246 : vector<16xf32>
        %parallel_loop3A_252 = arith.index_cast %parallel_loop3A_184 : i32 to index
        %parallel_loop3A_253 = arith.constant 48 : index
        %parallel_loop3A_254 = tpu.vector_load %arg12[%parallel_loop3A_252, %parallel_loop3A_253] {strides = array<i32>} : memref<128x128xf32, #tpu.memory_space<vmem>>, vector<1x16xf32>,
        %parallel_loop3A_255 = vector.shape_cast %parallel_loop3A_254 : vector<1x16xf32> to vector<16xf32>
        %parallel_loop3A_256 = vector.shape_cast %parallel_loop3A_251 : vector<16xf32> to vector<1x16xf32>
        tpu.vector_store %arg12[%parallel_loop3A_252, %parallel_loop3A_253], %parallel_loop3A_256 {strides = array<i32>} : memref<128x128xf32, #tpu.memory_space<vmem>>, vector<1x16xf32>,
        %parallel_loop3A_257 = arith.index_cast %parallel_loop3A_184 : i32 to index
        %parallel_loop3A_258 = arith.constant 64 : index
        %parallel_loop3A_259 = tpu.vector_load %arg14[%parallel_loop3A_257, %parallel_loop3A_258] {strides = array<i32>} : memref<128x128xi32, #tpu.memory_space<vmem>>, vector<1x16xi32>,
        %parallel_loop3A_260 = vector.shape_cast %parallel_loop3A_259 : vector<1x16xi32> to vector<16xi32>
        %parallel_loop3A_261 = arith.constant -65536 : i32
        %parallel_loop3A_262 = vector.broadcast %parallel_loop3A_261 : i32 to vector<16xi32>
        %parallel_loop3A_263 = arith.andi %parallel_loop3A_260, %parallel_loop3A_262 : vector<16xi32>
        %parallel_loop3A_264 = tpu.bitcast %parallel_loop3A_263 : vector<16xi32> -> vector<16xf32>
        %parallel_loop3A_265 = arith.index_cast %parallel_loop3A_184 : i32 to index
        %parallel_loop3A_266 = arith.constant 64 : index
        %parallel_loop3A_267 = tpu.vector_load %arg12[%parallel_loop3A_265, %parallel_loop3A_266] {strides = array<i32>} : memref<128x128xf32, #tpu.memory_space<vmem>>, vector<1x16xf32>,
        %parallel_loop3A_268 = vector.shape_cast %parallel_loop3A_267 : vector<1x16xf32> to vector<16xf32>
        %parallel_loop3A_269 = arith.mulf %parallel_loop3A_268, %parallel_loop3A_264 : vector<16xf32>
        %parallel_loop3A_270 = arith.index_cast %parallel_loop3A_184 : i32 to index
        %parallel_loop3A_271 = arith.constant 64 : index
        %parallel_loop3A_272 = tpu.vector_load %arg12[%parallel_loop3A_270, %parallel_loop3A_271] {strides = array<i32>} : memref<128x128xf32, #tpu.memory_space<vmem>>, vector<1x16xf32>,
        %parallel_loop3A_273 = vector.shape_cast %parallel_loop3A_272 : vector<1x16xf32> to vector<16xf32>
        %parallel_loop3A_274 = vector.shape_cast %parallel_loop3A_269 : vector<16xf32> to vector<1x16xf32>
        tpu.vector_store %arg12[%parallel_loop3A_270, %parallel_loop3A_271], %parallel_loop3A_274 {strides = array<i32>} : memref<128x128xf32, #tpu.memory_space<vmem>>, vector<1x16xf32>,
        %parallel_loop3A_275 = arith.index_cast %parallel_loop3A_184 : i32 to index
        %parallel_loop3A_276 = arith.constant 80 : index
        %parallel_loop3A_277 = tpu.vector_load %arg14[%parallel_loop3A_275, %parallel_loop3A_276] {strides = array<i32>} : memref<128x128xi32, #tpu.memory_space<vmem>>, vector<1x16xi32>,
        %parallel_loop3A_278 = vector.shape_cast %parallel_loop3A_277 : vector<1x16xi32> to vector<16xi32>
        %parallel_loop3A_279 = arith.constant -65536 : i32
        %parallel_loop3A_280 = vector.broadcast %parallel_loop3A_279 : i32 to vector<16xi32>
        %parallel_loop3A_281 = arith.andi %parallel_loop3A_278, %parallel_loop3A_280 : vector<16xi32>
        %parallel_loop3A_282 = tpu.bitcast %parallel_loop3A_281 : vector<16xi32> -> vector<16xf32>
        %parallel_loop3A_283 = arith.index_cast %parallel_loop3A_184 : i32 to index
        %parallel_loop3A_284 = arith.constant 80 : index
        %parallel_loop3A_285 = tpu.vector_load %arg12[%parallel_loop3A_283, %parallel_loop3A_284] {strides = array<i32>} : memref<128x128xf32, #tpu.memory_space<vmem>>, vector<1x16xf32>,
        %parallel_loop3A_286 = vector.shape_cast %parallel_loop3A_285 : vector<1x16xf32> to vector<16xf32>
        %parallel_loop3A_287 = arith.mulf %parallel_loop3A_286, %parallel_loop3A_282 : vector<16xf32>
        %parallel_loop3A_288 = arith.index_cast %parallel_loop3A_184 : i32 to index
        %parallel_loop3A_289 = arith.constant 80 : index
        %parallel_loop3A_290 = tpu.vector_load %arg12[%parallel_loop3A_288, %parallel_loop3A_289] {strides = array<i32>} : memref<128x128xf32, #tpu.memory_space<vmem>>, vector<1x16xf32>,
        %parallel_loop3A_291 = vector.shape_cast %parallel_loop3A_290 : vector<1x16xf32> to vector<16xf32>
        %parallel_loop3A_292 = vector.shape_cast %parallel_loop3A_287 : vector<16xf32> to vector<1x16xf32>
        tpu.vector_store %arg12[%parallel_loop3A_288, %parallel_loop3A_289], %parallel_loop3A_292 {strides = array<i32>} : memref<128x128xf32, #tpu.memory_space<vmem>>, vector<1x16xf32>,
        %parallel_loop3A_293 = arith.index_cast %parallel_loop3A_184 : i32 to index
        %parallel_loop3A_294 = arith.constant 96 : index
        %parallel_loop3A_295 = tpu.vector_load %arg14[%parallel_loop3A_293, %parallel_loop3A_294] {strides = array<i32>} : memref<128x128xi32, #tpu.memory_space<vmem>>, vector<1x16xi32>,
        %parallel_loop3A_296 = vector.shape_cast %parallel_loop3A_295 : vector<1x16xi32> to vector<16xi32>
        %parallel_loop3A_297 = arith.constant -65536 : i32
        %parallel_loop3A_298 = vector.broadcast %parallel_loop3A_297 : i32 to vector<16xi32>
        %parallel_loop3A_299 = arith.andi %parallel_loop3A_296, %parallel_loop3A_298 : vector<16xi32>
        %parallel_loop3A_300 = tpu.bitcast %parallel_loop3A_299 : vector<16xi32> -> vector<16xf32>
        %parallel_loop3A_301 = arith.index_cast %parallel_loop3A_184 : i32 to index
        %parallel_loop3A_302 = arith.constant 96 : index
        %parallel_loop3A_303 = tpu.vector_load %arg12[%parallel_loop3A_301, %parallel_loop3A_302] {strides = array<i32>} : memref<128x128xf32, #tpu.memory_space<vmem>>, vector<1x16xf32>,
        %parallel_loop3A_304 = vector.shape_cast %parallel_loop3A_303 : vector<1x16xf32> to vector<16xf32>
        %parallel_loop3A_305 = arith.mulf %parallel_loop3A_304, %parallel_loop3A_300 : vector<16xf32>
        %parallel_loop3A_306 = arith.index_cast %parallel_loop3A_184 : i32 to index
        %parallel_loop3A_307 = arith.constant 96 : index
        %parallel_loop3A_308 = tpu.vector_load %arg12[%parallel_loop3A_306, %parallel_loop3A_307] {strides = array<i32>} : memref<128x128xf32, #tpu.memory_space<vmem>>, vector<1x16xf32>,
        %parallel_loop3A_309 = vector.shape_cast %parallel_loop3A_308 : vector<1x16xf32> to vector<16xf32>
        %parallel_loop3A_310 = vector.shape_cast %parallel_loop3A_305 : vector<16xf32> to vector<1x16xf32>
        tpu.vector_store %arg12[%parallel_loop3A_306, %parallel_loop3A_307], %parallel_loop3A_310 {strides = array<i32>} : memref<128x128xf32, #tpu.memory_space<vmem>>, vector<1x16xf32>,
        %parallel_loop3A_311 = arith.index_cast %parallel_loop3A_184 : i32 to index
        %parallel_loop3A_312 = arith.constant 112 : index
        %parallel_loop3A_313 = tpu.vector_load %arg14[%parallel_loop3A_311, %parallel_loop3A_312] {strides = array<i32>} : memref<128x128xi32, #tpu.memory_space<vmem>>, vector<1x16xi32>,
        %parallel_loop3A_314 = vector.shape_cast %parallel_loop3A_313 : vector<1x16xi32> to vector<16xi32>
        %parallel_loop3A_315 = arith.constant -65536 : i32
        %parallel_loop3A_316 = vector.broadcast %parallel_loop3A_315 : i32 to vector<16xi32>
        %parallel_loop3A_317 = arith.andi %parallel_loop3A_314, %parallel_loop3A_316 : vector<16xi32>
        %parallel_loop3A_318 = tpu.bitcast %parallel_loop3A_317 : vector<16xi32> -> vector<16xf32>
        %parallel_loop3A_319 = arith.index_cast %parallel_loop3A_184 : i32 to index
        %parallel_loop3A_320 = arith.constant 112 : index
        %parallel_loop3A_321 = tpu.vector_load %arg12[%parallel_loop3A_319, %parallel_loop3A_320] {strides = array<i32>} : memref<128x128xf32, #tpu.memory_space<vmem>>, vector<1x16xf32>,
        %parallel_loop3A_322 = vector.shape_cast %parallel_loop3A_321 : vector<1x16xf32> to vector<16xf32>
        %parallel_loop3A_323 = arith.mulf %parallel_loop3A_322, %parallel_loop3A_318 : vector<16xf32>
        %parallel_loop3A_324 = arith.index_cast %parallel_loop3A_184 : i32 to index
        %parallel_loop3A_325 = arith.constant 112 : index
        %parallel_loop3A_326 = tpu.vector_load %arg12[%parallel_loop3A_324, %parallel_loop3A_325] {strides = array<i32>} : memref<128x128xf32, #tpu.memory_space<vmem>>, vector<1x16xf32>,
        %parallel_loop3A_327 = vector.shape_cast %parallel_loop3A_326 : vector<1x16xf32> to vector<16xf32>
        %parallel_loop3A_328 = vector.shape_cast %parallel_loop3A_323 : vector<16xf32> to vector<1x16xf32>
        tpu.vector_store %arg12[%parallel_loop3A_324, %parallel_loop3A_325], %parallel_loop3A_328 {strides = array<i32>} : memref<128x128xf32, #tpu.memory_space<vmem>>, vector<1x16xf32>,
      } {sc.loop_unroll_factor = 4 : i64, sc.parallel_access}
      %lt3A_178 = arith.constant 38 : i32
      %lt3A_179 = arith.cmpi slt, %scan3A_143, %lt3A_178 : i32
      %convert_element_type3A_180 = arith.extui %lt3A_179 : i1 to i32
      %cond3A_181 = arith.constant 0 : i32
      %cond3A_182 = arith.cmpi ne, %convert_element_type3A_180, %cond3A_181 : i32
      scf.if %cond3A_182 {
        %add3A_184 = arith.constant 1 : i32
        %add3A_185 = arith.addi %add3A_145, %add3A_184 : i32
        %mul3A_186 = arith.constant 128 : i32
        %mul3A_187 = arith.muli %add3A_185, %mul3A_186 : i32
        %dma_start3A_188 = arith.constant 0 : i32
        %dma_start3A_189 = tpu.memref_slice %arg3[%mul3A_187, %dma_start3A_188] : memref<160000x128xi32, #tpu.memory_space<hbm>> -> memref<128x128xi32, #tpu.memory_space<hbm>>
        %dma_start3A_190 = arith.constant 0 : i32
        %dma_start3A_191 = tpu.memref_slice %arg3[%mul3A_187, %dma_start3A_190] : memref<160000x128xi32, #tpu.memory_space<hbm>> -> memref<128x128xi32, #tpu.memory_space<hbm>>
        tpu.enqueue_dma source(%dma_start3A_191 : memref<128x128xi32, #tpu.memory_space<hbm>>) target(%arg14 : memref<128x128xi32, #tpu.memory_space<vmem>>) target_semaphore(%arg15 : memref<!tpu.dma_semaphore, #tpu.memory_space<semaphore_mem>>)
      } else {
      }
      "tpu.region"() ({
        %run_scoped3A_184 = tpu.sem_alloc : memref<!tpu.dma_semaphore, #tpu.memory_space<semaphore_mem>>
        %dma_start3A_185 = arith.constant 0 : i32
        %dma_start3A_186 = arith.constant 0 : i32
        %dma_start3A_187 = tpu.memref_slice %arg16[%dma_start3A_185, %dma_start3A_186] : memref<10000x128xf32, #tpu.memory_space<vmem_shared>> -> memref<10000x128xf32, #tpu.memory_space<vmem_shared>>
        tpu.enqueue_indirect_dma source(%arg12 : memref<128x128xf32, #tpu.memory_space<vmem>>) target(%dma_start3A_187 : memref<10000x128xf32, #tpu.memory_space<vmem_shared>>) offsets(%arg11 : memref<128xi32, #tpu.memory_space<vmem>>) semaphore(%run_scoped3A_184 : memref<!tpu.dma_semaphore, #tpu.memory_space<semaphore_mem>>) {add = true}
        %dma_wait3A_188 = arith.constant 0 : i32
        %dma_wait3A_189 = arith.constant 0 : i32
        %dma_wait3A_190 = tpu.memref_slice %arg16[%dma_wait3A_188, %dma_wait3A_189] : memref<10000x128xf32, #tpu.memory_space<vmem_shared>> -> memref<10000x128xf32, #tpu.memory_space<vmem_shared>>
        tpu.wait_indirect_dma semaphore(%run_scoped3A_184 : memref<!tpu.dma_semaphore, #tpu.memory_space<semaphore_mem>>) src(%arg12 : memref<128x128xf32, #tpu.memory_space<vmem>>) dst(%dma_wait3A_190 : memref<10000x128xf32, #tpu.memory_space<vmem_shared>>)
        tpu.yield
      }) : () -> ()
      %scan3A_183 = arith.constant 0 : i32
      scf.yield %scan3A_183 : i32
    }
    %scan3A_80 = arith.constant 39 : i32
    %lt3A_81 = arith.constant 2 : i32
    %lt3A_82 = arith.cmpi slt, %add3A, %lt3A_81 : i32
    %convert_element_type3A_83 = arith.extui %lt3A_82 : i1 to i32
    %cond3A_84 = arith.constant 0 : i32
    %cond3A_85 = arith.cmpi ne, %convert_element_type3A_83, %cond3A_84 : i32
    scf.if %cond3A_85 {
      %add3A_143 = arith.constant 1248 : i32
      %add3A_144 = arith.addi %add3A_143, %add3A : i32
      %mul3A_145 = arith.constant 128 : i32
      %mul3A_146 = arith.muli %add3A_144, %mul3A_145 : i32
      %dma_start3A_147 = arith.constant 0 : i32
      %dma_start3A_148 = tpu.memref_slice %arg3[%mul3A_146, %dma_start3A_147] : memref<160000x128xi32, #tpu.memory_space<hbm>> -> memref<128x128xi32, #tpu.memory_space<hbm>>
      %dma_start3A_149 = arith.constant 0 : i32
      %dma_start3A_150 = tpu.memref_slice %arg3[%mul3A_146, %dma_start3A_149] : memref<160000x128xi32, #tpu.memory_space<hbm>> -> memref<128x128xi32, #tpu.memory_space<hbm>>
      tpu.enqueue_dma source(%dma_start3A_150 : memref<128x128xi32, #tpu.memory_space<hbm>>) target(%arg14 : memref<128x128xi32, #tpu.memory_space<vmem>>) target_semaphore(%arg15 : memref<!tpu.dma_semaphore, #tpu.memory_space<semaphore_mem>>)
      %mul3A_151 = arith.constant 128 : i32
      %mul3A_152 = arith.muli %add3A_144, %mul3A_151 : i32
      %run_scoped3A_153 = arith.constant 0 : i32
      "tpu.region"() ({
        %run_scoped3A_185 = tpu.sem_alloc : memref<!tpu.dma_semaphore, #tpu.memory_space<semaphore_mem>>
        %dma_start3A_186 = tpu.memref_slice %arg4[%run_scoped3A_153, %mul3A_152] : memref<2x320000xi32, #tpu.memory_space<hbm>> -> memref<1x128xi32, #tpu.memory_space<hbm>>
        %dma_start3A_187 = tpu.memref_squeeze %dma_start3A_186 : memref<1x128xi32, #tpu.memory_space<hbm>> -> memref<128xi32, #tpu.memory_space<hbm>>
        %dma_start3A_188 = tpu.memref_slice %arg4[%run_scoped3A_153, %mul3A_152] : memref<2x320000xi32, #tpu.memory_space<hbm>> -> memref<1x128xi32, #tpu.memory_space<hbm>>
        %dma_start3A_189 = tpu.memref_squeeze %dma_start3A_188 : memref<1x128xi32, #tpu.memory_space<hbm>> -> memref<128xi32, #tpu.memory_space<hbm>>
        tpu.enqueue_dma source(%dma_start3A_189 : memref<128xi32, #tpu.memory_space<hbm>>) target(%arg6 : memref<128xi32, #tpu.memory_space<vmem>>) target_semaphore(%run_scoped3A_185 : memref<!tpu.dma_semaphore, #tpu.memory_space<semaphore_mem>>)
        %dma_wait3A_190 = tpu.memref_slice %arg4[%run_scoped3A_153, %mul3A_152] : memref<2x320000xi32, #tpu.memory_space<hbm>> -> memref<1x128xi32, #tpu.memory_space<hbm>>
        %dma_wait3A_191 = tpu.memref_squeeze %dma_wait3A_190 : memref<1x128xi32, #tpu.memory_space<hbm>> -> memref<128xi32, #tpu.memory_space<hbm>>
        %dma_wait3A_192 = tpu.memref_slice %arg4[%run_scoped3A_153, %mul3A_152] : memref<2x320000xi32, #tpu.memory_space<hbm>> -> memref<1x128xi32, #tpu.memory_space<hbm>>
        %dma_wait3A_193 = tpu.memref_squeeze %dma_wait3A_192 : memref<1x128xi32, #tpu.memory_space<hbm>> -> memref<128xi32, #tpu.memory_space<hbm>>
        tpu.wait_dma2 semaphore(%run_scoped3A_185 : memref<!tpu.dma_semaphore, #tpu.memory_space<semaphore_mem>>) src(%dma_wait3A_193 : memref<128xi32, #tpu.memory_space<hbm>>) dst(%arg6 : memref<128xi32, #tpu.memory_space<vmem>>)
        tpu.yield
      }) : () -> ()
      %run_scoped3A_154 = arith.constant 1 : i32
      "tpu.region"() ({
        %run_scoped3A_185 = tpu.sem_alloc : memref<!tpu.dma_semaphore, #tpu.memory_space<semaphore_mem>>
        %dma_start3A_186 = tpu.memref_slice %arg4[%run_scoped3A_154, %mul3A_152] : memref<2x320000xi32, #tpu.memory_space<hbm>> -> memref<1x128xi32, #tpu.memory_space<hbm>>
        %dma_start3A_187 = tpu.memref_squeeze %dma_start3A_186 : memref<1x128xi32, #tpu.memory_space<hbm>> -> memref<128xi32, #tpu.memory_space<hbm>>
        %dma_start3A_188 = tpu.memref_slice %arg4[%run_scoped3A_154, %mul3A_152] : memref<2x320000xi32, #tpu.memory_space<hbm>> -> memref<1x128xi32, #tpu.memory_space<hbm>>
        %dma_start3A_189 = tpu.memref_squeeze %dma_start3A_188 : memref<1x128xi32, #tpu.memory_space<hbm>> -> memref<128xi32, #tpu.memory_space<hbm>>
        tpu.enqueue_dma source(%dma_start3A_189 : memref<128xi32, #tpu.memory_space<hbm>>) target(%arg7 : memref<128xi32, #tpu.memory_space<vmem>>) target_semaphore(%run_scoped3A_185 : memref<!tpu.dma_semaphore, #tpu.memory_space<semaphore_mem>>)
        %dma_wait3A_190 = tpu.memref_slice %arg4[%run_scoped3A_154, %mul3A_152] : memref<2x320000xi32, #tpu.memory_space<hbm>> -> memref<1x128xi32, #tpu.memory_space<hbm>>
        %dma_wait3A_191 = tpu.memref_squeeze %dma_wait3A_190 : memref<1x128xi32, #tpu.memory_space<hbm>> -> memref<128xi32, #tpu.memory_space<hbm>>
        %dma_wait3A_192 = tpu.memref_slice %arg4[%run_scoped3A_154, %mul3A_152] : memref<2x320000xi32, #tpu.memory_space<hbm>> -> memref<1x128xi32, #tpu.memory_space<hbm>>
        %dma_wait3A_193 = tpu.memref_squeeze %dma_wait3A_192 : memref<1x128xi32, #tpu.memory_space<hbm>> -> memref<128xi32, #tpu.memory_space<hbm>>
        tpu.wait_dma2 semaphore(%run_scoped3A_185 : memref<!tpu.dma_semaphore, #tpu.memory_space<semaphore_mem>>) src(%dma_wait3A_193 : memref<128xi32, #tpu.memory_space<hbm>>) dst(%arg7 : memref<128xi32, #tpu.memory_space<vmem>>)
        tpu.yield
      }) : () -> ()
      %dma_start3A_155 = arith.constant 0 : i32
      %dma_start3A_156 = arith.constant 0 : i32
      %dma_start3A_157 = tpu.memref_slice %arg2[%dma_start3A_155, %dma_start3A_156] : memref<10000x128xf32, #tpu.memory_space<hbm>> -> memref<10000x128xf32, #tpu.memory_space<hbm>>
      tpu.enqueue_indirect_dma source(%dma_start3A_157 : memref<10000x128xf32, #tpu.memory_space<hbm>>) target(%arg8 : memref<128x128xf32, #tpu.memory_space<vmem>>) offsets(%arg6 : memref<128xi32, #tpu.memory_space<vmem>>) semaphore(%arg9 : memref<!tpu.dma_semaphore, #tpu.memory_space<semaphore_mem>>)
      %dma_wait3A = arith.constant 0 : i32
      %dma_wait3A_158 = arith.constant 0 : i32
      %dma_wait3A_159 = tpu.memref_slice %arg2[%dma_wait3A, %dma_wait3A_158] : memref<10000x128xf32, #tpu.memory_space<hbm>> -> memref<10000x128xf32, #tpu.memory_space<hbm>>
      tpu.wait_indirect_dma semaphore(%arg9 : memref<!tpu.dma_semaphore, #tpu.memory_space<semaphore_mem>>) src(%dma_wait3A_159 : memref<10000x128xf32, #tpu.memory_space<hbm>>) dst(%arg8 : memref<128x128xf32, #tpu.memory_space<vmem>>)
      %mul3A_160 = arith.constant 128 : i32
      %mul3A_161 = arith.muli %add3A_144, %mul3A_160 : i32
      %dma_wait3A_162 = arith.constant 0 : i32
      %dma_wait3A_163 = tpu.memref_slice %arg3[%mul3A_161, %dma_wait3A_162] : memref<160000x128xi32, #tpu.memory_space<hbm>> -> memref<128x128xi32, #tpu.memory_space<hbm>>
      %dma_wait3A_164 = arith.constant 0 : i32
      %dma_wait3A_165 = tpu.memref_slice %arg3[%mul3A_161, %dma_wait3A_164] : memref<160000x128xi32, #tpu.memory_space<hbm>> -> memref<128x128xi32, #tpu.memory_space<hbm>>
      tpu.wait_dma2 semaphore(%arg15 : memref<!tpu.dma_semaphore, #tpu.memory_space<semaphore_mem>>) src(%dma_wait3A_165 : memref<128x128xi32, #tpu.memory_space<hbm>>) dst(%arg14 : memref<128x128xi32, #tpu.memory_space<vmem>>)
      %parallel_loop3A = arith.constant 0 : i32
      %parallel_loop3A_166 = arith.constant 128 : i32
      %parallel_loop3A_167 = arith.constant 1 : i32
      scf.for %parallel_loop3A_185 = %parallel_loop3A to %parallel_loop3A_166 step %parallel_loop3A_167  : i32 {
        %parallel_loop3A_186 = arith.index_cast %parallel_loop3A_185 : i32 to index
        %parallel_loop3A_187 = arith.constant 0 : index
        %parallel_loop3A_188 = tpu.vector_load %arg14[%parallel_loop3A_186, %parallel_loop3A_187] {strides = array<i32>} : memref<128x128xi32, #tpu.memory_space<vmem>>, vector<1x16xi32>,
        %parallel_loop3A_189 = vector.shape_cast %parallel_loop3A_188 : vector<1x16xi32> to vector<16xi32>
        %parallel_loop3A_190 = arith.constant 16 : i32
        %parallel_loop3A_191 = vector.broadcast %parallel_loop3A_190 : i32 to vector<16xi32>
        %parallel_loop3A_192 = arith.shli %parallel_loop3A_189, %parallel_loop3A_191 : vector<16xi32>
        %parallel_loop3A_193 = tpu.bitcast %parallel_loop3A_192 : vector<16xi32> -> vector<16xf32>
        %parallel_loop3A_194 = arith.index_cast %parallel_loop3A_185 : i32 to index
        %parallel_loop3A_195 = arith.constant 0 : index
        %parallel_loop3A_196 = tpu.vector_load %arg8[%parallel_loop3A_194, %parallel_loop3A_195] {strides = array<i32>} : memref<128x128xf32, #tpu.memory_space<vmem>>, vector<1x16xf32>,
        %parallel_loop3A_197 = vector.shape_cast %parallel_loop3A_196 : vector<1x16xf32> to vector<16xf32>
        %parallel_loop3A_198 = arith.mulf %parallel_loop3A_197, %parallel_loop3A_193 : vector<16xf32>
        %parallel_loop3A_199 = arith.index_cast %parallel_loop3A_185 : i32 to index
        %parallel_loop3A_200 = arith.constant 0 : index
        %parallel_loop3A_201 = tpu.vector_load %arg8[%parallel_loop3A_199, %parallel_loop3A_200] {strides = array<i32>} : memref<128x128xf32, #tpu.memory_space<vmem>>, vector<1x16xf32>,
        %parallel_loop3A_202 = vector.shape_cast %parallel_loop3A_201 : vector<1x16xf32> to vector<16xf32>
        %parallel_loop3A_203 = vector.shape_cast %parallel_loop3A_198 : vector<16xf32> to vector<1x16xf32>
        tpu.vector_store %arg8[%parallel_loop3A_199, %parallel_loop3A_200], %parallel_loop3A_203 {strides = array<i32>} : memref<128x128xf32, #tpu.memory_space<vmem>>, vector<1x16xf32>,
        %parallel_loop3A_204 = arith.index_cast %parallel_loop3A_185 : i32 to index
        %parallel_loop3A_205 = arith.constant 16 : index
        %parallel_loop3A_206 = tpu.vector_load %arg14[%parallel_loop3A_204, %parallel_loop3A_205] {strides = array<i32>} : memref<128x128xi32, #tpu.memory_space<vmem>>, vector<1x16xi32>,
        %parallel_loop3A_207 = vector.shape_cast %parallel_loop3A_206 : vector<1x16xi32> to vector<16xi32>
        %parallel_loop3A_208 = arith.constant 16 : i32
        %parallel_loop3A_209 = vector.broadcast %parallel_loop3A_208 : i32 to vector<16xi32>
        %parallel_loop3A_210 = arith.shli %parallel_loop3A_207, %parallel_loop3A_209 : vector<16xi32>
        %parallel_loop3A_211 = tpu.bitcast %parallel_loop3A_210 : vector<16xi32> -> vector<16xf32>
        %parallel_loop3A_212 = arith.index_cast %parallel_loop3A_185 : i32 to index
        %parallel_loop3A_213 = arith.constant 16 : index
        %parallel_loop3A_214 = tpu.vector_load %arg8[%parallel_loop3A_212, %parallel_loop3A_213] {strides = array<i32>} : memref<128x128xf32, #tpu.memory_space<vmem>>, vector<1x16xf32>,
        %parallel_loop3A_215 = vector.shape_cast %parallel_loop3A_214 : vector<1x16xf32> to vector<16xf32>
        %parallel_loop3A_216 = arith.mulf %parallel_loop3A_215, %parallel_loop3A_211 : vector<16xf32>
        %parallel_loop3A_217 = arith.index_cast %parallel_loop3A_185 : i32 to index
        %parallel_loop3A_218 = arith.constant 16 : index
        %parallel_loop3A_219 = tpu.vector_load %arg8[%parallel_loop3A_217, %parallel_loop3A_218] {strides = array<i32>} : memref<128x128xf32, #tpu.memory_space<vmem>>, vector<1x16xf32>,
        %parallel_loop3A_220 = vector.shape_cast %parallel_loop3A_219 : vector<1x16xf32> to vector<16xf32>
        %parallel_loop3A_221 = vector.shape_cast %parallel_loop3A_216 : vector<16xf32> to vector<1x16xf32>
        tpu.vector_store %arg8[%parallel_loop3A_217, %parallel_loop3A_218], %parallel_loop3A_221 {strides = array<i32>} : memref<128x128xf32, #tpu.memory_space<vmem>>, vector<1x16xf32>,
        %parallel_loop3A_222 = arith.index_cast %parallel_loop3A_185 : i32 to index
        %parallel_loop3A_223 = arith.constant 32 : index
        %parallel_loop3A_224 = tpu.vector_load %arg14[%parallel_loop3A_222, %parallel_loop3A_223] {strides = array<i32>} : memref<128x128xi32, #tpu.memory_space<vmem>>, vector<1x16xi32>,
        %parallel_loop3A_225 = vector.shape_cast %parallel_loop3A_224 : vector<1x16xi32> to vector<16xi32>
        %parallel_loop3A_226 = arith.constant 16 : i32
        %parallel_loop3A_227 = vector.broadcast %parallel_loop3A_226 : i32 to vector<16xi32>
        %parallel_loop3A_228 = arith.shli %parallel_loop3A_225, %parallel_loop3A_227 : vector<16xi32>
        %parallel_loop3A_229 = tpu.bitcast %parallel_loop3A_228 : vector<16xi32> -> vector<16xf32>
        %parallel_loop3A_230 = arith.index_cast %parallel_loop3A_185 : i32 to index
        %parallel_loop3A_231 = arith.constant 32 : index
        %parallel_loop3A_232 = tpu.vector_load %arg8[%parallel_loop3A_230, %parallel_loop3A_231] {strides = array<i32>} : memref<128x128xf32, #tpu.memory_space<vmem>>, vector<1x16xf32>,
        %parallel_loop3A_233 = vector.shape_cast %parallel_loop3A_232 : vector<1x16xf32> to vector<16xf32>
        %parallel_loop3A_234 = arith.mulf %parallel_loop3A_233, %parallel_loop3A_229 : vector<16xf32>
        %parallel_loop3A_235 = arith.index_cast %parallel_loop3A_185 : i32 to index
        %parallel_loop3A_236 = arith.constant 32 : index
        %parallel_loop3A_237 = tpu.vector_load %arg8[%parallel_loop3A_235, %parallel_loop3A_236] {strides = array<i32>} : memref<128x128xf32, #tpu.memory_space<vmem>>, vector<1x16xf32>,
        %parallel_loop3A_238 = vector.shape_cast %parallel_loop3A_237 : vector<1x16xf32> to vector<16xf32>
        %parallel_loop3A_239 = vector.shape_cast %parallel_loop3A_234 : vector<16xf32> to vector<1x16xf32>
        tpu.vector_store %arg8[%parallel_loop3A_235, %parallel_loop3A_236], %parallel_loop3A_239 {strides = array<i32>} : memref<128x128xf32, #tpu.memory_space<vmem>>, vector<1x16xf32>,
        %parallel_loop3A_240 = arith.index_cast %parallel_loop3A_185 : i32 to index
        %parallel_loop3A_241 = arith.constant 48 : index
        %parallel_loop3A_242 = tpu.vector_load %arg14[%parallel_loop3A_240, %parallel_loop3A_241] {strides = array<i32>} : memref<128x128xi32, #tpu.memory_space<vmem>>, vector<1x16xi32>,
        %parallel_loop3A_243 = vector.shape_cast %parallel_loop3A_242 : vector<1x16xi32> to vector<16xi32>
        %parallel_loop3A_244 = arith.constant 16 : i32
        %parallel_loop3A_245 = vector.broadcast %parallel_loop3A_244 : i32 to vector<16xi32>
        %parallel_loop3A_246 = arith.shli %parallel_loop3A_243, %parallel_loop3A_245 : vector<16xi32>
        %parallel_loop3A_247 = tpu.bitcast %parallel_loop3A_246 : vector<16xi32> -> vector<16xf32>
        %parallel_loop3A_248 = arith.index_cast %parallel_loop3A_185 : i32 to index
        %parallel_loop3A_249 = arith.constant 48 : index
        %parallel_loop3A_250 = tpu.vector_load %arg8[%parallel_loop3A_248, %parallel_loop3A_249] {strides = array<i32>} : memref<128x128xf32, #tpu.memory_space<vmem>>, vector<1x16xf32>,
        %parallel_loop3A_251 = vector.shape_cast %parallel_loop3A_250 : vector<1x16xf32> to vector<16xf32>
        %parallel_loop3A_252 = arith.mulf %parallel_loop3A_251, %parallel_loop3A_247 : vector<16xf32>
        %parallel_loop3A_253 = arith.index_cast %parallel_loop3A_185 : i32 to index
        %parallel_loop3A_254 = arith.constant 48 : index
        %parallel_loop3A_255 = tpu.vector_load %arg8[%parallel_loop3A_253, %parallel_loop3A_254] {strides = array<i32>} : memref<128x128xf32, #tpu.memory_space<vmem>>, vector<1x16xf32>,
        %parallel_loop3A_256 = vector.shape_cast %parallel_loop3A_255 : vector<1x16xf32> to vector<16xf32>
        %parallel_loop3A_257 = vector.shape_cast %parallel_loop3A_252 : vector<16xf32> to vector<1x16xf32>
        tpu.vector_store %arg8[%parallel_loop3A_253, %parallel_loop3A_254], %parallel_loop3A_257 {strides = array<i32>} : memref<128x128xf32, #tpu.memory_space<vmem>>, vector<1x16xf32>,
        %parallel_loop3A_258 = arith.index_cast %parallel_loop3A_185 : i32 to index
        %parallel_loop3A_259 = arith.constant 64 : index
        %parallel_loop3A_260 = tpu.vector_load %arg14[%parallel_loop3A_258, %parallel_loop3A_259] {strides = array<i32>} : memref<128x128xi32, #tpu.memory_space<vmem>>, vector<1x16xi32>,
        %parallel_loop3A_261 = vector.shape_cast %parallel_loop3A_260 : vector<1x16xi32> to vector<16xi32>
        %parallel_loop3A_262 = arith.constant 16 : i32
        %parallel_loop3A_263 = vector.broadcast %parallel_loop3A_262 : i32 to vector<16xi32>
        %parallel_loop3A_264 = arith.shli %parallel_loop3A_261, %parallel_loop3A_263 : vector<16xi32>
        %parallel_loop3A_265 = tpu.bitcast %parallel_loop3A_264 : vector<16xi32> -> vector<16xf32>
        %parallel_loop3A_266 = arith.index_cast %parallel_loop3A_185 : i32 to index
        %parallel_loop3A_267 = arith.constant 64 : index
        %parallel_loop3A_268 = tpu.vector_load %arg8[%parallel_loop3A_266, %parallel_loop3A_267] {strides = array<i32>} : memref<128x128xf32, #tpu.memory_space<vmem>>, vector<1x16xf32>,
        %parallel_loop3A_269 = vector.shape_cast %parallel_loop3A_268 : vector<1x16xf32> to vector<16xf32>
        %parallel_loop3A_270 = arith.mulf %parallel_loop3A_269, %parallel_loop3A_265 : vector<16xf32>
        %parallel_loop3A_271 = arith.index_cast %parallel_loop3A_185 : i32 to index
        %parallel_loop3A_272 = arith.constant 64 : index
        %parallel_loop3A_273 = tpu.vector_load %arg8[%parallel_loop3A_271, %parallel_loop3A_272] {strides = array<i32>} : memref<128x128xf32, #tpu.memory_space<vmem>>, vector<1x16xf32>,
        %parallel_loop3A_274 = vector.shape_cast %parallel_loop3A_273 : vector<1x16xf32> to vector<16xf32>
        %parallel_loop3A_275 = vector.shape_cast %parallel_loop3A_270 : vector<16xf32> to vector<1x16xf32>
        tpu.vector_store %arg8[%parallel_loop3A_271, %parallel_loop3A_272], %parallel_loop3A_275 {strides = array<i32>} : memref<128x128xf32, #tpu.memory_space<vmem>>, vector<1x16xf32>,
        %parallel_loop3A_276 = arith.index_cast %parallel_loop3A_185 : i32 to index
        %parallel_loop3A_277 = arith.constant 80 : index
        %parallel_loop3A_278 = tpu.vector_load %arg14[%parallel_loop3A_276, %parallel_loop3A_277] {strides = array<i32>} : memref<128x128xi32, #tpu.memory_space<vmem>>, vector<1x16xi32>,
        %parallel_loop3A_279 = vector.shape_cast %parallel_loop3A_278 : vector<1x16xi32> to vector<16xi32>
        %parallel_loop3A_280 = arith.constant 16 : i32
        %parallel_loop3A_281 = vector.broadcast %parallel_loop3A_280 : i32 to vector<16xi32>
        %parallel_loop3A_282 = arith.shli %parallel_loop3A_279, %parallel_loop3A_281 : vector<16xi32>
        %parallel_loop3A_283 = tpu.bitcast %parallel_loop3A_282 : vector<16xi32> -> vector<16xf32>
        %parallel_loop3A_284 = arith.index_cast %parallel_loop3A_185 : i32 to index
        %parallel_loop3A_285 = arith.constant 80 : index
        %parallel_loop3A_286 = tpu.vector_load %arg8[%parallel_loop3A_284, %parallel_loop3A_285] {strides = array<i32>} : memref<128x128xf32, #tpu.memory_space<vmem>>, vector<1x16xf32>,
        %parallel_loop3A_287 = vector.shape_cast %parallel_loop3A_286 : vector<1x16xf32> to vector<16xf32>
        %parallel_loop3A_288 = arith.mulf %parallel_loop3A_287, %parallel_loop3A_283 : vector<16xf32>
        %parallel_loop3A_289 = arith.index_cast %parallel_loop3A_185 : i32 to index
        %parallel_loop3A_290 = arith.constant 80 : index
        %parallel_loop3A_291 = tpu.vector_load %arg8[%parallel_loop3A_289, %parallel_loop3A_290] {strides = array<i32>} : memref<128x128xf32, #tpu.memory_space<vmem>>, vector<1x16xf32>,
        %parallel_loop3A_292 = vector.shape_cast %parallel_loop3A_291 : vector<1x16xf32> to vector<16xf32>
        %parallel_loop3A_293 = vector.shape_cast %parallel_loop3A_288 : vector<16xf32> to vector<1x16xf32>
        tpu.vector_store %arg8[%parallel_loop3A_289, %parallel_loop3A_290], %parallel_loop3A_293 {strides = array<i32>} : memref<128x128xf32, #tpu.memory_space<vmem>>, vector<1x16xf32>,
        %parallel_loop3A_294 = arith.index_cast %parallel_loop3A_185 : i32 to index
        %parallel_loop3A_295 = arith.constant 96 : index
        %parallel_loop3A_296 = tpu.vector_load %arg14[%parallel_loop3A_294, %parallel_loop3A_295] {strides = array<i32>} : memref<128x128xi32, #tpu.memory_space<vmem>>, vector<1x16xi32>,
        %parallel_loop3A_297 = vector.shape_cast %parallel_loop3A_296 : vector<1x16xi32> to vector<16xi32>
        %parallel_loop3A_298 = arith.constant 16 : i32
        %parallel_loop3A_299 = vector.broadcast %parallel_loop3A_298 : i32 to vector<16xi32>
        %parallel_loop3A_300 = arith.shli %parallel_loop3A_297, %parallel_loop3A_299 : vector<16xi32>
        %parallel_loop3A_301 = tpu.bitcast %parallel_loop3A_300 : vector<16xi32> -> vector<16xf32>
        %parallel_loop3A_302 = arith.index_cast %parallel_loop3A_185 : i32 to index
        %parallel_loop3A_303 = arith.constant 96 : index
        %parallel_loop3A_304 = tpu.vector_load %arg8[%parallel_loop3A_302, %parallel_loop3A_303] {strides = array<i32>} : memref<128x128xf32, #tpu.memory_space<vmem>>, vector<1x16xf32>,
        %parallel_loop3A_305 = vector.shape_cast %parallel_loop3A_304 : vector<1x16xf32> to vector<16xf32>
        %parallel_loop3A_306 = arith.mulf %parallel_loop3A_305, %parallel_loop3A_301 : vector<16xf32>
        %parallel_loop3A_307 = arith.index_cast %parallel_loop3A_185 : i32 to index
        %parallel_loop3A_308 = arith.constant 96 : index
        %parallel_loop3A_309 = tpu.vector_load %arg8[%parallel_loop3A_307, %parallel_loop3A_308] {strides = array<i32>} : memref<128x128xf32, #tpu.memory_space<vmem>>, vector<1x16xf32>,
        %parallel_loop3A_310 = vector.shape_cast %parallel_loop3A_309 : vector<1x16xf32> to vector<16xf32>
        %parallel_loop3A_311 = vector.shape_cast %parallel_loop3A_306 : vector<16xf32> to vector<1x16xf32>
        tpu.vector_store %arg8[%parallel_loop3A_307, %parallel_loop3A_308], %parallel_loop3A_311 {strides = array<i32>} : memref<128x128xf32, #tpu.memory_space<vmem>>, vector<1x16xf32>,
        %parallel_loop3A_312 = arith.index_cast %parallel_loop3A_185 : i32 to index
        %parallel_loop3A_313 = arith.constant 112 : index
        %parallel_loop3A_314 = tpu.vector_load %arg14[%parallel_loop3A_312, %parallel_loop3A_313] {strides = array<i32>} : memref<128x128xi32, #tpu.memory_space<vmem>>, vector<1x16xi32>,
        %parallel_loop3A_315 = vector.shape_cast %parallel_loop3A_314 : vector<1x16xi32> to vector<16xi32>
        %parallel_loop3A_316 = arith.constant 16 : i32
        %parallel_loop3A_317 = vector.broadcast %parallel_loop3A_316 : i32 to vector<16xi32>
        %parallel_loop3A_318 = arith.shli %parallel_loop3A_315, %parallel_loop3A_317 : vector<16xi32>
        %parallel_loop3A_319 = tpu.bitcast %parallel_loop3A_318 : vector<16xi32> -> vector<16xf32>
        %parallel_loop3A_320 = arith.index_cast %parallel_loop3A_185 : i32 to index
        %parallel_loop3A_321 = arith.constant 112 : index
        %parallel_loop3A_322 = tpu.vector_load %arg8[%parallel_loop3A_320, %parallel_loop3A_321] {strides = array<i32>} : memref<128x128xf32, #tpu.memory_space<vmem>>, vector<1x16xf32>,
        %parallel_loop3A_323 = vector.shape_cast %parallel_loop3A_322 : vector<1x16xf32> to vector<16xf32>
        %parallel_loop3A_324 = arith.mulf %parallel_loop3A_323, %parallel_loop3A_319 : vector<16xf32>
        %parallel_loop3A_325 = arith.index_cast %parallel_loop3A_185 : i32 to index
        %parallel_loop3A_326 = arith.constant 112 : index
        %parallel_loop3A_327 = tpu.vector_load %arg8[%parallel_loop3A_325, %parallel_loop3A_326] {strides = array<i32>} : memref<128x128xf32, #tpu.memory_space<vmem>>, vector<1x16xf32>,
        %parallel_loop3A_328 = vector.shape_cast %parallel_loop3A_327 : vector<1x16xf32> to vector<16xf32>
        %parallel_loop3A_329 = vector.shape_cast %parallel_loop3A_324 : vector<16xf32> to vector<1x16xf32>
        tpu.vector_store %arg8[%parallel_loop3A_325, %parallel_loop3A_326], %parallel_loop3A_329 {strides = array<i32>} : memref<128x128xf32, #tpu.memory_space<vmem>>, vector<1x16xf32>,
      } {sc.loop_unroll_factor = 4 : i64, sc.parallel_access}
      "tpu.region"() ({
        %run_scoped3A_185 = tpu.sem_alloc : memref<!tpu.dma_semaphore, #tpu.memory_space<semaphore_mem>>
        %dma_start3A_186 = arith.constant 0 : i32
        %dma_start3A_187 = arith.constant 0 : i32
        %dma_start3A_188 = tpu.memref_slice %arg16[%dma_start3A_186, %dma_start3A_187] : memref<10000x128xf32, #tpu.memory_space<vmem_shared>> -> memref<10000x128xf32, #tpu.memory_space<vmem_shared>>
        tpu.enqueue_indirect_dma source(%arg8 : memref<128x128xf32, #tpu.memory_space<vmem>>) target(%dma_start3A_188 : memref<10000x128xf32, #tpu.memory_space<vmem_shared>>) offsets(%arg7 : memref<128xi32, #tpu.memory_space<vmem>>) semaphore(%run_scoped3A_185 : memref<!tpu.dma_semaphore, #tpu.memory_space<semaphore_mem>>) {add = true}
        %dma_wait3A_189 = arith.constant 0 : i32
        %dma_wait3A_190 = arith.constant 0 : i32
        %dma_wait3A_191 = tpu.memref_slice %arg16[%dma_wait3A_189, %dma_wait3A_190] : memref<10000x128xf32, #tpu.memory_space<vmem_shared>> -> memref<10000x128xf32, #tpu.memory_space<vmem_shared>>
        tpu.wait_indirect_dma semaphore(%run_scoped3A_185 : memref<!tpu.dma_semaphore, #tpu.memory_space<semaphore_mem>>) src(%arg8 : memref<128x128xf32, #tpu.memory_space<vmem>>) dst(%dma_wait3A_191 : memref<10000x128xf32, #tpu.memory_space<vmem_shared>>)
        tpu.yield
      }) : () -> ()
      %add3A_168 = arith.constant 1250 : i32
      %add3A_169 = arith.addi %add3A_144, %add3A_168 : i32
      %mul3A_170 = arith.constant 128 : i32
      %mul3A_171 = arith.muli %add3A_169, %mul3A_170 : i32
      %run_scoped3A_172 = arith.constant 0 : i32
      "tpu.region"() ({
        %run_scoped3A_185 = tpu.sem_alloc : memref<!tpu.dma_semaphore, #tpu.memory_space<semaphore_mem>>
        %dma_start3A_186 = tpu.memref_slice %arg4[%run_scoped3A_172, %mul3A_171] : memref<2x320000xi32, #tpu.memory_space<hbm>> -> memref<1x128xi32, #tpu.memory_space<hbm>>
        %dma_start3A_187 = tpu.memref_squeeze %dma_start3A_186 : memref<1x128xi32, #tpu.memory_space<hbm>> -> memref<128xi32, #tpu.memory_space<hbm>>
        %dma_start3A_188 = tpu.memref_slice %arg4[%run_scoped3A_172, %mul3A_171] : memref<2x320000xi32, #tpu.memory_space<hbm>> -> memref<1x128xi32, #tpu.memory_space<hbm>>
        %dma_start3A_189 = tpu.memref_squeeze %dma_start3A_188 : memref<1x128xi32, #tpu.memory_space<hbm>> -> memref<128xi32, #tpu.memory_space<hbm>>
        tpu.enqueue_dma source(%dma_start3A_189 : memref<128xi32, #tpu.memory_space<hbm>>) target(%arg10 : memref<128xi32, #tpu.memory_space<vmem>>) target_semaphore(%run_scoped3A_185 : memref<!tpu.dma_semaphore, #tpu.memory_space<semaphore_mem>>)
        %dma_wait3A_190 = tpu.memref_slice %arg4[%run_scoped3A_172, %mul3A_171] : memref<2x320000xi32, #tpu.memory_space<hbm>> -> memref<1x128xi32, #tpu.memory_space<hbm>>
        %dma_wait3A_191 = tpu.memref_squeeze %dma_wait3A_190 : memref<1x128xi32, #tpu.memory_space<hbm>> -> memref<128xi32, #tpu.memory_space<hbm>>
        %dma_wait3A_192 = tpu.memref_slice %arg4[%run_scoped3A_172, %mul3A_171] : memref<2x320000xi32, #tpu.memory_space<hbm>> -> memref<1x128xi32, #tpu.memory_space<hbm>>
        %dma_wait3A_193 = tpu.memref_squeeze %dma_wait3A_192 : memref<1x128xi32, #tpu.memory_space<hbm>> -> memref<128xi32, #tpu.memory_space<hbm>>
        tpu.wait_dma2 semaphore(%run_scoped3A_185 : memref<!tpu.dma_semaphore, #tpu.memory_space<semaphore_mem>>) src(%dma_wait3A_193 : memref<128xi32, #tpu.memory_space<hbm>>) dst(%arg10 : memref<128xi32, #tpu.memory_space<vmem>>)
        tpu.yield
      }) : () -> ()
      %run_scoped3A_173 = arith.constant 1 : i32
      "tpu.region"() ({
        %run_scoped3A_185 = tpu.sem_alloc : memref<!tpu.dma_semaphore, #tpu.memory_space<semaphore_mem>>
        %dma_start3A_186 = tpu.memref_slice %arg4[%run_scoped3A_173, %mul3A_171] : memref<2x320000xi32, #tpu.memory_space<hbm>> -> memref<1x128xi32, #tpu.memory_space<hbm>>
        %dma_start3A_187 = tpu.memref_squeeze %dma_start3A_186 : memref<1x128xi32, #tpu.memory_space<hbm>> -> memref<128xi32, #tpu.memory_space<hbm>>
        %dma_start3A_188 = tpu.memref_slice %arg4[%run_scoped3A_173, %mul3A_171] : memref<2x320000xi32, #tpu.memory_space<hbm>> -> memref<1x128xi32, #tpu.memory_space<hbm>>
        %dma_start3A_189 = tpu.memref_squeeze %dma_start3A_188 : memref<1x128xi32, #tpu.memory_space<hbm>> -> memref<128xi32, #tpu.memory_space<hbm>>
        tpu.enqueue_dma source(%dma_start3A_189 : memref<128xi32, #tpu.memory_space<hbm>>) target(%arg11 : memref<128xi32, #tpu.memory_space<vmem>>) target_semaphore(%run_scoped3A_185 : memref<!tpu.dma_semaphore, #tpu.memory_space<semaphore_mem>>)
        %dma_wait3A_190 = tpu.memref_slice %arg4[%run_scoped3A_173, %mul3A_171] : memref<2x320000xi32, #tpu.memory_space<hbm>> -> memref<1x128xi32, #tpu.memory_space<hbm>>
        %dma_wait3A_191 = tpu.memref_squeeze %dma_wait3A_190 : memref<1x128xi32, #tpu.memory_space<hbm>> -> memref<128xi32, #tpu.memory_space<hbm>>
        %dma_wait3A_192 = tpu.memref_slice %arg4[%run_scoped3A_173, %mul3A_171] : memref<2x320000xi32, #tpu.memory_space<hbm>> -> memref<1x128xi32, #tpu.memory_space<hbm>>
        %dma_wait3A_193 = tpu.memref_squeeze %dma_wait3A_192 : memref<1x128xi32, #tpu.memory_space<hbm>> -> memref<128xi32, #tpu.memory_space<hbm>>
        tpu.wait_dma2 semaphore(%run_scoped3A_185 : memref<!tpu.dma_semaphore, #tpu.memory_space<semaphore_mem>>) src(%dma_wait3A_193 : memref<128xi32, #tpu.memory_space<hbm>>) dst(%arg11 : memref<128xi32, #tpu.memory_space<vmem>>)
        tpu.yield
      }) : () -> ()
      %dma_start3A_174 = arith.constant 0 : i32
      %dma_start3A_175 = arith.constant 0 : i32
      %dma_start3A_176 = tpu.memref_slice %arg2[%dma_start3A_174, %dma_start3A_175] : memref<10000x128xf32, #tpu.memory_space<hbm>> -> memref<10000x128xf32, #tpu.memory_space<hbm>>
      tpu.enqueue_indirect_dma source(%dma_start3A_176 : memref<10000x128xf32, #tpu.memory_space<hbm>>) target(%arg12 : memref<128x128xf32, #tpu.memory_space<vmem>>) offsets(%arg10 : memref<128xi32, #tpu.memory_space<vmem>>) semaphore(%arg13 : memref<!tpu.dma_semaphore, #tpu.memory_space<semaphore_mem>>)
      %add3A_177 = arith.constant 1250 : i32
      %add3A_178 = arith.addi %add3A_144, %add3A_177 : i32
      %dma_wait3A_179 = arith.constant 0 : i32
      %dma_wait3A_180 = arith.constant 0 : i32
      %dma_wait3A_181 = tpu.memref_slice %arg2[%dma_wait3A_179, %dma_wait3A_180] : memref<10000x128xf32, #tpu.memory_space<hbm>> -> memref<10000x128xf32, #tpu.memory_space<hbm>>
      tpu.wait_indirect_dma semaphore(%arg13 : memref<!tpu.dma_semaphore, #tpu.memory_space<semaphore_mem>>) src(%dma_wait3A_181 : memref<10000x128xf32, #tpu.memory_space<hbm>>) dst(%arg12 : memref<128x128xf32, #tpu.memory_space<vmem>>)
      %parallel_loop3A_182 = arith.constant 0 : i32
      %parallel_loop3A_183 = arith.constant 128 : i32
      %parallel_loop3A_184 = arith.constant 1 : i32
      scf.for %parallel_loop3A_185 = %parallel_loop3A_182 to %parallel_loop3A_183 step %parallel_loop3A_184  : i32 {
        %parallel_loop3A_186 = arith.index_cast %parallel_loop3A_185 : i32 to index
        %parallel_loop3A_187 = arith.constant 0 : index
        %parallel_loop3A_188 = tpu.vector_load %arg14[%parallel_loop3A_186, %parallel_loop3A_187] {strides = array<i32>} : memref<128x128xi32, #tpu.memory_space<vmem>>, vector<1x16xi32>,
        %parallel_loop3A_189 = vector.shape_cast %parallel_loop3A_188 : vector<1x16xi32> to vector<16xi32>
        %parallel_loop3A_190 = arith.constant -65536 : i32
        %parallel_loop3A_191 = vector.broadcast %parallel_loop3A_190 : i32 to vector<16xi32>
        %parallel_loop3A_192 = arith.andi %parallel_loop3A_189, %parallel_loop3A_191 : vector<16xi32>
        %parallel_loop3A_193 = tpu.bitcast %parallel_loop3A_192 : vector<16xi32> -> vector<16xf32>
        %parallel_loop3A_194 = arith.index_cast %parallel_loop3A_185 : i32 to index
        %parallel_loop3A_195 = arith.constant 0 : index
        %parallel_loop3A_196 = tpu.vector_load %arg12[%parallel_loop3A_194, %parallel_loop3A_195] {strides = array<i32>} : memref<128x128xf32, #tpu.memory_space<vmem>>, vector<1x16xf32>,
        %parallel_loop3A_197 = vector.shape_cast %parallel_loop3A_196 : vector<1x16xf32> to vector<16xf32>
        %parallel_loop3A_198 = arith.mulf %parallel_loop3A_197, %parallel_loop3A_193 : vector<16xf32>
        %parallel_loop3A_199 = arith.index_cast %parallel_loop3A_185 : i32 to index
        %parallel_loop3A_200 = arith.constant 0 : index
        %parallel_loop3A_201 = tpu.vector_load %arg12[%parallel_loop3A_199, %parallel_loop3A_200] {strides = array<i32>} : memref<128x128xf32, #tpu.memory_space<vmem>>, vector<1x16xf32>,
        %parallel_loop3A_202 = vector.shape_cast %parallel_loop3A_201 : vector<1x16xf32> to vector<16xf32>
        %parallel_loop3A_203 = vector.shape_cast %parallel_loop3A_198 : vector<16xf32> to vector<1x16xf32>
        tpu.vector_store %arg12[%parallel_loop3A_199, %parallel_loop3A_200], %parallel_loop3A_203 {strides = array<i32>} : memref<128x128xf32, #tpu.memory_space<vmem>>, vector<1x16xf32>,
        %parallel_loop3A_204 = arith.index_cast %parallel_loop3A_185 : i32 to index
        %parallel_loop3A_205 = arith.constant 16 : index
        %parallel_loop3A_206 = tpu.vector_load %arg14[%parallel_loop3A_204, %parallel_loop3A_205] {strides = array<i32>} : memref<128x128xi32, #tpu.memory_space<vmem>>, vector<1x16xi32>,
        %parallel_loop3A_207 = vector.shape_cast %parallel_loop3A_206 : vector<1x16xi32> to vector<16xi32>
        %parallel_loop3A_208 = arith.constant -65536 : i32
        %parallel_loop3A_209 = vector.broadcast %parallel_loop3A_208 : i32 to vector<16xi32>
        %parallel_loop3A_210 = arith.andi %parallel_loop3A_207, %parallel_loop3A_209 : vector<16xi32>
        %parallel_loop3A_211 = tpu.bitcast %parallel_loop3A_210 : vector<16xi32> -> vector<16xf32>
        %parallel_loop3A_212 = arith.index_cast %parallel_loop3A_185 : i32 to index
        %parallel_loop3A_213 = arith.constant 16 : index
        %parallel_loop3A_214 = tpu.vector_load %arg12[%parallel_loop3A_212, %parallel_loop3A_213] {strides = array<i32>} : memref<128x128xf32, #tpu.memory_space<vmem>>, vector<1x16xf32>,
        %parallel_loop3A_215 = vector.shape_cast %parallel_loop3A_214 : vector<1x16xf32> to vector<16xf32>
        %parallel_loop3A_216 = arith.mulf %parallel_loop3A_215, %parallel_loop3A_211 : vector<16xf32>
        %parallel_loop3A_217 = arith.index_cast %parallel_loop3A_185 : i32 to index
        %parallel_loop3A_218 = arith.constant 16 : index
        %parallel_loop3A_219 = tpu.vector_load %arg12[%parallel_loop3A_217, %parallel_loop3A_218] {strides = array<i32>} : memref<128x128xf32, #tpu.memory_space<vmem>>, vector<1x16xf32>,
        %parallel_loop3A_220 = vector.shape_cast %parallel_loop3A_219 : vector<1x16xf32> to vector<16xf32>
        %parallel_loop3A_221 = vector.shape_cast %parallel_loop3A_216 : vector<16xf32> to vector<1x16xf32>
        tpu.vector_store %arg12[%parallel_loop3A_217, %parallel_loop3A_218], %parallel_loop3A_221 {strides = array<i32>} : memref<128x128xf32, #tpu.memory_space<vmem>>, vector<1x16xf32>,
        %parallel_loop3A_222 = arith.index_cast %parallel_loop3A_185 : i32 to index
        %parallel_loop3A_223 = arith.constant 32 : index
        %parallel_loop3A_224 = tpu.vector_load %arg14[%parallel_loop3A_222, %parallel_loop3A_223] {strides = array<i32>} : memref<128x128xi32, #tpu.memory_space<vmem>>, vector<1x16xi32>,
        %parallel_loop3A_225 = vector.shape_cast %parallel_loop3A_224 : vector<1x16xi32> to vector<16xi32>
        %parallel_loop3A_226 = arith.constant -65536 : i32
        %parallel_loop3A_227 = vector.broadcast %parallel_loop3A_226 : i32 to vector<16xi32>
        %parallel_loop3A_228 = arith.andi %parallel_loop3A_225, %parallel_loop3A_227 : vector<16xi32>
        %parallel_loop3A_229 = tpu.bitcast %parallel_loop3A_228 : vector<16xi32> -> vector<16xf32>
        %parallel_loop3A_230 = arith.index_cast %parallel_loop3A_185 : i32 to index
        %parallel_loop3A_231 = arith.constant 32 : index
        %parallel_loop3A_232 = tpu.vector_load %arg12[%parallel_loop3A_230, %parallel_loop3A_231] {strides = array<i32>} : memref<128x128xf32, #tpu.memory_space<vmem>>, vector<1x16xf32>,
        %parallel_loop3A_233 = vector.shape_cast %parallel_loop3A_232 : vector<1x16xf32> to vector<16xf32>
        %parallel_loop3A_234 = arith.mulf %parallel_loop3A_233, %parallel_loop3A_229 : vector<16xf32>
        %parallel_loop3A_235 = arith.index_cast %parallel_loop3A_185 : i32 to index
        %parallel_loop3A_236 = arith.constant 32 : index
        %parallel_loop3A_237 = tpu.vector_load %arg12[%parallel_loop3A_235, %parallel_loop3A_236] {strides = array<i32>} : memref<128x128xf32, #tpu.memory_space<vmem>>, vector<1x16xf32>,
        %parallel_loop3A_238 = vector.shape_cast %parallel_loop3A_237 : vector<1x16xf32> to vector<16xf32>
        %parallel_loop3A_239 = vector.shape_cast %parallel_loop3A_234 : vector<16xf32> to vector<1x16xf32>
        tpu.vector_store %arg12[%parallel_loop3A_235, %parallel_loop3A_236], %parallel_loop3A_239 {strides = array<i32>} : memref<128x128xf32, #tpu.memory_space<vmem>>, vector<1x16xf32>,
        %parallel_loop3A_240 = arith.index_cast %parallel_loop3A_185 : i32 to index
        %parallel_loop3A_241 = arith.constant 48 : index
        %parallel_loop3A_242 = tpu.vector_load %arg14[%parallel_loop3A_240, %parallel_loop3A_241] {strides = array<i32>} : memref<128x128xi32, #tpu.memory_space<vmem>>, vector<1x16xi32>,
        %parallel_loop3A_243 = vector.shape_cast %parallel_loop3A_242 : vector<1x16xi32> to vector<16xi32>
        %parallel_loop3A_244 = arith.constant -65536 : i32
        %parallel_loop3A_245 = vector.broadcast %parallel_loop3A_244 : i32 to vector<16xi32>
        %parallel_loop3A_246 = arith.andi %parallel_loop3A_243, %parallel_loop3A_245 : vector<16xi32>
        %parallel_loop3A_247 = tpu.bitcast %parallel_loop3A_246 : vector<16xi32> -> vector<16xf32>
        %parallel_loop3A_248 = arith.index_cast %parallel_loop3A_185 : i32 to index
        %parallel_loop3A_249 = arith.constant 48 : index
        %parallel_loop3A_250 = tpu.vector_load %arg12[%parallel_loop3A_248, %parallel_loop3A_249] {strides = array<i32>} : memref<128x128xf32, #tpu.memory_space<vmem>>, vector<1x16xf32>,
        %parallel_loop3A_251 = vector.shape_cast %parallel_loop3A_250 : vector<1x16xf32> to vector<16xf32>
        %parallel_loop3A_252 = arith.mulf %parallel_loop3A_251, %parallel_loop3A_247 : vector<16xf32>
        %parallel_loop3A_253 = arith.index_cast %parallel_loop3A_185 : i32 to index
        %parallel_loop3A_254 = arith.constant 48 : index
        %parallel_loop3A_255 = tpu.vector_load %arg12[%parallel_loop3A_253, %parallel_loop3A_254] {strides = array<i32>} : memref<128x128xf32, #tpu.memory_space<vmem>>, vector<1x16xf32>,
        %parallel_loop3A_256 = vector.shape_cast %parallel_loop3A_255 : vector<1x16xf32> to vector<16xf32>
        %parallel_loop3A_257 = vector.shape_cast %parallel_loop3A_252 : vector<16xf32> to vector<1x16xf32>
        tpu.vector_store %arg12[%parallel_loop3A_253, %parallel_loop3A_254], %parallel_loop3A_257 {strides = array<i32>} : memref<128x128xf32, #tpu.memory_space<vmem>>, vector<1x16xf32>,
        %parallel_loop3A_258 = arith.index_cast %parallel_loop3A_185 : i32 to index
        %parallel_loop3A_259 = arith.constant 64 : index
        %parallel_loop3A_260 = tpu.vector_load %arg14[%parallel_loop3A_258, %parallel_loop3A_259] {strides = array<i32>} : memref<128x128xi32, #tpu.memory_space<vmem>>, vector<1x16xi32>,
        %parallel_loop3A_261 = vector.shape_cast %parallel_loop3A_260 : vector<1x16xi32> to vector<16xi32>
        %parallel_loop3A_262 = arith.constant -65536 : i32
        %parallel_loop3A_263 = vector.broadcast %parallel_loop3A_262 : i32 to vector<16xi32>
        %parallel_loop3A_264 = arith.andi %parallel_loop3A_261, %parallel_loop3A_263 : vector<16xi32>
        %parallel_loop3A_265 = tpu.bitcast %parallel_loop3A_264 : vector<16xi32> -> vector<16xf32>
        %parallel_loop3A_266 = arith.index_cast %parallel_loop3A_185 : i32 to index
        %parallel_loop3A_267 = arith.constant 64 : index
        %parallel_loop3A_268 = tpu.vector_load %arg12[%parallel_loop3A_266, %parallel_loop3A_267] {strides = array<i32>} : memref<128x128xf32, #tpu.memory_space<vmem>>, vector<1x16xf32>,
        %parallel_loop3A_269 = vector.shape_cast %parallel_loop3A_268 : vector<1x16xf32> to vector<16xf32>
        %parallel_loop3A_270 = arith.mulf %parallel_loop3A_269, %parallel_loop3A_265 : vector<16xf32>
        %parallel_loop3A_271 = arith.index_cast %parallel_loop3A_185 : i32 to index
        %parallel_loop3A_272 = arith.constant 64 : index
        %parallel_loop3A_273 = tpu.vector_load %arg12[%parallel_loop3A_271, %parallel_loop3A_272] {strides = array<i32>} : memref<128x128xf32, #tpu.memory_space<vmem>>, vector<1x16xf32>,
        %parallel_loop3A_274 = vector.shape_cast %parallel_loop3A_273 : vector<1x16xf32> to vector<16xf32>
        %parallel_loop3A_275 = vector.shape_cast %parallel_loop3A_270 : vector<16xf32> to vector<1x16xf32>
        tpu.vector_store %arg12[%parallel_loop3A_271, %parallel_loop3A_272], %parallel_loop3A_275 {strides = array<i32>} : memref<128x128xf32, #tpu.memory_space<vmem>>, vector<1x16xf32>,
        %parallel_loop3A_276 = arith.index_cast %parallel_loop3A_185 : i32 to index
        %parallel_loop3A_277 = arith.constant 80 : index
        %parallel_loop3A_278 = tpu.vector_load %arg14[%parallel_loop3A_276, %parallel_loop3A_277] {strides = array<i32>} : memref<128x128xi32, #tpu.memory_space<vmem>>, vector<1x16xi32>,
        %parallel_loop3A_279 = vector.shape_cast %parallel_loop3A_278 : vector<1x16xi32> to vector<16xi32>
        %parallel_loop3A_280 = arith.constant -65536 : i32
        %parallel_loop3A_281 = vector.broadcast %parallel_loop3A_280 : i32 to vector<16xi32>
        %parallel_loop3A_282 = arith.andi %parallel_loop3A_279, %parallel_loop3A_281 : vector<16xi32>
        %parallel_loop3A_283 = tpu.bitcast %parallel_loop3A_282 : vector<16xi32> -> vector<16xf32>
        %parallel_loop3A_284 = arith.index_cast %parallel_loop3A_185 : i32 to index
        %parallel_loop3A_285 = arith.constant 80 : index
        %parallel_loop3A_286 = tpu.vector_load %arg12[%parallel_loop3A_284, %parallel_loop3A_285] {strides = array<i32>} : memref<128x128xf32, #tpu.memory_space<vmem>>, vector<1x16xf32>,
        %parallel_loop3A_287 = vector.shape_cast %parallel_loop3A_286 : vector<1x16xf32> to vector<16xf32>
        %parallel_loop3A_288 = arith.mulf %parallel_loop3A_287, %parallel_loop3A_283 : vector<16xf32>
        %parallel_loop3A_289 = arith.index_cast %parallel_loop3A_185 : i32 to index
        %parallel_loop3A_290 = arith.constant 80 : index
        %parallel_loop3A_291 = tpu.vector_load %arg12[%parallel_loop3A_289, %parallel_loop3A_290] {strides = array<i32>} : memref<128x128xf32, #tpu.memory_space<vmem>>, vector<1x16xf32>,
        %parallel_loop3A_292 = vector.shape_cast %parallel_loop3A_291 : vector<1x16xf32> to vector<16xf32>
        %parallel_loop3A_293 = vector.shape_cast %parallel_loop3A_288 : vector<16xf32> to vector<1x16xf32>
        tpu.vector_store %arg12[%parallel_loop3A_289, %parallel_loop3A_290], %parallel_loop3A_293 {strides = array<i32>} : memref<128x128xf32, #tpu.memory_space<vmem>>, vector<1x16xf32>,
        %parallel_loop3A_294 = arith.index_cast %parallel_loop3A_185 : i32 to index
        %parallel_loop3A_295 = arith.constant 96 : index
        %parallel_loop3A_296 = tpu.vector_load %arg14[%parallel_loop3A_294, %parallel_loop3A_295] {strides = array<i32>} : memref<128x128xi32, #tpu.memory_space<vmem>>, vector<1x16xi32>,
        %parallel_loop3A_297 = vector.shape_cast %parallel_loop3A_296 : vector<1x16xi32> to vector<16xi32>
        %parallel_loop3A_298 = arith.constant -65536 : i32
        %parallel_loop3A_299 = vector.broadcast %parallel_loop3A_298 : i32 to vector<16xi32>
        %parallel_loop3A_300 = arith.andi %parallel_loop3A_297, %parallel_loop3A_299 : vector<16xi32>
        %parallel_loop3A_301 = tpu.bitcast %parallel_loop3A_300 : vector<16xi32> -> vector<16xf32>
        %parallel_loop3A_302 = arith.index_cast %parallel_loop3A_185 : i32 to index
        %parallel_loop3A_303 = arith.constant 96 : index
        %parallel_loop3A_304 = tpu.vector_load %arg12[%parallel_loop3A_302, %parallel_loop3A_303] {strides = array<i32>} : memref<128x128xf32, #tpu.memory_space<vmem>>, vector<1x16xf32>,
        %parallel_loop3A_305 = vector.shape_cast %parallel_loop3A_304 : vector<1x16xf32> to vector<16xf32>
        %parallel_loop3A_306 = arith.mulf %parallel_loop3A_305, %parallel_loop3A_301 : vector<16xf32>
        %parallel_loop3A_307 = arith.index_cast %parallel_loop3A_185 : i32 to index
        %parallel_loop3A_308 = arith.constant 96 : index
        %parallel_loop3A_309 = tpu.vector_load %arg12[%parallel_loop3A_307, %parallel_loop3A_308] {strides = array<i32>} : memref<128x128xf32, #tpu.memory_space<vmem>>, vector<1x16xf32>,
        %parallel_loop3A_310 = vector.shape_cast %parallel_loop3A_309 : vector<1x16xf32> to vector<16xf32>
        %parallel_loop3A_311 = vector.shape_cast %parallel_loop3A_306 : vector<16xf32> to vector<1x16xf32>
        tpu.vector_store %arg12[%parallel_loop3A_307, %parallel_loop3A_308], %parallel_loop3A_311 {strides = array<i32>} : memref<128x128xf32, #tpu.memory_space<vmem>>, vector<1x16xf32>,
        %parallel_loop3A_312 = arith.index_cast %parallel_loop3A_185 : i32 to index
        %parallel_loop3A_313 = arith.constant 112 : index
        %parallel_loop3A_314 = tpu.vector_load %arg14[%parallel_loop3A_312, %parallel_loop3A_313] {strides = array<i32>} : memref<128x128xi32, #tpu.memory_space<vmem>>, vector<1x16xi32>,
        %parallel_loop3A_315 = vector.shape_cast %parallel_loop3A_314 : vector<1x16xi32> to vector<16xi32>
        %parallel_loop3A_316 = arith.constant -65536 : i32
        %parallel_loop3A_317 = vector.broadcast %parallel_loop3A_316 : i32 to vector<16xi32>
        %parallel_loop3A_318 = arith.andi %parallel_loop3A_315, %parallel_loop3A_317 : vector<16xi32>
        %parallel_loop3A_319 = tpu.bitcast %parallel_loop3A_318 : vector<16xi32> -> vector<16xf32>
        %parallel_loop3A_320 = arith.index_cast %parallel_loop3A_185 : i32 to index
        %parallel_loop3A_321 = arith.constant 112 : index
        %parallel_loop3A_322 = tpu.vector_load %arg12[%parallel_loop3A_320, %parallel_loop3A_321] {strides = array<i32>} : memref<128x128xf32, #tpu.memory_space<vmem>>, vector<1x16xf32>,
        %parallel_loop3A_323 = vector.shape_cast %parallel_loop3A_322 : vector<1x16xf32> to vector<16xf32>
        %parallel_loop3A_324 = arith.mulf %parallel_loop3A_323, %parallel_loop3A_319 : vector<16xf32>
        %parallel_loop3A_325 = arith.index_cast %parallel_loop3A_185 : i32 to index
        %parallel_loop3A_326 = arith.constant 112 : index
        %parallel_loop3A_327 = tpu.vector_load %arg12[%parallel_loop3A_325, %parallel_loop3A_326] {strides = array<i32>} : memref<128x128xf32, #tpu.memory_space<vmem>>, vector<1x16xf32>,
        %parallel_loop3A_328 = vector.shape_cast %parallel_loop3A_327 : vector<1x16xf32> to vector<16xf32>
        %parallel_loop3A_329 = vector.shape_cast %parallel_loop3A_324 : vector<16xf32> to vector<1x16xf32>
        tpu.vector_store %arg12[%parallel_loop3A_325, %parallel_loop3A_326], %parallel_loop3A_329 {strides = array<i32>} : memref<128x128xf32, #tpu.memory_space<vmem>>, vector<1x16xf32>,
      } {sc.loop_unroll_factor = 4 : i64, sc.parallel_access}
      "tpu.region"() ({
        %run_scoped3A_185 = tpu.sem_alloc : memref<!tpu.dma_semaphore, #tpu.memory_space<semaphore_mem>>
        %dma_start3A_186 = arith.constant 0 : i32
        %dma_start3A_187 = arith.constant 0 : i32
        %dma_start3A_188 = tpu.memref_slice %arg16[%dma_start3A_186, %dma_start3A_187] : memref<10000x128xf32, #tpu.memory_space<vmem_shared>> -> memref<10000x128xf32, #tpu.memory_space<vmem_shared>>
        tpu.enqueue_indirect_dma source(%arg12 : memref<128x128xf32, #tpu.memory_space<vmem>>) target(%dma_start3A_188 : memref<10000x128xf32, #tpu.memory_space<vmem_shared>>) offsets(%arg11 : memref<128xi32, #tpu.memory_space<vmem>>) semaphore(%run_scoped3A_185 : memref<!tpu.dma_semaphore, #tpu.memory_space<semaphore_mem>>) {add = true}
        %dma_wait3A_189 = arith.constant 0 : i32
        %dma_wait3A_190 = arith.constant 0 : i32
        %dma_wait3A_191 = tpu.memref_slice %arg16[%dma_wait3A_189, %dma_wait3A_190] : memref<10000x128xf32, #tpu.memory_space<vmem_shared>> -> memref<10000x128xf32, #tpu.memory_space<vmem_shared>>
        tpu.wait_indirect_dma semaphore(%run_scoped3A_185 : memref<!tpu.dma_semaphore, #tpu.memory_space<semaphore_mem>>) src(%arg12 : memref<128x128xf32, #tpu.memory_space<vmem>>) dst(%dma_wait3A_191 : memref<10000x128xf32, #tpu.memory_space<vmem_shared>>)
        tpu.yield
      }) : () -> ()
    } else {
    }
    %barrier3A_86 = arith.constant 0 : index
    tpu.barrier barrier_id(%barrier3A_86)
    %add3A_87 = arith.constant 0 : i32
    %add3A_88 = arith.addi %arg1, %add3A_87 : i32
    %lt3A_89 = arith.constant 125 : i32
    %lt3A_90 = arith.cmpi slt, %add3A_88, %lt3A_89 : i32
    %convert_element_type3A_91 = arith.extui %lt3A_90 : i1 to i32
    %cond3A_92 = arith.constant 0 : i32
    %cond3A_93 = arith.cmpi ne, %convert_element_type3A_91, %cond3A_92 : i32
    scf.if %cond3A_93 {
      %mul3A_143 = arith.constant 80 : i32
      %mul3A_144 = arith.muli %add3A_88, %mul3A_143 : i32
      %mul3A_145 = arith.constant 80 : i32
      %mul3A_146 = arith.muli %add3A_88, %mul3A_145 : i32
      "tpu.region"() ({
        %run_scoped3A_147 = tpu.sem_alloc : memref<!tpu.dma_semaphore, #tpu.memory_space<semaphore_mem>>
        %dma_start3A_148 = arith.constant 0 : i32
        %dma_start3A_149 = tpu.memref_slice %arg5[%arg0, %mul3A_146, %dma_start3A_148] : memref<2x10000x128xf32, #tpu.memory_space<hbm>> -> memref<1x80x128xf32, #tpu.memory_space<hbm>>
        %dma_start3A_150 = tpu.memref_squeeze %dma_start3A_149 : memref<1x80x128xf32, #tpu.memory_space<hbm>> -> memref<80x128xf32, #tpu.memory_space<hbm>>
        %dma_start3A_151 = arith.constant 0 : i32
        %dma_start3A_152 = tpu.memref_slice %arg16[%mul3A_144, %dma_start3A_151] : memref<10000x128xf32, #tpu.memory_space<vmem_shared>> -> memref<80x128xf32, #tpu.memory_space<vmem_shared>>
        tpu.enqueue_dma source(%dma_start3A_152 : memref<80x128xf32, #tpu.memory_space<vmem_shared>>) target(%dma_start3A_150 : memref<80x128xf32, #tpu.memory_space<hbm>>) target_semaphore(%run_scoped3A_147 : memref<!tpu.dma_semaphore, #tpu.memory_space<semaphore_mem>>)
        %dma_wait3A = arith.constant 0 : i32
        %dma_wait3A_153 = tpu.memref_slice %arg5[%arg0, %mul3A_146, %dma_wait3A] : memref<2x10000x128xf32, #tpu.memory_space<hbm>> -> memref<1x80x128xf32, #tpu.memory_space<hbm>>
        %dma_wait3A_154 = tpu.memref_squeeze %dma_wait3A_153 : memref<1x80x128xf32, #tpu.memory_space<hbm>> -> memref<80x128xf32, #tpu.memory_space<hbm>>
        %dma_wait3A_155 = arith.constant 0 : i32
        %dma_wait3A_156 = tpu.memref_slice %arg16[%mul3A_144, %dma_wait3A_155] : memref<10000x128xf32, #tpu.memory_space<vmem_shared>> -> memref<80x128xf32, #tpu.memory_space<vmem_shared>>
        tpu.wait_dma2 semaphore(%run_scoped3A_147 : memref<!tpu.dma_semaphore, #tpu.memory_space<semaphore_mem>>) src(%dma_wait3A_156 : memref<80x128xf32, #tpu.memory_space<vmem_shared>>) dst(%dma_wait3A_154 : memref<80x128xf32, #tpu.memory_space<hbm>>)
        tpu.yield
      }) : () -> ()
    } else {
    }
    %add3A_94 = arith.constant 16 : i32
    %add3A_95 = arith.addi %arg1, %add3A_94 : i32
    %lt3A_96 = arith.constant 125 : i32
    %lt3A_97 = arith.cmpi slt, %add3A_95, %lt3A_96 : i32
    %convert_element_type3A_98 = arith.extui %lt3A_97 : i1 to i32
    %cond3A_99 = arith.constant 0 : i32
    %cond3A_100 = arith.cmpi ne, %convert_element_type3A_98, %cond3A_99 : i32
    scf.if %cond3A_100 {
      %mul3A_143 = arith.constant 80 : i32
      %mul3A_144 = arith.muli %add3A_95, %mul3A_143 : i32
      %mul3A_145 = arith.constant 80 : i32
      %mul3A_146 = arith.muli %add3A_95, %mul3A_145 : i32
      "tpu.region"() ({
        %run_scoped3A_147 = tpu.sem_alloc : memref<!tpu.dma_semaphore, #tpu.memory_space<semaphore_mem>>
        %dma_start3A_148 = arith.constant 0 : i32
        %dma_start3A_149 = tpu.memref_slice %arg5[%arg0, %mul3A_146, %dma_start3A_148] : memref<2x10000x128xf32, #tpu.memory_space<hbm>> -> memref<1x80x128xf32, #tpu.memory_space<hbm>>
        %dma_start3A_150 = tpu.memref_squeeze %dma_start3A_149 : memref<1x80x128xf32, #tpu.memory_space<hbm>> -> memref<80x128xf32, #tpu.memory_space<hbm>>
        %dma_start3A_151 = arith.constant 0 : i32
        %dma_start3A_152 = tpu.memref_slice %arg16[%mul3A_144, %dma_start3A_151] : memref<10000x128xf32, #tpu.memory_space<vmem_shared>> -> memref<80x128xf32, #tpu.memory_space<vmem_shared>>
        tpu.enqueue_dma source(%dma_start3A_152 : memref<80x128xf32, #tpu.memory_space<vmem_shared>>) target(%dma_start3A_150 : memref<80x128xf32, #tpu.memory_space<hbm>>) target_semaphore(%run_scoped3A_147 : memref<!tpu.dma_semaphore, #tpu.memory_space<semaphore_mem>>)
        %dma_wait3A = arith.constant 0 : i32
        %dma_wait3A_153 = tpu.memref_slice %arg5[%arg0, %mul3A_146, %dma_wait3A] : memref<2x10000x128xf32, #tpu.memory_space<hbm>> -> memref<1x80x128xf32, #tpu.memory_space<hbm>>
        %dma_wait3A_154 = tpu.memref_squeeze %dma_wait3A_153 : memref<1x80x128xf32, #tpu.memory_space<hbm>> -> memref<80x128xf32, #tpu.memory_space<hbm>>
        %dma_wait3A_155 = arith.constant 0 : i32
        %dma_wait3A_156 = tpu.memref_slice %arg16[%mul3A_144, %dma_wait3A_155] : memref<10000x128xf32, #tpu.memory_space<vmem_shared>> -> memref<80x128xf32, #tpu.memory_space<vmem_shared>>
        tpu.wait_dma2 semaphore(%run_scoped3A_147 : memref<!tpu.dma_semaphore, #tpu.memory_space<semaphore_mem>>) src(%dma_wait3A_156 : memref<80x128xf32, #tpu.memory_space<vmem_shared>>) dst(%dma_wait3A_154 : memref<80x128xf32, #tpu.memory_space<hbm>>)
        tpu.yield
      }) : () -> ()
    } else {
    }
    %add3A_101 = arith.constant 32 : i32
    %add3A_102 = arith.addi %arg1, %add3A_101 : i32
    %lt3A_103 = arith.constant 125 : i32
    %lt3A_104 = arith.cmpi slt, %add3A_102, %lt3A_103 : i32
    %convert_element_type3A_105 = arith.extui %lt3A_104 : i1 to i32
    %cond3A_106 = arith.constant 0 : i32
    %cond3A_107 = arith.cmpi ne, %convert_element_type3A_105, %cond3A_106 : i32
    scf.if %cond3A_107 {
      %mul3A_143 = arith.constant 80 : i32
      %mul3A_144 = arith.muli %add3A_102, %mul3A_143 : i32
      %mul3A_145 = arith.constant 80 : i32
      %mul3A_146 = arith.muli %add3A_102, %mul3A_145 : i32
      "tpu.region"() ({
        %run_scoped3A_147 = tpu.sem_alloc : memref<!tpu.dma_semaphore, #tpu.memory_space<semaphore_mem>>
        %dma_start3A_148 = arith.constant 0 : i32
        %dma_start3A_149 = tpu.memref_slice %arg5[%arg0, %mul3A_146, %dma_start3A_148] : memref<2x10000x128xf32, #tpu.memory_space<hbm>> -> memref<1x80x128xf32, #tpu.memory_space<hbm>>
        %dma_start3A_150 = tpu.memref_squeeze %dma_start3A_149 : memref<1x80x128xf32, #tpu.memory_space<hbm>> -> memref<80x128xf32, #tpu.memory_space<hbm>>
        %dma_start3A_151 = arith.constant 0 : i32
        %dma_start3A_152 = tpu.memref_slice %arg16[%mul3A_144, %dma_start3A_151] : memref<10000x128xf32, #tpu.memory_space<vmem_shared>> -> memref<80x128xf32, #tpu.memory_space<vmem_shared>>
        tpu.enqueue_dma source(%dma_start3A_152 : memref<80x128xf32, #tpu.memory_space<vmem_shared>>) target(%dma_start3A_150 : memref<80x128xf32, #tpu.memory_space<hbm>>) target_semaphore(%run_scoped3A_147 : memref<!tpu.dma_semaphore, #tpu.memory_space<semaphore_mem>>)
        %dma_wait3A = arith.constant 0 : i32
        %dma_wait3A_153 = tpu.memref_slice %arg5[%arg0, %mul3A_146, %dma_wait3A] : memref<2x10000x128xf32, #tpu.memory_space<hbm>> -> memref<1x80x128xf32, #tpu.memory_space<hbm>>
        %dma_wait3A_154 = tpu.memref_squeeze %dma_wait3A_153 : memref<1x80x128xf32, #tpu.memory_space<hbm>> -> memref<80x128xf32, #tpu.memory_space<hbm>>
        %dma_wait3A_155 = arith.constant 0 : i32
        %dma_wait3A_156 = tpu.memref_slice %arg16[%mul3A_144, %dma_wait3A_155] : memref<10000x128xf32, #tpu.memory_space<vmem_shared>> -> memref<80x128xf32, #tpu.memory_space<vmem_shared>>
        tpu.wait_dma2 semaphore(%run_scoped3A_147 : memref<!tpu.dma_semaphore, #tpu.memory_space<semaphore_mem>>) src(%dma_wait3A_156 : memref<80x128xf32, #tpu.memory_space<vmem_shared>>) dst(%dma_wait3A_154 : memref<80x128xf32, #tpu.memory_space<hbm>>)
        tpu.yield
      }) : () -> ()
    } else {
    }
    %add3A_108 = arith.constant 48 : i32
    %add3A_109 = arith.addi %arg1, %add3A_108 : i32
    %lt3A_110 = arith.constant 125 : i32
    %lt3A_111 = arith.cmpi slt, %add3A_109, %lt3A_110 : i32
    %convert_element_type3A_112 = arith.extui %lt3A_111 : i1 to i32
    %cond3A_113 = arith.constant 0 : i32
    %cond3A_114 = arith.cmpi ne, %convert_element_type3A_112, %cond3A_113 : i32
    scf.if %cond3A_114 {
      %mul3A_143 = arith.constant 80 : i32
      %mul3A_144 = arith.muli %add3A_109, %mul3A_143 : i32
      %mul3A_145 = arith.constant 80 : i32
      %mul3A_146 = arith.muli %add3A_109, %mul3A_145 : i32
      "tpu.region"() ({
        %run_scoped3A_147 = tpu.sem_alloc : memref<!tpu.dma_semaphore, #tpu.memory_space<semaphore_mem>>
        %dma_start3A_148 = arith.constant 0 : i32
        %dma_start3A_149 = tpu.memref_slice %arg5[%arg0, %mul3A_146, %dma_start3A_148] : memref<2x10000x128xf32, #tpu.memory_space<hbm>> -> memref<1x80x128xf32, #tpu.memory_space<hbm>>
        %dma_start3A_150 = tpu.memref_squeeze %dma_start3A_149 : memref<1x80x128xf32, #tpu.memory_space<hbm>> -> memref<80x128xf32, #tpu.memory_space<hbm>>
        %dma_start3A_151 = arith.constant 0 : i32
        %dma_start3A_152 = tpu.memref_slice %arg16[%mul3A_144, %dma_start3A_151] : memref<10000x128xf32, #tpu.memory_space<vmem_shared>> -> memref<80x128xf32, #tpu.memory_space<vmem_shared>>
        tpu.enqueue_dma source(%dma_start3A_152 : memref<80x128xf32, #tpu.memory_space<vmem_shared>>) target(%dma_start3A_150 : memref<80x128xf32, #tpu.memory_space<hbm>>) target_semaphore(%run_scoped3A_147 : memref<!tpu.dma_semaphore, #tpu.memory_space<semaphore_mem>>)
        %dma_wait3A = arith.constant 0 : i32
        %dma_wait3A_153 = tpu.memref_slice %arg5[%arg0, %mul3A_146, %dma_wait3A] : memref<2x10000x128xf32, #tpu.memory_space<hbm>> -> memref<1x80x128xf32, #tpu.memory_space<hbm>>
        %dma_wait3A_154 = tpu.memref_squeeze %dma_wait3A_153 : memref<1x80x128xf32, #tpu.memory_space<hbm>> -> memref<80x128xf32, #tpu.memory_space<hbm>>
        %dma_wait3A_155 = arith.constant 0 : i32
        %dma_wait3A_156 = tpu.memref_slice %arg16[%mul3A_144, %dma_wait3A_155] : memref<10000x128xf32, #tpu.memory_space<vmem_shared>> -> memref<80x128xf32, #tpu.memory_space<vmem_shared>>
        tpu.wait_dma2 semaphore(%run_scoped3A_147 : memref<!tpu.dma_semaphore, #tpu.memory_space<semaphore_mem>>) src(%dma_wait3A_156 : memref<80x128xf32, #tpu.memory_space<vmem_shared>>) dst(%dma_wait3A_154 : memref<80x128xf32, #tpu.memory_space<hbm>>)
        tpu.yield
      }) : () -> ()
    } else {
    }
    %add3A_115 = arith.constant 64 : i32
    %add3A_116 = arith.addi %arg1, %add3A_115 : i32
    %lt3A_117 = arith.constant 125 : i32
    %lt3A_118 = arith.cmpi slt, %add3A_116, %lt3A_117 : i32
    %convert_element_type3A_119 = arith.extui %lt3A_118 : i1 to i32
    %cond3A_120 = arith.constant 0 : i32
    %cond3A_121 = arith.cmpi ne, %convert_element_type3A_119, %cond3A_120 : i32
    scf.if %cond3A_121 {
      %mul3A_143 = arith.constant 80 : i32
      %mul3A_144 = arith.muli %add3A_116, %mul3A_143 : i32
      %mul3A_145 = arith.constant 80 : i32
      %mul3A_146 = arith.muli %add3A_116, %mul3A_145 : i32
      "tpu.region"() ({
        %run_scoped3A_147 = tpu.sem_alloc : memref<!tpu.dma_semaphore, #tpu.memory_space<semaphore_mem>>
        %dma_start3A_148 = arith.constant 0 : i32
        %dma_start3A_149 = tpu.memref_slice %arg5[%arg0, %mul3A_146, %dma_start3A_148] : memref<2x10000x128xf32, #tpu.memory_space<hbm>> -> memref<1x80x128xf32, #tpu.memory_space<hbm>>
        %dma_start3A_150 = tpu.memref_squeeze %dma_start3A_149 : memref<1x80x128xf32, #tpu.memory_space<hbm>> -> memref<80x128xf32, #tpu.memory_space<hbm>>
        %dma_start3A_151 = arith.constant 0 : i32
        %dma_start3A_152 = tpu.memref_slice %arg16[%mul3A_144, %dma_start3A_151] : memref<10000x128xf32, #tpu.memory_space<vmem_shared>> -> memref<80x128xf32, #tpu.memory_space<vmem_shared>>
        tpu.enqueue_dma source(%dma_start3A_152 : memref<80x128xf32, #tpu.memory_space<vmem_shared>>) target(%dma_start3A_150 : memref<80x128xf32, #tpu.memory_space<hbm>>) target_semaphore(%run_scoped3A_147 : memref<!tpu.dma_semaphore, #tpu.memory_space<semaphore_mem>>)
        %dma_wait3A = arith.constant 0 : i32
        %dma_wait3A_153 = tpu.memref_slice %arg5[%arg0, %mul3A_146, %dma_wait3A] : memref<2x10000x128xf32, #tpu.memory_space<hbm>> -> memref<1x80x128xf32, #tpu.memory_space<hbm>>
        %dma_wait3A_154 = tpu.memref_squeeze %dma_wait3A_153 : memref<1x80x128xf32, #tpu.memory_space<hbm>> -> memref<80x128xf32, #tpu.memory_space<hbm>>
        %dma_wait3A_155 = arith.constant 0 : i32
        %dma_wait3A_156 = tpu.memref_slice %arg16[%mul3A_144, %dma_wait3A_155] : memref<10000x128xf32, #tpu.memory_space<vmem_shared>> -> memref<80x128xf32, #tpu.memory_space<vmem_shared>>
        tpu.wait_dma2 semaphore(%run_scoped3A_147 : memref<!tpu.dma_semaphore, #tpu.memory_space<semaphore_mem>>) src(%dma_wait3A_156 : memref<80x128xf32, #tpu.memory_space<vmem_shared>>) dst(%dma_wait3A_154 : memref<80x128xf32, #tpu.memory_space<hbm>>)
        tpu.yield
      }) : () -> ()
    } else {
    }
    %add3A_122 = arith.constant 80 : i32
    %add3A_123 = arith.addi %arg1, %add3A_122 : i32
    %lt3A_124 = arith.constant 125 : i32
    %lt3A_125 = arith.cmpi slt, %add3A_123, %lt3A_124 : i32
    %convert_element_type3A_126 = arith.extui %lt3A_125 : i1 to i32
    %cond3A_127 = arith.constant 0 : i32
    %cond3A_128 = arith.cmpi ne, %convert_element_type3A_126, %cond3A_127 : i32
    scf.if %cond3A_128 {
      %mul3A_143 = arith.constant 80 : i32
      %mul3A_144 = arith.muli %add3A_123, %mul3A_143 : i32
      %mul3A_145 = arith.constant 80 : i32
      %mul3A_146 = arith.muli %add3A_123, %mul3A_145 : i32
      "tpu.region"() ({
        %run_scoped3A_147 = tpu.sem_alloc : memref<!tpu.dma_semaphore, #tpu.memory_space<semaphore_mem>>
        %dma_start3A_148 = arith.constant 0 : i32
        %dma_start3A_149 = tpu.memref_slice %arg5[%arg0, %mul3A_146, %dma_start3A_148] : memref<2x10000x128xf32, #tpu.memory_space<hbm>> -> memref<1x80x128xf32, #tpu.memory_space<hbm>>
        %dma_start3A_150 = tpu.memref_squeeze %dma_start3A_149 : memref<1x80x128xf32, #tpu.memory_space<hbm>> -> memref<80x128xf32, #tpu.memory_space<hbm>>
        %dma_start3A_151 = arith.constant 0 : i32
        %dma_start3A_152 = tpu.memref_slice %arg16[%mul3A_144, %dma_start3A_151] : memref<10000x128xf32, #tpu.memory_space<vmem_shared>> -> memref<80x128xf32, #tpu.memory_space<vmem_shared>>
        tpu.enqueue_dma source(%dma_start3A_152 : memref<80x128xf32, #tpu.memory_space<vmem_shared>>) target(%dma_start3A_150 : memref<80x128xf32, #tpu.memory_space<hbm>>) target_semaphore(%run_scoped3A_147 : memref<!tpu.dma_semaphore, #tpu.memory_space<semaphore_mem>>)
        %dma_wait3A = arith.constant 0 : i32
        %dma_wait3A_153 = tpu.memref_slice %arg5[%arg0, %mul3A_146, %dma_wait3A] : memref<2x10000x128xf32, #tpu.memory_space<hbm>> -> memref<1x80x128xf32, #tpu.memory_space<hbm>>
        %dma_wait3A_154 = tpu.memref_squeeze %dma_wait3A_153 : memref<1x80x128xf32, #tpu.memory_space<hbm>> -> memref<80x128xf32, #tpu.memory_space<hbm>>
        %dma_wait3A_155 = arith.constant 0 : i32
        %dma_wait3A_156 = tpu.memref_slice %arg16[%mul3A_144, %dma_wait3A_155] : memref<10000x128xf32, #tpu.memory_space<vmem_shared>> -> memref<80x128xf32, #tpu.memory_space<vmem_shared>>
        tpu.wait_dma2 semaphore(%run_scoped3A_147 : memref<!tpu.dma_semaphore, #tpu.memory_space<semaphore_mem>>) src(%dma_wait3A_156 : memref<80x128xf32, #tpu.memory_space<vmem_shared>>) dst(%dma_wait3A_154 : memref<80x128xf32, #tpu.memory_space<hbm>>)
        tpu.yield
      }) : () -> ()
    } else {
    }
    %add3A_129 = arith.constant 96 : i32
    %add3A_130 = arith.addi %arg1, %add3A_129 : i32
    %lt3A_131 = arith.constant 125 : i32
    %lt3A_132 = arith.cmpi slt, %add3A_130, %lt3A_131 : i32
    %convert_element_type3A_133 = arith.extui %lt3A_132 : i1 to i32
    %cond3A_134 = arith.constant 0 : i32
    %cond3A_135 = arith.cmpi ne, %convert_element_type3A_133, %cond3A_134 : i32
    scf.if %cond3A_135 {
      %mul3A_143 = arith.constant 80 : i32
      %mul3A_144 = arith.muli %add3A_130, %mul3A_143 : i32
      %mul3A_145 = arith.constant 80 : i32
      %mul3A_146 = arith.muli %add3A_130, %mul3A_145 : i32
      "tpu.region"() ({
        %run_scoped3A_147 = tpu.sem_alloc : memref<!tpu.dma_semaphore, #tpu.memory_space<semaphore_mem>>
        %dma_start3A_148 = arith.constant 0 : i32
        %dma_start3A_149 = tpu.memref_slice %arg5[%arg0, %mul3A_146, %dma_start3A_148] : memref<2x10000x128xf32, #tpu.memory_space<hbm>> -> memref<1x80x128xf32, #tpu.memory_space<hbm>>
        %dma_start3A_150 = tpu.memref_squeeze %dma_start3A_149 : memref<1x80x128xf32, #tpu.memory_space<hbm>> -> memref<80x128xf32, #tpu.memory_space<hbm>>
        %dma_start3A_151 = arith.constant 0 : i32
        %dma_start3A_152 = tpu.memref_slice %arg16[%mul3A_144, %dma_start3A_151] : memref<10000x128xf32, #tpu.memory_space<vmem_shared>> -> memref<80x128xf32, #tpu.memory_space<vmem_shared>>
        tpu.enqueue_dma source(%dma_start3A_152 : memref<80x128xf32, #tpu.memory_space<vmem_shared>>) target(%dma_start3A_150 : memref<80x128xf32, #tpu.memory_space<hbm>>) target_semaphore(%run_scoped3A_147 : memref<!tpu.dma_semaphore, #tpu.memory_space<semaphore_mem>>)
        %dma_wait3A = arith.constant 0 : i32
        %dma_wait3A_153 = tpu.memref_slice %arg5[%arg0, %mul3A_146, %dma_wait3A] : memref<2x10000x128xf32, #tpu.memory_space<hbm>> -> memref<1x80x128xf32, #tpu.memory_space<hbm>>
        %dma_wait3A_154 = tpu.memref_squeeze %dma_wait3A_153 : memref<1x80x128xf32, #tpu.memory_space<hbm>> -> memref<80x128xf32, #tpu.memory_space<hbm>>
        %dma_wait3A_155 = arith.constant 0 : i32
        %dma_wait3A_156 = tpu.memref_slice %arg16[%mul3A_144, %dma_wait3A_155] : memref<10000x128xf32, #tpu.memory_space<vmem_shared>> -> memref<80x128xf32, #tpu.memory_space<vmem_shared>>
        tpu.wait_dma2 semaphore(%run_scoped3A_147 : memref<!tpu.dma_semaphore, #tpu.memory_space<semaphore_mem>>) src(%dma_wait3A_156 : memref<80x128xf32, #tpu.memory_space<vmem_shared>>) dst(%dma_wait3A_154 : memref<80x128xf32, #tpu.memory_space<hbm>>)
        tpu.yield
      }) : () -> ()
    } else {
    }
    %add3A_136 = arith.constant 112 : i32
    %add3A_137 = arith.addi %arg1, %add3A_136 : i32
    %lt3A_138 = arith.constant 125 : i32
    %lt3A_139 = arith.cmpi slt, %add3A_137, %lt3A_138 : i32
    %convert_element_type3A_140 = arith.extui %lt3A_139 : i1 to i32
    %cond3A_141 = arith.constant 0 : i32
    %cond3A_142 = arith.cmpi ne, %convert_element_type3A_140, %cond3A_141 : i32
    scf.if %cond3A_142 {
      %mul3A_143 = arith.constant 80 : i32
      %mul3A_144 = arith.muli %add3A_137, %mul3A_143 : i32
      %mul3A_145 = arith.constant 80 : i32
      %mul3A_146 = arith.muli %add3A_137, %mul3A_145 : i32
      "tpu.region"() ({
        %run_scoped3A_147 = tpu.sem_alloc : memref<!tpu.dma_semaphore, #tpu.memory_space<semaphore_mem>>
        %dma_start3A_148 = arith.constant 0 : i32
        %dma_start3A_149 = tpu.memref_slice %arg5[%arg0, %mul3A_146, %dma_start3A_148] : memref<2x10000x128xf32, #tpu.memory_space<hbm>> -> memref<1x80x128xf32, #tpu.memory_space<hbm>>
        %dma_start3A_150 = tpu.memref_squeeze %dma_start3A_149 : memref<1x80x128xf32, #tpu.memory_space<hbm>> -> memref<80x128xf32, #tpu.memory_space<hbm>>
        %dma_start3A_151 = arith.constant 0 : i32
        %dma_start3A_152 = tpu.memref_slice %arg16[%mul3A_144, %dma_start3A_151] : memref<10000x128xf32, #tpu.memory_space<vmem_shared>> -> memref<80x128xf32, #tpu.memory_space<vmem_shared>>
        tpu.enqueue_dma source(%dma_start3A_152 : memref<80x128xf32, #tpu.memory_space<vmem_shared>>) target(%dma_start3A_150 : memref<80x128xf32, #tpu.memory_space<hbm>>) target_semaphore(%run_scoped3A_147 : memref<!tpu.dma_semaphore, #tpu.memory_space<semaphore_mem>>)
        %dma_wait3A = arith.constant 0 : i32
        %dma_wait3A_153 = tpu.memref_slice %arg5[%arg0, %mul3A_146, %dma_wait3A] : memref<2x10000x128xf32, #tpu.memory_space<hbm>> -> memref<1x80x128xf32, #tpu.memory_space<hbm>>
        %dma_wait3A_154 = tpu.memref_squeeze %dma_wait3A_153 : memref<1x80x128xf32, #tpu.memory_space<hbm>> -> memref<80x128xf32, #tpu.memory_space<hbm>>
        %dma_wait3A_155 = arith.constant 0 : i32
        %dma_wait3A_156 = tpu.memref_slice %arg16[%mul3A_144, %dma_wait3A_155] : memref<10000x128xf32, #tpu.memory_space<vmem_shared>> -> memref<80x128xf32, #tpu.memory_space<vmem_shared>>
        tpu.wait_dma2 semaphore(%run_scoped3A_147 : memref<!tpu.dma_semaphore, #tpu.memory_space<semaphore_mem>>) src(%dma_wait3A_156 : memref<80x128xf32, #tpu.memory_space<vmem_shared>>) dst(%dma_wait3A_154 : memref<80x128xf32, #tpu.memory_space<hbm>>)
        tpu.yield
      }) : () -> ()
    } else {
    }
    return
  }
}

module attributes {stable_mosaic.version = 14 : i64} {
  func.func @_node_body(%arg0: memref<2x10000x128xf32, #tpu.memory_space<vmem>>, %arg1: memref<10000x128xf32, #tpu.memory_space<vmem>>, %arg2: memref<128x128xf32, #tpu.memory_space<vmem>>, %arg3: memref<128x128xf32, #tpu.memory_space<vmem>>, %arg4: memref<128x128xf32, #tpu.memory_space<vmem>>, %arg5: memref<128x128xf32, #tpu.memory_space<vmem>>, %arg6: memref<128x128xf32, #tpu.memory_space<vmem>>, %arg7: memref<1x128xf32, #tpu.memory_space<vmem>>, %arg8: memref<1x128xf32, #tpu.memory_space<vmem>>, %arg9: memref<10000x128xf32, #tpu.memory_space<vmem>>) attributes {dimension_semantics = [], scalar_prefetch = 0 : i64, scratch_operands = 0 : i64, tpu.core_type = #tpu.core_type<tc>} {
    %get3A = arith.constant 0 : index
    %get3A_0 = arith.constant 0 : index
    %get3A_1 = arith.constant 0 : index
    %get3A_2 = vector.load %arg0[%get3A, %get3A_0, %get3A_1] : memref<2x10000x128xf32, #tpu.memory_space<vmem>>, vector<1x10000x128xf32>
    %get3A_3 = vector.shape_cast %get3A_2 : vector<1x10000x128xf32> to vector<10000x128xf32>
    %get3A_4 = arith.constant 1 : index
    %get3A_5 = arith.constant 0 : index
    %get3A_6 = arith.constant 0 : index
    %get3A_7 = vector.load %arg0[%get3A_4, %get3A_5, %get3A_6] : memref<2x10000x128xf32, #tpu.memory_space<vmem>>, vector<1x10000x128xf32>
    %get3A_8 = vector.shape_cast %get3A_7 : vector<1x10000x128xf32> to vector<10000x128xf32>
    %add3A = arith.addf %get3A_3, %get3A_8 : vector<10000x128xf32>
    %get3A_9 = arith.constant 0 : index
    %get3A_10 = arith.constant 0 : index
    %get3A_11 = vector.load %arg2[%get3A_9, %get3A_10] : memref<128x128xf32, #tpu.memory_space<vmem>>, vector<128x128xf32>
    %dot_general3A = arith.constant dense<0.000000e+00> : vector<10000x128xf32>
    %dot_general3A_12 = tpu.matmul %add3A, %get3A_11, %dot_general3A {dimension_numbers = #tpu.dot_dimension_numbers<[1], [0], [0], [1], [0, 0, 1, 1], [], []>, transpose_lhs_hint = false} : vector<10000x128xf32>, vector<128x128xf32>, vector<10000x128xf32> -> vector<10000x128xf32>
    %get3A_13 = arith.constant 0 : index
    %get3A_14 = arith.constant 0 : index
    %get3A_15 = vector.load %arg1[%get3A_13, %get3A_14] : memref<10000x128xf32, #tpu.memory_space<vmem>>, vector<10000x128xf32>
    %get3A_16 = arith.constant 0 : index
    %get3A_17 = arith.constant 0 : index
    %get3A_18 = vector.load %arg3[%get3A_16, %get3A_17] : memref<128x128xf32, #tpu.memory_space<vmem>>, vector<128x128xf32>
    %dot_general3A_19 = arith.constant dense<0.000000e+00> : vector<10000x128xf32>
    %dot_general3A_20 = tpu.matmul %get3A_15, %get3A_18, %dot_general3A_19 {dimension_numbers = #tpu.dot_dimension_numbers<[1], [0], [0], [1], [0, 0, 1, 1], [], []>, transpose_lhs_hint = false} : vector<10000x128xf32>, vector<128x128xf32>, vector<10000x128xf32> -> vector<10000x128xf32>
    %get3A_21 = arith.constant 0 : index
    %get3A_22 = arith.constant 0 : index
    %get3A_23 = vector.load %arg4[%get3A_21, %get3A_22] : memref<128x128xf32, #tpu.memory_space<vmem>>, vector<128x128xf32>
    %dot_general3A_24 = arith.constant dense<0.000000e+00> : vector<10000x128xf32>
    %dot_general3A_25 = tpu.matmul %dot_general3A_12, %get3A_23, %dot_general3A_24 {dimension_numbers = #tpu.dot_dimension_numbers<[1], [0], [0], [1], [0, 0, 1, 1], [], []>, transpose_lhs_hint = false} : vector<10000x128xf32>, vector<128x128xf32>, vector<10000x128xf32> -> vector<10000x128xf32>
    %mul3A = arith.mulf %dot_general3A_12, %dot_general3A_12 : vector<10000x128xf32>
    %get3A_26 = arith.constant 0 : index
    %get3A_27 = arith.constant 0 : index
    %get3A_28 = vector.load %arg5[%get3A_26, %get3A_27] : memref<128x128xf32, #tpu.memory_space<vmem>>, vector<128x128xf32>
    %dot_general3A_29 = arith.constant dense<0.000000e+00> : vector<10000x128xf32>
    %dot_general3A_30 = tpu.matmul %mul3A, %get3A_28, %dot_general3A_29 {dimension_numbers = #tpu.dot_dimension_numbers<[1], [0], [0], [1], [0, 0, 1, 1], [], []>, transpose_lhs_hint = false} : vector<10000x128xf32>, vector<128x128xf32>, vector<10000x128xf32> -> vector<10000x128xf32>
    %add3A_31 = arith.addf %dot_general3A_25, %dot_general3A_30 : vector<10000x128xf32>
    %mul3A_32 = arith.mulf %dot_general3A_12, %dot_general3A_12 : vector<10000x128xf32>
    %mul3A_33 = arith.mulf %mul3A_32, %dot_general3A_12 : vector<10000x128xf32>
    %get3A_34 = arith.constant 0 : index
    %get3A_35 = arith.constant 0 : index
    %get3A_36 = vector.load %arg6[%get3A_34, %get3A_35] : memref<128x128xf32, #tpu.memory_space<vmem>>, vector<128x128xf32>
    %dot_general3A_37 = arith.constant dense<0.000000e+00> : vector<10000x128xf32>
    %dot_general3A_38 = tpu.matmul %mul3A_33, %get3A_36, %dot_general3A_37 {dimension_numbers = #tpu.dot_dimension_numbers<[1], [0], [0], [1], [0, 0, 1, 1], [], []>, transpose_lhs_hint = false} : vector<10000x128xf32>, vector<128x128xf32>, vector<10000x128xf32> -> vector<10000x128xf32>
    %add3A_39 = arith.addf %add3A_31, %dot_general3A_38 : vector<10000x128xf32>
    %add3A_40 = arith.addf %add3A_39, %dot_general3A_20 : vector<10000x128xf32>
    %reduce_sum3A = arith.constant dense<0.000000e+00> : vector<128xf32>
    %reduce_sum3A_41 = vector.multi_reduction <add>, %add3A_40, %reduce_sum3A [0] : vector<10000x128xf32> to vector<128xf32>
    %broadcast_in_dim3A = vector.shape_cast %reduce_sum3A_41 : vector<128xf32> to vector<1x128xf32>
    %div3A = arith.constant 1.000000e+04 : f32
    %div3A_42 = vector.broadcast %div3A : f32 to vector<1x128xf32>
    %div3A_43 = arith.divf %broadcast_in_dim3A, %div3A_42 : vector<1x128xf32>
    %sub3A = vector.broadcast %div3A_43 : vector<1x128xf32> to vector<10000x128xf32>
    %sub3A_44 = arith.subf %add3A_40, %sub3A : vector<10000x128xf32>
    %sub3A_45 = vector.broadcast %div3A_43 : vector<1x128xf32> to vector<10000x128xf32>
    %sub3A_46 = arith.subf %add3A_40, %sub3A_45 : vector<10000x128xf32>
    %mul3A_47 = arith.mulf %sub3A_44, %sub3A_46 : vector<10000x128xf32>
    %reduce_sum3A_48 = arith.constant dense<0.000000e+00> : vector<128xf32>
    %reduce_sum3A_49 = vector.multi_reduction <add>, %mul3A_47, %reduce_sum3A_48 [0] : vector<10000x128xf32> to vector<128xf32>
    %broadcast_in_dim3A_50 = vector.shape_cast %reduce_sum3A_49 : vector<128xf32> to vector<1x128xf32>
    %div3A_51 = arith.constant 1.000000e+04 : f32
    %div3A_52 = vector.broadcast %div3A_51 : f32 to vector<1x128xf32>
    %div3A_53 = arith.divf %broadcast_in_dim3A_50, %div3A_52 : vector<1x128xf32>
    %sub3A_54 = vector.broadcast %div3A_43 : vector<1x128xf32> to vector<10000x128xf32>
    %sub3A_55 = arith.subf %add3A_40, %sub3A_54 : vector<10000x128xf32>
    %add3A_56 = arith.constant 9.99999974E-6 : f32
    %add3A_57 = vector.broadcast %add3A_56 : f32 to vector<1x128xf32>
    %add3A_58 = arith.addf %div3A_53, %add3A_57 : vector<1x128xf32>
    %rsqrt3A = math.rsqrt %add3A_58 : vector<1x128xf32>
    %mul3A_59 = vector.broadcast %rsqrt3A : vector<1x128xf32> to vector<10000x128xf32>
    %mul3A_60 = arith.mulf %sub3A_55, %mul3A_59 : vector<10000x128xf32>
    %get3A_61 = arith.constant 0 : index
    %get3A_62 = arith.constant 0 : index
    %get3A_63 = vector.load %arg7[%get3A_61, %get3A_62] : memref<1x128xf32, #tpu.memory_space<vmem>>, vector<1x128xf32>
    %mul3A_64 = vector.broadcast %get3A_63 : vector<1x128xf32> to vector<10000x128xf32>
    %mul3A_65 = arith.mulf %mul3A_60, %mul3A_64 : vector<10000x128xf32>
    %get3A_66 = arith.constant 0 : index
    %get3A_67 = arith.constant 0 : index
    %get3A_68 = vector.load %arg8[%get3A_66, %get3A_67] : memref<1x128xf32, #tpu.memory_space<vmem>>, vector<1x128xf32>
    %add3A_69 = vector.broadcast %get3A_68 : vector<1x128xf32> to vector<10000x128xf32>
    %add3A_70 = arith.addf %mul3A_65, %add3A_69 : vector<10000x128xf32>
    %swap3A = arith.constant 0 : index
    %swap3A_71 = arith.constant 0 : index
    %swap3A_72 = vector.load %arg9[%swap3A, %swap3A_71] : memref<10000x128xf32, #tpu.memory_space<vmem>>, vector<10000x128xf32>
    tpu.vector_store %arg9[%swap3A, %swap3A_71], %add3A_70 {strides = array<i32>} : memref<10000x128xf32, #tpu.memory_space<vmem>>, vector<10000x128xf32>,
    return
  }
}

module attributes {stable_mosaic.version = 14 : i64} {
  func.func @_edge_w_body(%arg0: i32, %arg1: memref<16x3200xf32, #tpu.memory_space<vmem>>, %arg2: memref<9x3200xf32, #tpu.memory_space<vmem>>, %arg3: memref<16x3200xf32, #tpu.memory_space<vmem>>, %arg4: memref<9x3200xf32, #tpu.memory_space<vmem>>, %arg5: memref<16x64xf32, #tpu.memory_space<vmem>>, %arg6: memref<1x64xf32, #tpu.memory_space<vmem>>, %arg7: memref<64x64xf32, #tpu.memory_space<vmem>>, %arg8: memref<1x64xf32, #tpu.memory_space<vmem>>, %arg9: memref<64x64xf32, #tpu.memory_space<vmem>>, %arg10: memref<1x64xf32, #tpu.memory_space<vmem>>, %arg11: memref<64x128xf32, #tpu.memory_space<vmem>>, %arg12: memref<1x128xf32, #tpu.memory_space<vmem>>, %arg13: memref<16x128xf32, #tpu.memory_space<vmem>>, %arg14: memref<3200x128xi32, #tpu.memory_space<vmem>>, %arg15: memref<16x3200xf32, #tpu.memory_space<vmem>>) attributes {dimension_semantics = [#tpu.dimension_semantics<arbitrary>], iteration_bounds = array<i64: 50>, scalar_prefetch = 0 : i64, scratch_operands = 1 : i64, tpu.core_type = #tpu.core_type<tc>, window_params = [{transform_indices = @transform_0, window_bounds = array<i64: 16, 3200>}, {transform_indices = @transform_1, window_bounds = array<i64: 9, 3200>}, {transform_indices = @transform_2, window_bounds = array<i64: 16, 3200>}, {transform_indices = @transform_3, window_bounds = array<i64: 9, 3200>}, {pipeline_mode = #tpu.pipeline_mode<synchronous>, transform_indices = @transform_4, window_bounds = array<i64: 16, 64>}, {pipeline_mode = #tpu.pipeline_mode<synchronous>, transform_indices = @transform_5, window_bounds = array<i64: 1, 64>}, {pipeline_mode = #tpu.pipeline_mode<synchronous>, transform_indices = @transform_6, window_bounds = array<i64: 64, 64>}, {pipeline_mode = #tpu.pipeline_mode<synchronous>, transform_indices = @transform_7, window_bounds = array<i64: 1, 64>}, {pipeline_mode = #tpu.pipeline_mode<synchronous>, transform_indices = @transform_8, window_bounds = array<i64: 64, 64>}, {pipeline_mode = #tpu.pipeline_mode<synchronous>, transform_indices = @transform_9, window_bounds = array<i64: 1, 64>}, {pipeline_mode = #tpu.pipeline_mode<synchronous>, transform_indices = @transform_10, window_bounds = array<i64: 64, 128>}, {pipeline_mode = #tpu.pipeline_mode<synchronous>, transform_indices = @transform_11, window_bounds = array<i64: 1, 128>}, {pipeline_mode = #tpu.pipeline_mode<synchronous>, transform_indices = @transform_12, window_bounds = array<i64: 16, 128>}, {transform_indices = @transform_13, window_bounds = array<i64: 3200, 128>}]} {
    %eq3A = arith.constant 0 : i32
    %eq3A_0 = arith.cmpi eq, %arg0, %eq3A : i32
    %convert_element_type3A = arith.extui %eq3A_0 : i1 to i32
    %cond3A = arith.constant 0 : i32
    %cond3A_1 = arith.cmpi ne, %convert_element_type3A, %cond3A : i32
    scf.if %cond3A_1 {
      %broadcast_in_dim3A = arith.constant 0.000000e+00 : f32
      %broadcast_in_dim3A_168 = vector.broadcast %broadcast_in_dim3A : f32 to vector<16x3200xf32>
      %swap3A_169 = arith.constant 0 : index
      %swap3A_170 = arith.constant 0 : index
      %swap3A_171 = vector.load %arg15[%swap3A_169, %swap3A_170] : memref<16x3200xf32, #tpu.memory_space<vmem>>, vector<16x3200xf32>
      tpu.vector_store %arg15[%swap3A_169, %swap3A_170], %broadcast_in_dim3A_168 {strides = array<i32>} : memref<16x3200xf32, #tpu.memory_space<vmem>>, vector<16x3200xf32>,
    } else {
    }
    %get3A = arith.constant 0 : index
    %get3A_2 = arith.constant 0 : index
    %get3A_3 = vector.load %arg2[%get3A, %get3A_2] : memref<9x3200xf32, #tpu.memory_space<vmem>>, vector<9x3200xf32>
    %swap3A = arith.constant 0 : index
    %swap3A_4 = arith.constant 0 : index
    %swap3A_5 = vector.load %arg15[%swap3A, %swap3A_4] : memref<16x3200xf32, #tpu.memory_space<vmem>>, vector<9x3200xf32>
    tpu.vector_store %arg15[%swap3A, %swap3A_4], %get3A_3 {strides = array<i32>} : memref<16x3200xf32, #tpu.memory_space<vmem>>, vector<9x3200xf32>,
    %get3A_6 = arith.constant 0 : index
    %get3A_7 = arith.constant 0 : index
    %get3A_8 = vector.load %arg1[%get3A_6, %get3A_7] : memref<16x3200xf32, #tpu.memory_space<vmem>>, vector<16x3200xf32>
    %get3A_9 = arith.constant 0 : index
    %get3A_10 = arith.constant 0 : index
    %get3A_11 = vector.load %arg5[%get3A_9, %get3A_10] : memref<16x64xf32, #tpu.memory_space<vmem>>, vector<16x64xf32>
    %dot_general3A = arith.constant dense<0.000000e+00> : vector<3200x64xf32>
    %dot_general3A_12 = tpu.matmul %get3A_8, %get3A_11, %dot_general3A {dimension_numbers = #tpu.dot_dimension_numbers<[0], [0], [1], [1], [0, 1, 1, 1], [], []>, transpose_lhs_hint = false} : vector<16x3200xf32>, vector<16x64xf32>, vector<3200x64xf32> -> vector<3200x64xf32>
    %get3A_13 = arith.constant 0 : index
    %get3A_14 = arith.constant 0 : index
    %get3A_15 = vector.load %arg6[%get3A_13, %get3A_14] : memref<1x64xf32, #tpu.memory_space<vmem>>, vector<1x64xf32>
    %add3A = vector.broadcast %get3A_15 : vector<1x64xf32> to vector<3200x64xf32>
    %add3A_16 = arith.addf %dot_general3A_12, %add3A : vector<3200x64xf32>
    %logistic3A = arith.negf %add3A_16 : vector<3200x64xf32>
    %logistic3A_17 = math.exp %logistic3A : vector<3200x64xf32>
    %logistic3A_18 = arith.constant 1.000000e+00 : f32
    %logistic3A_19 = vector.broadcast %logistic3A_18 : f32 to vector<3200x64xf32>
    %logistic3A_20 = arith.addf %logistic3A_19, %logistic3A_17 : vector<3200x64xf32>
    %logistic3A_21 = arith.divf %logistic3A_19, %logistic3A_20 : vector<3200x64xf32>
    %mul3A = arith.mulf %add3A_16, %logistic3A_21 : vector<3200x64xf32>
    %get3A_22 = arith.constant 0 : index
    %get3A_23 = arith.constant 0 : index
    %get3A_24 = vector.load %arg7[%get3A_22, %get3A_23] : memref<64x64xf32, #tpu.memory_space<vmem>>, vector<64x64xf32>
    %dot_general3A_25 = arith.constant dense<0.000000e+00> : vector<3200x64xf32>
    %dot_general3A_26 = tpu.matmul %mul3A, %get3A_24, %dot_general3A_25 {dimension_numbers = #tpu.dot_dimension_numbers<[1], [0], [0], [1], [0, 0, 1, 1], [], []>, transpose_lhs_hint = false} : vector<3200x64xf32>, vector<64x64xf32>, vector<3200x64xf32> -> vector<3200x64xf32>
    %get3A_27 = arith.constant 0 : index
    %get3A_28 = arith.constant 0 : index
    %get3A_29 = vector.load %arg8[%get3A_27, %get3A_28] : memref<1x64xf32, #tpu.memory_space<vmem>>, vector<1x64xf32>
    %add3A_30 = vector.broadcast %get3A_29 : vector<1x64xf32> to vector<3200x64xf32>
    %add3A_31 = arith.addf %dot_general3A_26, %add3A_30 : vector<3200x64xf32>
    %logistic3A_32 = arith.negf %add3A_31 : vector<3200x64xf32>
    %logistic3A_33 = math.exp %logistic3A_32 : vector<3200x64xf32>
    %logistic3A_34 = arith.constant 1.000000e+00 : f32
    %logistic3A_35 = vector.broadcast %logistic3A_34 : f32 to vector<3200x64xf32>
    %logistic3A_36 = arith.addf %logistic3A_35, %logistic3A_33 : vector<3200x64xf32>
    %logistic3A_37 = arith.divf %logistic3A_35, %logistic3A_36 : vector<3200x64xf32>
    %mul3A_38 = arith.mulf %add3A_31, %logistic3A_37 : vector<3200x64xf32>
    %get3A_39 = arith.constant 0 : index
    %get3A_40 = arith.constant 0 : index
    %get3A_41 = vector.load %arg9[%get3A_39, %get3A_40] : memref<64x64xf32, #tpu.memory_space<vmem>>, vector<64x64xf32>
    %dot_general3A_42 = arith.constant dense<0.000000e+00> : vector<3200x64xf32>
    %dot_general3A_43 = tpu.matmul %mul3A_38, %get3A_41, %dot_general3A_42 {dimension_numbers = #tpu.dot_dimension_numbers<[1], [0], [0], [1], [0, 0, 1, 1], [], []>, transpose_lhs_hint = false} : vector<3200x64xf32>, vector<64x64xf32>, vector<3200x64xf32> -> vector<3200x64xf32>
    %get3A_44 = arith.constant 0 : index
    %get3A_45 = arith.constant 0 : index
    %get3A_46 = vector.load %arg10[%get3A_44, %get3A_45] : memref<1x64xf32, #tpu.memory_space<vmem>>, vector<1x64xf32>
    %add3A_47 = vector.broadcast %get3A_46 : vector<1x64xf32> to vector<3200x64xf32>
    %add3A_48 = arith.addf %dot_general3A_43, %add3A_47 : vector<3200x64xf32>
    %logistic3A_49 = arith.negf %add3A_48 : vector<3200x64xf32>
    %logistic3A_50 = math.exp %logistic3A_49 : vector<3200x64xf32>
    %logistic3A_51 = arith.constant 1.000000e+00 : f32
    %logistic3A_52 = vector.broadcast %logistic3A_51 : f32 to vector<3200x64xf32>
    %logistic3A_53 = arith.addf %logistic3A_52, %logistic3A_50 : vector<3200x64xf32>
    %logistic3A_54 = arith.divf %logistic3A_52, %logistic3A_53 : vector<3200x64xf32>
    %mul3A_55 = arith.mulf %add3A_48, %logistic3A_54 : vector<3200x64xf32>
    %get3A_56 = arith.constant 0 : index
    %get3A_57 = arith.constant 0 : index
    %get3A_58 = vector.load %arg11[%get3A_56, %get3A_57] : memref<64x128xf32, #tpu.memory_space<vmem>>, vector<64x128xf32>
    %dot_general3A_59 = arith.constant dense<0.000000e+00> : vector<3200x128xf32>
    %dot_general3A_60 = tpu.matmul %mul3A_55, %get3A_58, %dot_general3A_59 {dimension_numbers = #tpu.dot_dimension_numbers<[1], [0], [0], [1], [0, 0, 1, 1], [], []>, transpose_lhs_hint = false} : vector<3200x64xf32>, vector<64x128xf32>, vector<3200x128xf32> -> vector<3200x128xf32>
    %get3A_61 = arith.constant 0 : index
    %get3A_62 = arith.constant 0 : index
    %get3A_63 = vector.load %arg12[%get3A_61, %get3A_62] : memref<1x128xf32, #tpu.memory_space<vmem>>, vector<1x128xf32>
    %add3A_64 = vector.broadcast %get3A_63 : vector<1x128xf32> to vector<3200x128xf32>
    %add3A_65 = arith.addf %dot_general3A_60, %add3A_64 : vector<3200x128xf32>
    %get3A_66 = arith.constant 0 : index
    %get3A_67 = arith.constant 0 : index
    %get3A_68 = vector.load %arg15[%get3A_66, %get3A_67] : memref<16x3200xf32, #tpu.memory_space<vmem>>, vector<16x3200xf32>
    %get3A_69 = arith.constant 0 : index
    %get3A_70 = arith.constant 0 : index
    %get3A_71 = vector.load %arg13[%get3A_69, %get3A_70] : memref<16x128xf32, #tpu.memory_space<vmem>>, vector<16x128xf32>
    %dot_general3A_72 = arith.constant dense<0.000000e+00> : vector<3200x128xf32>
    %dot_general3A_73 = tpu.matmul %get3A_68, %get3A_71, %dot_general3A_72 {dimension_numbers = #tpu.dot_dimension_numbers<[0], [0], [1], [1], [0, 1, 1, 1], [], []>, transpose_lhs_hint = false} : vector<16x3200xf32>, vector<16x128xf32>, vector<3200x128xf32> -> vector<3200x128xf32>
    %mul3A_74 = arith.mulf %add3A_65, %dot_general3A_73 : vector<3200x128xf32>
    %get3A_75 = arith.constant 0 : index
    %get3A_76 = arith.constant 0 : index
    %get3A_77 = vector.load %arg4[%get3A_75, %get3A_76] : memref<9x3200xf32, #tpu.memory_space<vmem>>, vector<9x3200xf32>
    %swap3A_78 = arith.constant 0 : index
    %swap3A_79 = arith.constant 0 : index
    %swap3A_80 = vector.load %arg15[%swap3A_78, %swap3A_79] : memref<16x3200xf32, #tpu.memory_space<vmem>>, vector<9x3200xf32>
    tpu.vector_store %arg15[%swap3A_78, %swap3A_79], %get3A_77 {strides = array<i32>} : memref<16x3200xf32, #tpu.memory_space<vmem>>, vector<9x3200xf32>,
    %get3A_81 = arith.constant 0 : index
    %get3A_82 = arith.constant 0 : index
    %get3A_83 = vector.load %arg3[%get3A_81, %get3A_82] : memref<16x3200xf32, #tpu.memory_space<vmem>>, vector<16x3200xf32>
    %get3A_84 = arith.constant 0 : index
    %get3A_85 = arith.constant 0 : index
    %get3A_86 = vector.load %arg5[%get3A_84, %get3A_85] : memref<16x64xf32, #tpu.memory_space<vmem>>, vector<16x64xf32>
    %dot_general3A_87 = arith.constant dense<0.000000e+00> : vector<3200x64xf32>
    %dot_general3A_88 = tpu.matmul %get3A_83, %get3A_86, %dot_general3A_87 {dimension_numbers = #tpu.dot_dimension_numbers<[0], [0], [1], [1], [0, 1, 1, 1], [], []>, transpose_lhs_hint = false} : vector<16x3200xf32>, vector<16x64xf32>, vector<3200x64xf32> -> vector<3200x64xf32>
    %get3A_89 = arith.constant 0 : index
    %get3A_90 = arith.constant 0 : index
    %get3A_91 = vector.load %arg6[%get3A_89, %get3A_90] : memref<1x64xf32, #tpu.memory_space<vmem>>, vector<1x64xf32>
    %add3A_92 = vector.broadcast %get3A_91 : vector<1x64xf32> to vector<3200x64xf32>
    %add3A_93 = arith.addf %dot_general3A_88, %add3A_92 : vector<3200x64xf32>
    %logistic3A_94 = arith.negf %add3A_93 : vector<3200x64xf32>
    %logistic3A_95 = math.exp %logistic3A_94 : vector<3200x64xf32>
    %logistic3A_96 = arith.constant 1.000000e+00 : f32
    %logistic3A_97 = vector.broadcast %logistic3A_96 : f32 to vector<3200x64xf32>
    %logistic3A_98 = arith.addf %logistic3A_97, %logistic3A_95 : vector<3200x64xf32>
    %logistic3A_99 = arith.divf %logistic3A_97, %logistic3A_98 : vector<3200x64xf32>
    %mul3A_100 = arith.mulf %add3A_93, %logistic3A_99 : vector<3200x64xf32>
    %get3A_101 = arith.constant 0 : index
    %get3A_102 = arith.constant 0 : index
    %get3A_103 = vector.load %arg7[%get3A_101, %get3A_102] : memref<64x64xf32, #tpu.memory_space<vmem>>, vector<64x64xf32>
    %dot_general3A_104 = arith.constant dense<0.000000e+00> : vector<3200x64xf32>
    %dot_general3A_105 = tpu.matmul %mul3A_100, %get3A_103, %dot_general3A_104 {dimension_numbers = #tpu.dot_dimension_numbers<[1], [0], [0], [1], [0, 0, 1, 1], [], []>, transpose_lhs_hint = false} : vector<3200x64xf32>, vector<64x64xf32>, vector<3200x64xf32> -> vector<3200x64xf32>
    %get3A_106 = arith.constant 0 : index
    %get3A_107 = arith.constant 0 : index
    %get3A_108 = vector.load %arg8[%get3A_106, %get3A_107] : memref<1x64xf32, #tpu.memory_space<vmem>>, vector<1x64xf32>
    %add3A_109 = vector.broadcast %get3A_108 : vector<1x64xf32> to vector<3200x64xf32>
    %add3A_110 = arith.addf %dot_general3A_105, %add3A_109 : vector<3200x64xf32>
    %logistic3A_111 = arith.negf %add3A_110 : vector<3200x64xf32>
    %logistic3A_112 = math.exp %logistic3A_111 : vector<3200x64xf32>
    %logistic3A_113 = arith.constant 1.000000e+00 : f32
    %logistic3A_114 = vector.broadcast %logistic3A_113 : f32 to vector<3200x64xf32>
    %logistic3A_115 = arith.addf %logistic3A_114, %logistic3A_112 : vector<3200x64xf32>
    %logistic3A_116 = arith.divf %logistic3A_114, %logistic3A_115 : vector<3200x64xf32>
    %mul3A_117 = arith.mulf %add3A_110, %logistic3A_116 : vector<3200x64xf32>
    %get3A_118 = arith.constant 0 : index
    %get3A_119 = arith.constant 0 : index
    %get3A_120 = vector.load %arg9[%get3A_118, %get3A_119] : memref<64x64xf32, #tpu.memory_space<vmem>>, vector<64x64xf32>
    %dot_general3A_121 = arith.constant dense<0.000000e+00> : vector<3200x64xf32>
    %dot_general3A_122 = tpu.matmul %mul3A_117, %get3A_120, %dot_general3A_121 {dimension_numbers = #tpu.dot_dimension_numbers<[1], [0], [0], [1], [0, 0, 1, 1], [], []>, transpose_lhs_hint = false} : vector<3200x64xf32>, vector<64x64xf32>, vector<3200x64xf32> -> vector<3200x64xf32>
    %get3A_123 = arith.constant 0 : index
    %get3A_124 = arith.constant 0 : index
    %get3A_125 = vector.load %arg10[%get3A_123, %get3A_124] : memref<1x64xf32, #tpu.memory_space<vmem>>, vector<1x64xf32>
    %add3A_126 = vector.broadcast %get3A_125 : vector<1x64xf32> to vector<3200x64xf32>
    %add3A_127 = arith.addf %dot_general3A_122, %add3A_126 : vector<3200x64xf32>
    %logistic3A_128 = arith.negf %add3A_127 : vector<3200x64xf32>
    %logistic3A_129 = math.exp %logistic3A_128 : vector<3200x64xf32>
    %logistic3A_130 = arith.constant 1.000000e+00 : f32
    %logistic3A_131 = vector.broadcast %logistic3A_130 : f32 to vector<3200x64xf32>
    %logistic3A_132 = arith.addf %logistic3A_131, %logistic3A_129 : vector<3200x64xf32>
    %logistic3A_133 = arith.divf %logistic3A_131, %logistic3A_132 : vector<3200x64xf32>
    %mul3A_134 = arith.mulf %add3A_127, %logistic3A_133 : vector<3200x64xf32>
    %get3A_135 = arith.constant 0 : index
    %get3A_136 = arith.constant 0 : index
    %get3A_137 = vector.load %arg11[%get3A_135, %get3A_136] : memref<64x128xf32, #tpu.memory_space<vmem>>, vector<64x128xf32>
    %dot_general3A_138 = arith.constant dense<0.000000e+00> : vector<3200x128xf32>
    %dot_general3A_139 = tpu.matmul %mul3A_134, %get3A_137, %dot_general3A_138 {dimension_numbers = #tpu.dot_dimension_numbers<[1], [0], [0], [1], [0, 0, 1, 1], [], []>, transpose_lhs_hint = false} : vector<3200x64xf32>, vector<64x128xf32>, vector<3200x128xf32> -> vector<3200x128xf32>
    %get3A_140 = arith.constant 0 : index
    %get3A_141 = arith.constant 0 : index
    %get3A_142 = vector.load %arg12[%get3A_140, %get3A_141] : memref<1x128xf32, #tpu.memory_space<vmem>>, vector<1x128xf32>
    %add3A_143 = vector.broadcast %get3A_142 : vector<1x128xf32> to vector<3200x128xf32>
    %add3A_144 = arith.addf %dot_general3A_139, %add3A_143 : vector<3200x128xf32>
    %get3A_145 = arith.constant 0 : index
    %get3A_146 = arith.constant 0 : index
    %get3A_147 = vector.load %arg15[%get3A_145, %get3A_146] : memref<16x3200xf32, #tpu.memory_space<vmem>>, vector<16x3200xf32>
    %get3A_148 = arith.constant 0 : index
    %get3A_149 = arith.constant 0 : index
    %get3A_150 = vector.load %arg13[%get3A_148, %get3A_149] : memref<16x128xf32, #tpu.memory_space<vmem>>, vector<16x128xf32>
    %dot_general3A_151 = arith.constant dense<0.000000e+00> : vector<3200x128xf32>
    %dot_general3A_152 = tpu.matmul %get3A_147, %get3A_150, %dot_general3A_151 {dimension_numbers = #tpu.dot_dimension_numbers<[0], [0], [1], [1], [0, 1, 1, 1], [], []>, transpose_lhs_hint = false} : vector<16x3200xf32>, vector<16x128xf32>, vector<3200x128xf32> -> vector<3200x128xf32>
    %mul3A_153 = arith.mulf %add3A_144, %dot_general3A_152 : vector<3200x128xf32>
    %bitcast_convert_type3A = tpu.bitcast %mul3A_74 : vector<3200x128xf32> -> vector<3200x128xi32>
    %add3A_154 = arith.constant 32768 : i32
    %add3A_155 = vector.broadcast %add3A_154 : i32 to vector<3200x128xi32>
    %add3A_156 = arith.addi %bitcast_convert_type3A, %add3A_155 : vector<3200x128xi32>
    %shift_right_logical3A = arith.constant 16 : i32
    %shift_right_logical3A_157 = vector.broadcast %shift_right_logical3A : i32 to vector<3200x128xi32>
    %shift_right_logical3A_158 = arith.shrui %add3A_156, %shift_right_logical3A_157 : vector<3200x128xi32>
    %bitcast_convert_type3A_159 = tpu.bitcast %mul3A_153 : vector<3200x128xf32> -> vector<3200x128xi32>
    %add3A_160 = arith.constant 32768 : i32
    %add3A_161 = vector.broadcast %add3A_160 : i32 to vector<3200x128xi32>
    %add3A_162 = arith.addi %bitcast_convert_type3A_159, %add3A_161 : vector<3200x128xi32>
    %and3A = arith.constant -65536 : i32
    %and3A_163 = vector.broadcast %and3A : i32 to vector<3200x128xi32>
    %and3A_164 = arith.andi %add3A_162, %and3A_163 : vector<3200x128xi32>
    %or3A = arith.ori %shift_right_logical3A_158, %and3A_164 : vector<3200x128xi32>
    %swap3A_165 = arith.constant 0 : index
    %swap3A_166 = arith.constant 0 : index
    %swap3A_167 = vector.load %arg14[%swap3A_165, %swap3A_166] : memref<3200x128xi32, #tpu.memory_space<vmem>>, vector<3200x128xi32>
    tpu.vector_store %arg14[%swap3A_165, %swap3A_166], %or3A {strides = array<i32>} : memref<3200x128xi32, #tpu.memory_space<vmem>>, vector<3200x128xi32>,
    return
  }
  func.func @transform_0(%arg0: i32) -> (i32, i32) {
    %c0_i32 = arith.constant 0 : i32
    %c0_i32_0 = arith.constant 0 : i32
    return %c0_i32, %arg0 : i32, i32
  }
  func.func @transform_1(%arg0: i32) -> (i32, i32) {
    %c0_i32 = arith.constant 0 : i32
    %c0_i32_0 = arith.constant 0 : i32
    return %c0_i32, %arg0 : i32, i32
  }
  func.func @transform_2(%arg0: i32) -> (i32, i32) {
    %add3A = arith.constant 50 : i32
    %add3A_0 = arith.addi %arg0, %add3A : i32
    %c0_i32 = arith.constant 0 : i32
    %c0_i32_1 = arith.constant 0 : i32
    return %c0_i32, %add3A_0 : i32, i32
  }
  func.func @transform_3(%arg0: i32) -> (i32, i32) {
    %add3A = arith.constant 50 : i32
    %add3A_0 = arith.addi %arg0, %add3A : i32
    %c0_i32 = arith.constant 0 : i32
    %c0_i32_1 = arith.constant 0 : i32
    return %c0_i32, %add3A_0 : i32, i32
  }
  func.func @transform_4(%arg0: i32) -> (i32, i32) {
    %c0_i32 = arith.constant 0 : i32
    %c0_i32_0 = arith.constant 0 : i32
    %c0_i32_1 = arith.constant 0 : i32
    return %c0_i32, %c0_i32_0 : i32, i32
  }
  func.func @transform_5(%arg0: i32) -> (i32, i32) {
    %c0_i32 = arith.constant 0 : i32
    %c0_i32_0 = arith.constant 0 : i32
    %c0_i32_1 = arith.constant 0 : i32
    return %c0_i32, %c0_i32_0 : i32, i32
  }
  func.func @transform_6(%arg0: i32) -> (i32, i32) {
    %c0_i32 = arith.constant 0 : i32
    %c0_i32_0 = arith.constant 0 : i32
    %c0_i32_1 = arith.constant 0 : i32
    return %c0_i32, %c0_i32_0 : i32, i32
  }
  func.func @transform_7(%arg0: i32) -> (i32, i32) {
    %c0_i32 = arith.constant 0 : i32
    %c0_i32_0 = arith.constant 0 : i32
    %c0_i32_1 = arith.constant 0 : i32
    return %c0_i32, %c0_i32_0 : i32, i32
  }
  func.func @transform_8(%arg0: i32) -> (i32, i32) {
    %c0_i32 = arith.constant 0 : i32
    %c0_i32_0 = arith.constant 0 : i32
    %c0_i32_1 = arith.constant 0 : i32
    return %c0_i32, %c0_i32_0 : i32, i32
  }
  func.func @transform_9(%arg0: i32) -> (i32, i32) {
    %c0_i32 = arith.constant 0 : i32
    %c0_i32_0 = arith.constant 0 : i32
    %c0_i32_1 = arith.constant 0 : i32
    return %c0_i32, %c0_i32_0 : i32, i32
  }
  func.func @transform_10(%arg0: i32) -> (i32, i32) {
    %c0_i32 = arith.constant 0 : i32
    %c0_i32_0 = arith.constant 0 : i32
    %c0_i32_1 = arith.constant 0 : i32
    return %c0_i32, %c0_i32_0 : i32, i32
  }
  func.func @transform_11(%arg0: i32) -> (i32, i32) {
    %c0_i32 = arith.constant 0 : i32
    %c0_i32_0 = arith.constant 0 : i32
    %c0_i32_1 = arith.constant 0 : i32
    return %c0_i32, %c0_i32_0 : i32, i32
  }
  func.func @transform_12(%arg0: i32) -> (i32, i32) {
    %c0_i32 = arith.constant 0 : i32
    %c0_i32_0 = arith.constant 0 : i32
    %c0_i32_1 = arith.constant 0 : i32
    return %c0_i32, %c0_i32_0 : i32, i32
  }
  func.func @transform_13(%arg0: i32) -> (i32, i32) {
    %c0_i32 = arith.constant 0 : i32
    %c0_i32_0 = arith.constant 0 : i32
    return %arg0, %c0_i32 : i32, i32
  }
}

</mosaic_0001>

<sc_bundles>
// kernel: kernel.5.cloned.1.call-start
scs
__scs_entry_jumppad:
0x0: {  	(pc) =	sbr.rel $0x88, $3  }
0x1: {  	(tag) =	ssettag $0x0;
	lr =	simm.s32 $0x1  }
0x2: {  	[smem:$0x3F8D] =	sst lr;
	_ =	strace $0xD0000000  }
0x3: {  	_ = 	snop  }
0x4: {  	_ = 	snop  }
0x5: {  	_ = 	snop  }
0x6: {  	_ = 	snop  }
0x7: {  	_ = 	snop  }
__scs_overlays_trampoline_lowered:
0x8: {  	[smem:$0x3F9C] =	sst s0  }
0x9: {  	[smem:$0x3F9D] =	sst s1  }
0xa: {  	[smem:$0x3F9E] =	sst s2  }
0xb: {  	[smem:$0x3F9F] =	sst s3  }
0xc: {  	[smem:$0x3FA0] =	sst s4  }
0xd: {  	[smem:$0x3FA1] =	sst s5  }
0xe: {  	[smem:$0x3FA2] =	sst s6  }
0xf: {  	[smem:$0x3FA3] =	sst s7  }
0x10: {  	[smem:$0x3FA4] =	sst s8  }
0x11: {  	[smem:$0x3FA5] =	sst s9;
	s0 =	simm.s32 @!p0 $0x0  }
0x12: {  	s1 =	sld [smem:$0x3F8B];
	s0 =	simm.s32 @p0 $0x1  }
0x13: {  	[smem:$0x3FA6] =	sst s0;
	s0 =	simm.s32 @!p1 $0x0  }
0x14: {  	s2 =	sld [smem:$0x3F8A];
	s0 =	simm.s32 @p1 $0x1  }
0x15: {  	[smem:$0x3FA7] =	sst s0;
	s0 =	simm.s32 @!p2 $0x0  }
0x16: {  	s3 =	sld [smem:$0x3FDB];
	s0 =	simm.s32 @p2 $0x1  }
0x17: {  	s4 =	simm.s32 $0x1BF5;
	[smem:$0x3FA9] =	sst s0  }
0x18: {  	s0 =	sld [smem:$0x3F8C];
	_ =	swait.ge [sflag:s4], $0x0  }
0x19: {  	s7 =	sld [smem:$0x3F8D]  }
0x1a: {  	s8 =	sadd.s32 $0xFFFFE003, lr  }
0x1b: {  	s9 =	sadd.s32 $0xFFFFFEF7, lr;
	s5 =	simm.s32 $0xFFFFFFFF;
	p2 =	slt.u32 s8, $0xFFFFF086  }
0x1c: {  	p1 =	slt.u32 s9, $0xF7A;
	s5 =	simm.s32 @!p2 $0x0  }
0x1d: {  	s5 =	simm.s32 @p1 $0x1;
	p0 =	seq.s32 s7, s2  }
0x1e: {  	s7 =	smul.u32 @!p0 $0xF7A, s2;
	p2 =	seq.s32 @!p0 s5, $0x0  }
0x1f: {  	s9 =	smul.u32 $0xF7A, s1;
	s8 =	simm.s32 @!p0 $0x1BF5;
	p2 =	por !p2, p0  }
0x20: {  	[sflag:s8] =	ssyncset.s32 @!p0 $0xFFFFF086;
	s6 =	sadd.s32 @!p0 s3, s7;
	s7 =	simm.s32 @!p0 $0x108  }
0x21: {  	s3 =	sadd.s32 s3, s9;
	s6 =	sadd.s32 @!p0 $0x88, s6;
	s7 =	simm.s32 @p2 $0x1082  }
0x22: {  	[simem:s7], [sflag:s8] =	dma.local @!p0 [hbm:s6], $0xF7A  }
0x23: {  	s9 =	sor.u32 $0xD0000000, s2;
	s6 =	simm.s32 $0x108;
	_ =	swait.ge @!p0 [sflag:s8], $0x0  }
0x24: {  	s3 =	sadd.s32 $0x88, s3;
	s6 =	simm.s32 @!p1 $0x1082;
	[sflag:s4] =	ssyncset.s32 $0xFFFFF086  }
0x25: {  	[simem:s6], [sflag:s4] =	dma.local [hbm:s3], $0xF7A  }
0x26: {  	[smem:$0x3F8D] =	sst s1;
	(tag) =	ssettag s2;
	_ =	strace s9  }
0x27: {  	s1 =	sld [smem:$0x3F9D]  }
0x28: {  	s2 =	sld [smem:$0x3F9E]  }
0x29: {  	s4 =	sld [smem:$0x3FA0]  }
0x2a: {  	p0 =	seq.s32 s5, $0x0;
	s5 =	sld [smem:$0x3FA1]  }
0x2b: {  	s6 =	sld [smem:$0x3FA2]  }
0x2c: {  	s7 =	sld [smem:$0x3FA3]  }
0x2d: {  	s3 =	simm.s32 $0x108;
	s8 =	sld [smem:$0x3FA4]  }
0x2e: {  	s3 =	simm.s32 @!p0 $0x1082;
	s9 =	sld [smem:$0x3FA5]  }
0x2f: {  	lr =	sadd.s32 s0, s3;
	s0 =	sld [smem:$0x3F9C]  }
0x30: {  	s3 =	sld [smem:$0x3F9F]  }
0x31: {  	[smem:$0x3FA8] =	sst s10  }
0x32: {  	s10 =	sld [smem:$0x3FA6];
	_ =	sdelay $0x3  }
0x33: {  	p0 =	seq.s32 s10, $0x1;
	s10 =	sld [smem:$0x3FA8];
	_ =	sdelay $0x3  }
0x34: {  	[smem:$0x3FA8] =	sst s10  }
0x35: {  	s10 =	sld [smem:$0x3FA7];
	_ =	sdelay $0x3  }
0x36: {  	p1 =	seq.s32 s10, $0x1;
	s10 =	sld [smem:$0x3FA8];
	_ =	sdelay $0x3  }
0x37: {  	[smem:$0x3FA8] =	sst s10  }
0x38: {  	s10 =	sld [smem:$0x3FA9]  }
0x39: {  	_ = 	snop;
	(pc) =	sbr.ind lr, $3  }
0x3a: {  	_ = 	snop  }
0x3b: {  	_ = 	snop  }
0x3c: {  	p2 =	seq.s32 s10, $0x1;
	s10 =	sld [smem:$0x3FA8]  }
0x3d: {  	_ =	shalt  }
0x3e: {  	_ =	shalt  }
0x3f: {  	_ =	shalt  }
0x40: {  	_ =	shalt  }
0x41: {  	_ =	shalt  }
0x42: {  	_ =	shalt  }
0x43: {  	_ =	shalt  }
0x44: {  	_ =	shalt  }
0x45: {  	_ =	shalt  }
0x46: {  	_ =	shalt  }
0x47: {  	_ =	shalt  }
0x48: {  	_ =	shalt  }
0x49: {  	_ =	shalt  }
0x4a: {  	_ =	shalt  }
0x4b: {  	_ =	shalt  }
0x4c: {  	_ =	shalt  }
0x4d: {  	_ =	shalt  }
0x4e: {  	_ =	shalt  }
0x4f: {  	_ =	shalt  }
0x50: {  	_ =	shalt  }
0x51: {  	_ =	shalt  }
0x52: {  	_ =	shalt  }
0x53: {  	_ =	shalt  }
0x54: {  	_ =	shalt  }
0x55: {  	_ =	shalt  }
0x56: {  	_ =	shalt  }
0x57: {  	_ =	shalt  }
0x58: {  	_ =	shalt  }
0x59: {  	_ =	shalt  }
0x5a: {  	_ =	shalt  }
0x5b: {  	_ =	shalt  }
0x5c: {  	_ =	shalt  }
0x5d: {  	_ =	shalt  }
0x5e: {  	_ =	shalt  }
0x5f: {  	_ =	shalt  }
0x60: {  	_ =	shalt  }
0x61: {  	_ =	shalt  }
0x62: {  	_ =	shalt  }
0x63: {  	_ =	shalt  }
0x64: {  	_ =	shalt  }
0x65: {  	_ =	shalt  }
0x66: {  	_ =	shalt  }
0x67: {  	_ =	shalt  }
0x68: {  	_ =	shalt  }
0x69: {  	_ =	shalt  }
0x6a: {  	_ =	shalt  }
0x6b: {  	_ =	shalt  }
0x6c: {  	_ =	shalt  }
0x6d: {  	_ =	shalt  }
0x6e: {  	_ =	shalt  }
0x6f: {  	_ =	shalt  }
0x70: {  	_ =	shalt  }
0x71: {  	_ =	shalt  }
0x72: {  	_ =	shalt  }
0x73: {  	_ =	shalt  }
0x74: {  	_ =	shalt  }
0x75: {  	_ =	shalt  }
0x76: {  	_ =	shalt  }
0x77: {  	_ =	shalt  }
0x78: {  	_ =	shalt  }
0x79: {  	_ =	shalt  }
0x7a: {  	_ =	shalt  }
0x7b: {  	_ =	shalt  }
0x7c: {  	_ =	shalt  }
0x7d: {  	_ =	shalt  }
0x7e: {  	_ =	shalt  }
0x7f: {  	_ =	shalt  }
0x80: {  	_ =	shalt  }
0x81: {  	_ =	shalt  }
0x82: {  	_ =	shalt  }
0x83: {  	_ =	shalt  }
0x84: {  	_ =	shalt  }
0x85: {  	_ =	shalt  }
0x86: {  	_ =	shalt  }
0x87: {  	_ =	shalt  }
.Lfunc_end0:
.L_simem_size_0:
called_computation_lowered:
.L_overlay_start_0:
0x88: {  	s2 =	sld [smem:$0x3FD9]  }
0x89: {  	s3 =	sld [smem:$0x3FFE];
	_ =	sdelay $0x1  }
0x8a: {  	s1 =	srdreg.scid  }
0x8b: {  	s0 =	sand.u32 $0x1, s1  }
0x8c: {  	s17 =	sshll.u32 s0, $0xA;
	s2 =	sadd.s32 s3, s2  }
0x8d: {  	s2 =	sadd.s32 s2, s17  }
0x8e: {  	[smem:$0x3FB4] =	sst s2  }
0x8f: {  	_ = 	snop  }
0x90: {  	s2 =	sld [smem:$0x3FC9]  }
0x91: {  	s18 =	sld [smem:$0x3FC8];
	(tm) =	ssettm $0x1  }
0x92: {  	s4 =	sld [smem:$0x3FFB];
	_ =	sdelay $0x3  }
0x93: {  	_ =	strace s4  }
0x94: {  	s4 =	sld [smem:$0x3FFC];
	_ =	sdelay $0x3  }
0x95: {  	_ =	strace s4  }
0x96: {  	s4 =	sld [smem:$0x3FFD];
	_ =	sdelay $0x3  }
0x97: {  	_ =	strace s4  }
0x98: {  	_ =	strace $0x8FFFFFFF  }
0x99: {  	s19 =	sld [smem:$0x3FDB];
	_ =	sdelay $0x1  }
0x9a: {  	s5 =	simm.s32 $_scs_section_size  }
0x9b: {  	s6 =	simm.s32 $_size__tile_overlayer_lowered;
	s7 =	simm.s32 $_tile_overlayer_lowered  }
0x9c: {  	s22 =	simm.s32 $0x1BFF;
	s21 =	sshll.u32 s7, $0x1;
	s4 =	sadd.s32 s5, s19  }
0x9d: {  	s8 =	simm.s32 $0x0;
	s20 =	sshll.u32 s6, $0x1;
	s6 =	sadd.s32 s21, s4  }
0x9e: {  	[timem:s8], [sflag:s22] =	dma.local [hbm:s6], s20  }
0x9f: {  	_ =	swait.ge [sflag:s22], s20  }
0xa0: {  	s5 =	ssub.s32 $0x0, s20;
	[sflag:s22] =	ssyncset.done $0x0  }
0xa1: {  	[sflag:s22] =	ssyncadd.s32 s5;
	_ =	sdelay $0x1  }
0xa2: {  	s23 =	simm.s32 $0x1B8B  }
0xa3: {  	_ =	swait.ge [sflag:s23], $0x1  }
0xa4: {  	[sflag:s23] =	ssyncset.done $0x0  }
0xa5: {  	s25 =	simm.s32 $0x1B8E;
	s24 =	sld [smem:$0x3FFE];
	[sflag:s23] =	ssyncadd.s32 $0xFFFFFFFF  }
0xa6: {  	s26 =	simm.s32 $execute0_lowered;
	[smem:$0x3FD2] =	sst s25  }
0xa7: {  	s6 =	sshll.u32 s26, $0x1;
	_ =	strace $0x80000046;
	[dreg:$0x1] =	wrdreg $0xFFFFFFFF  }
0xa8: {  	s28 =	simm.s32 $_size_execute0_lowered;
	s4 =	sadd.s32 s4, s6;
	[dreg:$0x0] =	wrdreg $0x0  }
0xa9: {  	s6 =	sshll.u32 s28, $0x1;
	[dreg:$0x2] =	wrdreg s4  }
0xaa: {  	[dreg:$0x3] =	wrdreg s6  }
0xab: {  	[dreg:$0x4] =	wrdreg $0xC0  }
0xac: {  	_ =	task [dreg:s8], $0x5FFFF  }
0xad: {  	[dreg:$0x1] =	wrdreg $0xFFFFFFFF  }
0xae: {  	[dreg:$0x0] =	wrdreg $0x60  }
0xaf: {  	[dreg:$0x2] =	wrdreg s2  }
0xb0: {  	[dreg:$0x3] =	wrdreg s24  }
0xb1: {  	[dreg:$0x4] =	wrdreg s18  }
0xb2: {  	[dreg:$0x5] =	wrdreg $0xC2000  }
0xb3: {  	[dreg:$0x6] =	wrdreg $0x9  }
0xb4: {  	_ =	task.clear_ibuf [dreg:s8], $0x7FFFF;
	_ =	strace $0x90000046  }
0xb5: {  	s29 =	simm.s32 $0x9;
	_ =	strace $0x80000048  }
0xb6: {  	_ =	swait.ge [sflag:s29], $0x1  }
0xb7: {  	[sflag:s29] =	ssyncadd.s32 $0xFFFFFFFF  }
0xb8: {  	_ =	strace $0x90000048  }
0xb9: {  	_ =	sfence  }
0xba: {  	s30 =	sld [smem:$0x0];
	_ =	sdelay $0x2  }
0xbb: {  	s31 =	sshll.u32 s1, $0xD;
	s1 =	sshrl.u32 s1, $0x2  }
0xbc: {  	s3 =	sand.u32 $0x4000, s31;
	s1 =	sadd.s32 s1, s30  }
0xbd: {  	s0 =	sor.u32 s3, s0;
	s1 =	sshll.u32 s1, $0x11  }
0xbe: {  	s0 =	sor.u32 s1, s0  }
0xbf: {  	s0 =	sadd.s32 $0x8F2B, s0  }
0xc0: {  	[sflag:s0] =	ssyncadd.remote.s32 $0x1  }
0xc1: {  	_ =	sfence.sel $0xFFFF  }
0xc2: {  	[dreg:$0x0] =	wrdreg $0xFFFFFFFF;
	(pc) =	sbr.abs _section_cstart, $3  }
0xc3: {  	[dreg:$0x1] =	wrdreg $0xFFFFFFFF  }
0xc4: {  	_ =	task.clear_ibuf [dreg:s8], $0x2FFFF;
	_ =	strace $0x9FFFFFFF  }
0xc5: {  	(tm) =	ssettm $0x7FFFFFFF  }
tec
execute0_lowered:
.L_overlay_start_1:
0x0: {  	(tag) =	ssettag $0x1  }
0x1: {  	s0 =	rddreg [dreg:$0x0]  }
0x2: {  	s2 =	srdreg.scid;
	s1 =	rddreg [dreg:$0x1]  }
0x3: {  	s25 =	stileid.u32;
	s3 =	simm.s32 $0x0;
	s29 =	simm.s32 $0x100  }
0x4: {  	s30 =	simm.s32 $0x4;
	s6 =	sand.u32 $0x1, s2;
	s2 =	rddreg [dreg:$0x2]  }
0x5: {  	s31 =	simm.s32 $0x4180;
	[smem:$0x7FF] =	sst s3;
	s9 =	sadd.s32 $0x2E00, s1  }
0x6: {  	s10 =	sor.u32 $0x10, s25;
	s11 =	sor.u32 $0x20, s25;
	s12 =	smul.u32 $0x2800, s25  }
0x7: {  	s13 =	sor.u32 $0x30, s25;
	s15 =	sor.u32 $0x40, s25;
	s14 =	smul.u32 $0x2800, s10  }
0x8: {  	s16 =	sor.u32 $0x50, s25;
	s24 =	sshll.u32 s25, $0x7;
	s17 =	smul.u32 $0x2800, s11  }
0x9: {  	s20 =	sor.u32 $0x60, s25;
	s21 =	sor.u32 $0x70, s25;
	s18 =	smul.u32 $0x2800, s13  }
0xa: {  	s28 =	sadd.s32 $0x3600, s1;
	s4 =	sshll.u32 s6, $0x4;
	s22 =	smul.u32 $0x2800, s15  }
0xb: {  	s7 =	ssub.s32 $0x2, s6;
	s10 =	smul.u32 $0xA000, s10;
	s5 =	sor.u32 s25, s4  }
0xc: {  	p1 =	sgt.u32 s25, $0xC;
	s23 =	sshrl.u32 s7, $0x1;
	s8 =	smul.u32 $0x13800, s5  }
0xd: {  	s4 =	ssub.s32 s7, s23;
	s7 =	smul.u32 $0x138800, s6;
	s6 =	sor.u32 $0x27000, s24  }
0xe: {  	s24 =	smul.u32 $0x2800, s20;
	p0 =	sgt.u32 s5, $0x1;
	s19 =	sshll.u32 s6, $0x4  }
0xf: {  	s8 =	sadd.s32 s9, s8;
	s26 =	sadd.s32 s9, s19;
	s9 =	smul.u32 $0x2800, s16  }
0x10: {  	s12 =	sadd.s32 s12, s7;
	s23 =	sadd.s32 s7, s14;
	s17 =	sadd.s32 s7, s17  }
0x11: {  	s18 =	sadd.s32 s7, s18;
	s22 =	sadd.s32 s7, s22;
	[dreg:$0x5] =	wrdreg s8  }
0x12: {  	s14 =	sadd.s32 s7, s24;
	s19 =	sadd.s32 $0x273E00, s1;
	[dreg:$0x6] =	wrdreg s26  }
0x13: {  	s26 =	smul.u32 $0x2800, s21;
	s23 =	sshrl.u32 s23, $0x3;
	s24 =	sshrl.u32 s17, $0x3  }
0x14: {  	s17 =	sshrl.u32 s22, $0x3;
	s8 =	sadd.s32 s7, s9;
	s9 =	sshrl.u32 s12, $0x3  }
0x15: {  	s7 =	sadd.s32 s7, s26;
	s9 =	sadd.s32 s19, s9;
	s26 =	sshrl.u32 s18, $0x3  }
0x16: {  	s8 =	sshrl.u32 s8, $0x3;
	s18 =	sshrl.u32 s14, $0x3;
	s14 =	rddreg [dreg:$0x3]  }
0x17: {  	[dreg:$0x7] =	wrdreg s9;
	s9 =	sadd.s32 s19, s23;
	s12 =	sadd.s32 s19, s26  }
0x18: {  	s8 =	sadd.s32 s19, s8;
	s22 =	sadd.s32 s19, s18;
	[dreg:$0x8] =	wrdreg s9  }
0x19: {  	s7 =	sshrl.u32 s7, $0x3;
	s23 =	smul.u32 $0xA000, s25;
	[dreg:$0xa] =	wrdreg s12  }
0x1a: {  	s9 =	sadd.s32 s19, s24;
	[dreg:$0xc] =	wrdreg s8;
	s24 =	smul.u32 $0xA000, s11  }
0x1b: {  	[dreg:$0xd] =	wrdreg s22;
	s7 =	sadd.s32 s19, s7;
	s12 =	smul.u32 $0xA000, s13  }
0x1c: {  	s11 =	sshrl.u32 s10, $0x2;
	s22 =	smul.u32 $0xA000, s20;
	s10 =	sadd.s32 $0x10, s2  }
0x1d: {  	s20 =	smax.u32 s4, $0x1;
	s4 =	simm.s32 $0x4200;
	[dreg:$0x9] =	wrdreg s9  }
0x1e: {  	s9 =	sadd.s32 s19, s17;
	[dreg:$0xe] =	wrdreg s7;
	s17 =	smul.u32 $0xA000, s15  }
0x1f: {  	s8 =	sshrl.u32 s23, $0x2;
	s26 =	sadd.s32 s11, s14;
	s19 =	smul.u32 $0xA000, s16  }
0x20: {  	[dreg:$0xb] =	wrdreg s9;
	s7 =	sshrl.u32 s24, $0x2;
	s24 =	smul.u32 $0xA000, s21  }
0x21: {  	s13 =	sadd.s32 s8, s14;
	s18 =	sshrl.u32 s12, $0x2;
	s9 =	smul.u32 $0x4E0, s5  }
0x22: {  	_ =	strace $0x80000047;
	s15 =	sadd.s32 s7, s14;
	s16 =	sadd.s32 s18, s14  }
0x23: {  	s8 =	sshrl.u32 s17, $0x2;
	s23 =	sshrl.u32 s19, $0x2;
	s7 =	sshrl.u32 s22, $0x2  }
0x24: {  	s17 =	sshrl.u32 s6, $0x2;
	s18 =	sshll.u32 s25, $0x5;
	[dreg:$0x16] =	wrdreg s20  }
0x25: {  	s8 =	sadd.s32 s8, s14;
	s21 =	sadd.s32 s23, s14;
	s22 =	sadd.s32 s7, s14  }
0x26: {  	s11 =	sadd.s32 s2, s9;
	s12 =	sadd.s32 s9, s10;
	[dreg:$0xf] =	wrdreg s8  }
0x27: {  	s6 =	sadd.s32 s17, s10;
	s1 =	sadd.s32 s2, s17;
	[dreg:$0x10] =	wrdreg s11  }
0x28: {  	s19 =	sadd.s32 s18, s2;
	s7 =	simm.s32 $0x3;
	[dreg:$0x11] =	wrdreg s12  }
.Ltmp0:
0x29: {  	s9 =	simm.s32 $0x0;
	[dreg:$0x12] =	wrdreg s6;
	(pc) =	sbr.rel .LBB2_1-.Ltmp0, $4  }
0x2a: {  	s8 =	sshrl.u32 s24, $0x2;
	s24 =	smul.u32 $0x27, s5;
	[dreg:$0x13] =	wrdreg s1  }
0x2b: {  	s5 =	sadd.s32 $0x13840, s19;
	s1 =	sadd.s32 $0x13850, s19;
	s11 =	simm.s32 $0x80  }
0x2c: {  	s6 =	simm.s32 $0x1;
	s23 =	sadd.s32 s8, s14;
	[dreg:$0x14] =	wrdreg s5  }
0x2d: {  	v0 =	vimm.f32 $0.0e+00;
	[dreg:$0x15] =	wrdreg s1;
	s1 =	simm.s32 $0x4100;
	s8 =	simm.s32 $0x2  }
.LBB2_15:
0x2e: {  	s5 =	stileid.u32  }
0x2f: {  	[bflag:$0x0] =	sbarrier.arrive $0xFFFF;
	s5 =	sshll.u32 s5, $0x6  }
0x30: {  	s10 =	sshrl.u32 s17, $0x3;
	s12 =	rddreg [dreg:$0x7];
	s5 =	sor.u32 $0x1C04, s5  }
0x31: {  	[hbm:s12], [sflag:s5] =	dma.local [spmem:s10], $0x500  }
0x32: {  	_ =	swait.ge [sflag:s30], $0x500  }
0x33: {  	[sflag:s30] =	ssyncset.done $0x0  }
0x34: {  	s20 =	sshrl.u32 s26, $0x3;
	s25 =	rddreg [dreg:$0x8];
	[sflag:s30] =	ssyncadd.s32 $0xFFFFFB00  }
0x35: {  	[hbm:s25], [sflag:s5] =	dma.local [spmem:s20], $0x500  }
0x36: {  	_ =	swait.ge [sflag:s30], $0x500  }
0x37: {  	s13 =	smov.u32 s17;
	[sflag:s30] =	ssyncset.done $0x0  }
0x38: {  	s12 =	sshrl.u32 s19, $0x3;
	s17 =	rddreg [dreg:$0x9];
	[sflag:s30] =	ssyncadd.s32 $0xFFFFFB00  }
0x39: {  	[hbm:s17], [sflag:s5] =	dma.local [spmem:s12], $0x500  }
0x3a: {  	_ =	swait.ge [sflag:s30], $0x500  }
0x3b: {  	s15 =	smov.u32 s19;
	[sflag:s30] =	ssyncset.done $0x0  }
0x3c: {  	s18 =	sshrl.u32 s16, $0x3;
	s19 =	rddreg [dreg:$0xa];
	[sflag:s30] =	ssyncadd.s32 $0xFFFFFB00  }
0x3d: {  	[hbm:s19], [sflag:s5] =	dma.local [spmem:s18], $0x500  }
0x3e: {  	_ =	swait.ge [sflag:s30], $0x500  }
0x3f: {  	[sflag:s30] =	ssyncset.done $0x0;
	s20 =	rddreg [dreg:$0xf]  }
0x40: {  	s25 =	rddreg [dreg:$0xb];
	[sflag:s30] =	ssyncadd.s32 $0xFFFFFB00;
	s10 =	sshrl.u32 s20, $0x3  }
0x41: {  	[hbm:s25], [sflag:s5] =	dma.local [spmem:s10], $0x500  }
0x42: {  	_ =	swait.ge [sflag:s30], $0x500  }
0x43: {  	[sflag:s30] =	ssyncset.done $0x0  }
0x44: {  	s17 =	sshrl.u32 s21, $0x3;
	s18 =	rddreg [dreg:$0xc];
	[sflag:s30] =	ssyncadd.s32 $0xFFFFFB00  }
0x45: {  	[hbm:s18], [sflag:s5] =	dma.local [spmem:s17], $0x500  }
0x46: {  	_ =	swait.ge [sflag:s30], $0x500  }
0x47: {  	[sflag:s30] =	ssyncset.done $0x0  }
0x48: {  	s19 =	sshrl.u32 s22, $0x3;
	s20 =	rddreg [dreg:$0xd];
	[sflag:s30] =	ssyncadd.s32 $0xFFFFFB00  }
0x49: {  	[hbm:s20], [sflag:s5] =	dma.local [spmem:s19], $0x500  }
0x4a: {  	_ =	swait.ge [sflag:s30], $0x500  }
0x4b: {  	[sflag:s30] =	ssyncset.done $0x0  }
0x4c: {  	s10 =	sshrl.u32 @!p1 s23, $0x3;
	s12 =	rddreg [dreg:$0xe];
	[sflag:s30] =	ssyncadd.s32 $0xFFFFFB00  }
0x4d: {  	[hbm:s12], [sflag:s5] =	dma.local @!p1 [spmem:s10], $0x500  }
0x4e: {  	s5 =	simm.s32 @!p1 $0x4  }
0x4f: {  	_ =	swait.ge @!p1 [sflag:s5], $0x500  }
0x50: {  	s9 =	sadd.s32 $0x1, s9;
	s25 =	rddreg [dreg:$0x16]  }
0x51: {  	p2 =	sne.s32 s9, s25  }
.Ltmp1:
0x52: {  	_ = 	snop;
	(pc) =	sbr.rel @!p2 .LBB2_16-.Ltmp1, $3  }
0x53: {  	_ =	sdelay $0x1  }
0x54: {  	[sflag:s5] =	ssyncset.done @!p1 $0x0  }
0x55: {  	[sflag:s5] =	ssyncadd.s32 @!p1 $0xFFFFFB00  }
.LBB2_1:
0x56: {  	s5 =	simm.s32 $0x0;
	s10 =	simm.s32 $0x200  }
.LBB2_2:
0x57: {  	p2 =	sne.s32 s10, $0x9E00;
	[tilespmem:s5+$0x170] =	vst v0  }
0x58: {  	[tilespmem:s5+$0x100] =	vst v0  }
0x59: {  	[tilespmem:s5+$0x110] =	vst v0  }
.Ltmp2:
0x5a: {  	[tilespmem:s5+$0x120] =	vst v0;
	(pc) =	sbr.rel @p2 .LBB2_2-.Ltmp2, $4  }
0x5b: {  	[tilespmem:s5+$0x130] =	vst v0  }
0x5c: {  	[tilespmem:s5+$0x140] =	vst v0  }
0x5d: {  	[tilespmem:s5+$0x150] =	vst v0  }
0x5e: {  	[tilespmem:s5+$0x160] =	vst v0;
	s5 =	sshra.s32 s10, $0x2;
	s10 =	sadd.s32 $0x200, s10  }
0x5f: {  	[tilespmem:s5+$0x170] =	vst v0  }
0x60: {  	[tilespmem:s5+$0x100] =	vst v0  }
0x61: {  	[tilespmem:s5+$0x110] =	vst v0  }
0x62: {  	[tilespmem:s5+$0x120] =	vst v0  }
0x63: {  	[tilespmem:s5+$0x130] =	vst v0  }
0x64: {  	[tilespmem:s5+$0x140] =	vst v0  }
0x65: {  	[tilespmem:s5+$0x150] =	vst v0  }
0x66: {  	[tilespmem:s5+$0x160] =	vst v0  }
0x67: {  	[spmem:s13] =	stream.linear.scatter [tilespmem:s29], [sflag:$0x4], $0x2800, $0x38;
	[tilespmem:$0x1FA80] =	vst v63  }
0x68: {  	_ =	swait.ge [sflag:s30], $0x2800  }
0x69: {  	[sflag:s30] =	ssyncset.done $0x0  }
0x6a: {  	[sflag:s30] =	ssyncadd.s32 $0xFFFFD800  }
0x6b: {  	[spmem:s26] =	stream.linear.scatter [tilespmem:s29], [sflag:$0x4], $0x2800, $0x38;
	[tilespmem:$0x1FA80] =	vst v63  }
0x6c: {  	_ =	swait.ge [sflag:s30], $0x2800  }
0x6d: {  	[sflag:s30] =	ssyncset.done $0x0  }
0x6e: {  	[sflag:s30] =	ssyncadd.s32 $0xFFFFD800  }
0x6f: {  	[spmem:s15] =	stream.linear.scatter [tilespmem:s29], [sflag:$0x4], $0x2800, $0x38;
	[tilespmem:$0x1FA80] =	vst v63  }
0x70: {  	_ =	swait.ge [sflag:s30], $0x2800  }
0x71: {  	[sflag:s30] =	ssyncset.done $0x0  }
0x72: {  	[sflag:s30] =	ssyncadd.s32 $0xFFFFD800  }
0x73: {  	[spmem:s16] =	stream.linear.scatter [tilespmem:s29], [sflag:$0x4], $0x2800, $0x38;
	[tilespmem:$0x1FA80] =	vst v63  }
0x74: {  	_ =	swait.ge [sflag:s30], $0x2800  }
0x75: {  	[sflag:s30] =	ssyncset.done $0x0  }
0x76: {  	s19 =	smov.u32 s15;
	s15 =	rddreg [dreg:$0xf];
	[sflag:s30] =	ssyncadd.s32 $0xFFFFD800  }
0x77: {  	[spmem:s15] =	stream.linear.scatter [tilespmem:s29], [sflag:$0x4], $0x2800, $0x38;
	[tilespmem:$0x1FA80] =	vst v63  }
0x78: {  	_ =	swait.ge [sflag:s30], $0x2800  }
0x79: {  	[sflag:s30] =	ssyncset.done $0x0  }
0x7a: {  	[sflag:s30] =	ssyncadd.s32 $0xFFFFD800  }
0x7b: {  	[spmem:s21] =	stream.linear.scatter [tilespmem:s29], [sflag:$0x4], $0x2800, $0x38;
	[tilespmem:$0x1FA80] =	vst v63  }
0x7c: {  	_ =	swait.ge [sflag:s30], $0x2800  }
0x7d: {  	[sflag:s30] =	ssyncset.done $0x0  }
0x7e: {  	[sflag:s30] =	ssyncadd.s32 $0xFFFFD800  }
0x7f: {  	[spmem:s22] =	stream.linear.scatter [tilespmem:s29], [sflag:$0x4], $0x2800, $0x38;
	[tilespmem:$0x1FA80] =	vst v63  }
0x80: {  	_ =	swait.ge [sflag:s30], $0x2800  }
0x81: {  	[sflag:s30] =	ssyncset.done $0x0  }
0x82: {  	s5 =	simm.s32 @!p1 $0x100;
	[sflag:s30] =	ssyncadd.s32 $0xFFFFD800  }
0x83: {  	[spmem:s23] =	stream.linear.scatter @!p1 [tilespmem:s5], [sflag:$0x4], $0x2800, $0x38;
	[tilespmem:$0x1FA80] =	vst v63  }
0x84: {  	s5 =	simm.s32 @!p1 $0x4  }
0x85: {  	_ =	swait.ge @!p1 [sflag:s5], $0x2800  }
0x86: {  	[sflag:s5] =	ssyncset.done @!p1 $0x0  }
0x87: {  	[sflag:s5] =	ssyncadd.s32 @!p1 $0xFFFFD800  }
0x88: {  	s20 =	smov.u32 s16;
	[bflag:$0x0] =	sbarrier.arrive $0xFFFF  }
0x89: {  	s10 =	simm.s32 $0x0;
	s12 =	simm.s32 $0x8200;
	s16 =	rddreg [dreg:$0x5]  }
0x8a: {  	[tilespmem:s12], [sflag:$0x3] =	stream.linear.gather [hbm4b:s16+s10], $0x4000, $0x38;
	[tilespmem:$0x1FA80] =	vst v63  }
0x8b: {  	s25 =	rddreg [dreg:$0x10]  }
0x8c: {  	[tilespmem:s10], [sflag:$0x4] =	stream.linear.gather [hbm4b:s25+s10], $0x80, $0x38;
	[tilespmem:$0x1FA80] =	vst v63  }
0x8d: {  	_ =	swait.ge [sflag:s30], $0x80  }
0x8e: {  	[sflag:s30] =	ssyncset.done $0x0  }
0x8f: {  	s18 =	smov.u32 s26;
	s26 =	rddreg [dreg:$0x11];
	[sflag:s30] =	ssyncadd.s32 $0xFFFFFF80  }
0x90: {  	[tilespmem:s11], [sflag:$0x4] =	stream.linear.gather [hbm4b:s26+s10], $0x80, $0x38;
	[tilespmem:$0x1FA80] =	vst v63  }
0x91: {  	_ =	swait.ge [sflag:s30], $0x80  }
0x92: {  	[sflag:s30] =	ssyncset.done $0x0  }
0x93: {  	s17 =	smov.u32 s13;
	[sflag:s30] =	ssyncadd.s32 $0xFFFFFF80  }
0x94: {  	[tilespmem:s29], [sflag:$0x1] =	stream.indirect.gather [hbm4b:s0+s11], $0x80, s10, s11, $0xb8;
	[tilespmem:$0x1FA80] =	vst v63  }
.LBB2_4:
0x95: {  	s12 =	sadd.s32 s24, s10  }
0x96: {  	s13 =	sshll.u32 s12, $0x8  }
0x97: {  	s5 =	sshrl.u32 s13, $0x3  }
0x98: {  	s5 =	sadd.s32 s2, s5  }
0x99: {  	s15 =	sadd.s32 $0x9C40, s5  }
0x9a: {  	[tilespmem:s1], [sflag:$0x4] =	stream.linear.gather [hbm4b:s15+s3], $0x80, $0x38;
	[tilespmem:$0x1FA80] =	vst v63  }
0x9b: {  	_ =	swait.ge [sflag:s30], $0x80  }
0x9c: {  	[sflag:s30] =	ssyncset.done $0x0  }
0x9d: {  	s5 =	sadd.s32 $0x9C50, s5;
	[sflag:s30] =	ssyncadd.s32 $0xFFFFFF80  }
0x9e: {  	[tilespmem:s31], [sflag:$0x4] =	stream.linear.gather [hbm4b:s5+s3], $0x80, $0x38;
	[tilespmem:$0x1FA80] =	vst v63  }
0x9f: {  	_ =	swait.ge [sflag:s30], $0x80  }
0xa0: {  	[sflag:s30] =	ssyncset.done $0x0  }
0xa1: {  	[sflag:s30] =	ssyncadd.s32 $0xFFFFFF80  }
0xa2: {  	[tilespmem:s4], [sflag:$0x2] =	stream.indirect.gather [hbm4b:s0+s11], $0x80, s1, s11, $0xb8;
	[tilespmem:$0x1FA80] =	vst v63  }
0xa3: {  	_ =	swait.ge [sflag:s6], $0x4000  }
0xa4: {  	[sflag:s6] =	ssyncset.done $0x0  }
0xa5: {  	[sflag:s6] =	ssyncadd.s32 $0xFFFFC000  }
0xa6: {  	_ =	swait.ge [sflag:s7], $0x4000  }
0xa7: {  	[sflag:s7] =	ssyncset.done $0x0  }
0xa8: {  	s15 =	simm.s32 $0x8300;
	[sflag:s7] =	ssyncadd.s32 $0xFFFFC000  }
0xa9: {  	s25 =	simm.s32 $0x200;
	v1 =	vld [tilespmem:s15+$0x80]  }
0xaa: {  	v2 =	vld [tilespmem:s25+$0x80]  }
0xab: {  	v3 =	vld [tilespmem:s15+$0xFFFFFF80]  }
0xac: {  	v4 =	vld [tilespmem:s15+$0xFFFFFF00]  }
0xad: {  	v5 =	vld [tilespmem:s25+$0xFFFFFF00]  }
0xae: {  	v6 =	vld [tilespmem:s15+$0x0];
	v1 =	vshll.u32 v1, $0x10  }
0xaf: {  	v1 =	vmul.f32 v1, v2;
	v2 =	vld [tilespmem:s25+$0xFFFFFF80]  }
0xb0: {  	v7 =	vld [tilespmem:s25+$0x0]  }
0xb1: {  	[tilespmem:s25+$0x80] =	vst v1  }
0xb2: {  	v1 =	vshll.u32 v4, $0x10;
	v4 =	vld [tilespmem:s15+$0x90]  }
0xb3: {  	v3 =	vshll.u32 v3, $0x10;
	v1 =	vmul.f32 v1, v5;
	v5 =	vld [tilespmem:s25+$0x90]  }
0xb4: {  	v8 =	vld [tilespmem:s25+$0xFFFFFF10];
	v6 =	vshll.u32 v6, $0x10;
	v2 =	vmul.f32 v3, v2  }
0xb5: {  	v3 =	vld [tilespmem:s25+$0xFFFFFF90];
	[tilespmem:s25+$0xFFFFFF00] =	vst v1;
	v1 =	vmul.f32 v6, v7  }
0xb6: {  	v6 =	vld [tilespmem:s15+$0xFFFFFF10];
	[tilespmem:s25+$0xFFFFFF80] =	vst v2  }
0xb7: {  	[tilespmem:s25+$0x0] =	vst v1;
	v2 =	vshll.u32 v4, $0x10;
	v4 =	vld [tilespmem:s15+$0xFFFFFF90]  }
0xb8: {  	v1 =	vmul.f32 v2, v5;
	v2 =	vld [tilespmem:s15+$0x10]  }
0xb9: {  	v7 =	vld [tilespmem:s25+$0x10]  }
0xba: {  	[tilespmem:s25+$0x90] =	vst v1  }
0xbb: {  	v1 =	vshll.u32 v6, $0x10;
	v6 =	vld [tilespmem:s15+$0xA0]  }
0xbc: {  	v1 =	vmul.f32 v1, v8;
	v8 =	vld [tilespmem:s25+$0xA0];
	v4 =	vshll.u32 v4, $0x10  }
0xbd: {  	v9 =	vld [tilespmem:s25+$0xFFFFFFA0];
	v3 =	vmul.f32 v4, v3;
	v2 =	vshll.u32 v2, $0x10  }
0xbe: {  	v5 =	vld [tilespmem:s25+$0xFFFFFF20];
	[tilespmem:s25+$0xFFFFFF10] =	vst v1;
	v2 =	vmul.f32 v2, v7  }
0xbf: {  	v7 =	vld [tilespmem:s15+$0xFFFFFF20];
	[tilespmem:s25+$0xFFFFFF90] =	vst v3  }
0xc0: {  	v3 =	vshll.u32 v6, $0x10;
	v6 =	vld [tilespmem:s15+$0xFFFFFFA0];
	[tilespmem:s25+$0x10] =	vst v2  }
0xc1: {  	v2 =	vmul.f32 v3, v8;
	v3 =	vld [tilespmem:s15+$0x20]  }
0xc2: {  	v4 =	vld [tilespmem:s25+$0x20]  }
0xc3: {  	[tilespmem:s25+$0xA0] =	vst v2  }
0xc4: {  	v7 =	vshll.u32 v7, $0x10;
	v2 =	vld [tilespmem:s15+$0xB0]  }
0xc5: {  	v10 =	vld [tilespmem:s25+$0xB0];
	v5 =	vmul.f32 v7, v5;
	v6 =	vshll.u32 v6, $0x10  }
0xc6: {  	v1 =	vld [tilespmem:s25+$0xFFFFFF30];
	v6 =	vmul.f32 v6, v9;
	v3 =	vshll.u32 v3, $0x10  }
0xc7: {  	v8 =	vld [tilespmem:s25+$0xFFFFFFB0];
	[tilespmem:s25+$0xFFFFFF20] =	vst v5;
	v3 =	vmul.f32 v3, v4  }
0xc8: {  	v4 =	vld [tilespmem:s15+$0xFFFFFF30];
	[tilespmem:s25+$0xFFFFFFA0] =	vst v6  }
0xc9: {  	v2 =	vshll.u32 v2, $0x10;
	v5 =	vld [tilespmem:s15+$0xFFFFFFB0];
	[tilespmem:s25+$0x20] =	vst v3  }
0xca: {  	v2 =	vmul.f32 v2, v10;
	v3 =	vld [tilespmem:s15+$0x30]  }
0xcb: {  	v11 =	vld [tilespmem:s25+$0x30]  }
0xcc: {  	v12 =	vld [tilespmem:s25+$0xFFFFFF50];
	[tilespmem:s25+$0xB0] =	vst v2  }
0xcd: {  	v4 =	vshll.u32 v4, $0x10;
	v2 =	vld [tilespmem:s15+$0xC0]  }
0xce: {  	v6 =	vld [tilespmem:s25+$0xC0];
	v1 =	vmul.f32 v4, v1;
	v4 =	vshll.u32 v5, $0x10  }
0xcf: {  	v7 =	vld [tilespmem:s25+$0xFFFFFF40];
	v4 =	vmul.f32 v4, v8;
	v3 =	vshll.u32 v3, $0x10  }
0xd0: {  	v9 =	vld [tilespmem:s25+$0xFFFFFFC0];
	[tilespmem:s25+$0xFFFFFF30] =	vst v1;
	v1 =	vmul.f32 v3, v11  }
0xd1: {  	v3 =	vld [tilespmem:s15+$0xFFFFFF40];
	[tilespmem:s25+$0xFFFFFFB0] =	vst v4  }
0xd2: {  	v2 =	vshll.u32 v2, $0x10;
	v4 =	vld [tilespmem:s15+$0xFFFFFFC0];
	[tilespmem:s25+$0x30] =	vst v1  }
0xd3: {  	v1 =	vmul.f32 v2, v6;
	v2 =	vld [tilespmem:s15+$0x40]  }
0xd4: {  	v10 =	vld [tilespmem:s25+$0x40]  }
0xd5: {  	v13 =	vld [tilespmem:s25+$0xD0];
	[tilespmem:s25+$0xC0] =	vst v1  }
0xd6: {  	v3 =	vshll.u32 v3, $0x10;
	v1 =	vld [tilespmem:s15+$0xD0]  }
0xd7: {  	v5 =	vld [tilespmem:s25+$0xFFFFFF60];
	v3 =	vmul.f32 v3, v7;
	v6 =	vshll.u32 v4, $0x10  }
0xd8: {  	v8 =	vld [tilespmem:s25+$0xFFFFFFD0];
	v7 =	vmul.f32 v6, v9;
	v2 =	vshll.u32 v2, $0x10  }
0xd9: {  	v11 =	vld [tilespmem:s25+$0x50];
	[tilespmem:s25+$0xFFFFFF40] =	vst v3;
	v2 =	vmul.f32 v2, v10  }
0xda: {  	v3 =	vld [tilespmem:s15+$0xFFFFFF50];
	[tilespmem:s25+$0xFFFFFFC0] =	vst v7  }
0xdb: {  	v1 =	vshll.u32 v1, $0x10;
	v7 =	vld [tilespmem:s15+$0xFFFFFFD0];
	[tilespmem:s25+$0x40] =	vst v2  }
0xdc: {  	v1 =	vmul.f32 v1, v13;
	v2 =	vld [tilespmem:s15+$0x50]  }
0xdd: {  	v4 =	vld [tilespmem:s25+$0xFFFFFFE0]  }
0xde: {  	v6 =	vld [tilespmem:s25+$0x60];
	[tilespmem:s25+$0xD0] =	vst v1  }
0xdf: {  	v1 =	vshll.u32 v3, $0x10;
	v9 =	vld [tilespmem:s15+$0xE0]  }
0xe0: {  	v10 =	vld [tilespmem:s25+$0xE0];
	v3 =	vmul.f32 v1, v12;
	v7 =	vshll.u32 v7, $0x10  }
0xe1: {  	v1 =	vld [tilespmem:s25+$0xFFFFFF70];
	v7 =	vmul.f32 v7, v8;
	v2 =	vshll.u32 v2, $0x10  }
0xe2: {  	[tilespmem:s25+$0xFFFFFF50] =	vst v3;
	v3 =	vld [tilespmem:s25+$0xFFFFFFF0];
	v2 =	vmul.f32 v2, v11  }
0xe3: {  	v11 =	vld [tilespmem:s15+$0xFFFFFF60];
	[tilespmem:s25+$0xFFFFFFD0] =	vst v7  }
0xe4: {  	v7 =	vshll.u32 v9, $0x10;
	v8 =	vld [tilespmem:s15+$0xFFFFFFE0];
	[tilespmem:s25+$0x50] =	vst v2  }
0xe5: {  	v7 =	vmul.f32 v7, v10;
	v9 =	vld [tilespmem:s15+$0x60]  }
0xe6: {  	v2 =	vld [tilespmem:s25+$0x70]  }
0xe7: {  	[tilespmem:s25+$0xE0] =	vst v7;
	v7 =	vld [tilespmem:s25+$0xF0]  }
0xe8: {  	s16 =	simm.s32 $0x8500;
	s26 =	simm.s32 $0x200;
	s5 =	simm.s32 $0x0;
	v11 =	vshll.u32 v11, $0x10;
	v10 =	vld [tilespmem:s15+$0xF0]  }
.LBB2_5:
0xe9: {  	v12 =	vld [tilespmem:s16+$0x80];
	s5 =	sadd.s32 $0x4, s5;
	v5 =	vmul.f32 v11, v5;
	v8 =	vshll.u32 v8, $0x10;
	s25 =	sadd.s32 $0x200, s25  }
0xea: {  	v11 =	vld [tilespmem:s25+$0x80];
	p2 =	slt.u32 s5, $0x7C;
	v4 =	vmul.f32 v8, v4;
	v8 =	vshll.u32 v9, $0x10  }
0xeb: {  	v9 =	vld [tilespmem:s16+$0xFFFFFF80];
	[tilespmem:s26+$0xFFFFFF60] =	vst v5;
	v5 =	vmul.f32 v8, v6  }
0xec: {  	v6 =	vld [tilespmem:s16+$0x0];
	[tilespmem:s26+$0xFFFFFFE0] =	vst v4  }
0xed: {  	v4 =	vld [tilespmem:s16+$0xFFFFFF00];
	[tilespmem:s26+$0x60] =	vst v5;
	v5 =	vshll.u32 v10, $0x10  }
0xee: {  	v8 =	vld [tilespmem:s25+$0xFFFFFF00];
	v10 =	vshll.u32 v12, $0x10;
	v5 =	vmul.f32 v5, v7  }
0xef: {  	v7 =	vld [tilespmem:s25+$0xFFFFFF80];
	v10 =	vmul.f32 v10, v11  }
0xf0: {  	v9 =	vshll.u32 v9, $0x10;
	v11 =	vld [tilespmem:s25+$0x0];
	[tilespmem:s26+$0xF0] =	vst v5  }
0xf1: {  	v5 =	vld [tilespmem:s25+$0xFFFFFF10];
	v6 =	vshll.u32 v6, $0x10;
	[tilespmem:s25+$0x80] =	vst v10  }
0xf2: {  	v4 =	vshll.u32 v4, $0x10;
	v10 =	vld [tilespmem:s16+$0x90]  }
0xf3: {  	v4 =	vmul.f32 v4, v8;
	v8 =	vld [tilespmem:s25+$0x90]  }
0xf4: {  	v7 =	vmul.f32 v9, v7;
	v9 =	vld [tilespmem:s25+$0xFFFFFF90]  }
0xf5: {  	[tilespmem:s25+$0xFFFFFF00] =	vst v4;
	v4 =	vmul.f32 v6, v11;
	v6 =	vld [tilespmem:s25+$0x10]  }
0xf6: {  	v11 =	vld [tilespmem:s16+$0xFFFFFF10];
	[tilespmem:s25+$0xFFFFFF80] =	vst v7  }
0xf7: {  	v7 =	vld [tilespmem:s16+$0xFFFFFF90];
	[tilespmem:s25+$0x0] =	vst v4;
	v4 =	vshll.u32 v10, $0x10  }
0xf8: {  	v10 =	vld [tilespmem:s16+$0x10];
	v4 =	vmul.f32 v4, v8  }
0xf9: {  	v8 =	vld [tilespmem:s25+$0xFFFFFF20]  }
0xfa: {  	v12 =	vld [tilespmem:s25+$0xFFFFFFA0];
	[tilespmem:s25+$0x90] =	vst v4  }
0xfb: {  	v4 =	vshll.u32 v11, $0x10;
	v11 =	vld [tilespmem:s16+$0xA0]  }
0xfc: {  	v4 =	vmul.f32 v4, v5;
	v5 =	vshll.u32 v7, $0x10;
	v7 =	vld [tilespmem:s25+$0xA0]  }
0xfd: {  	v5 =	vmul.f32 v5, v9;
	v9 =	vshll.u32 v10, $0x10;
	v10 =	vld [tilespmem:s25+$0x20]  }
0xfe: {  	[tilespmem:s25+$0xFFFFFF10] =	vst v4;
	v4 =	vld [tilespmem:s25+$0xFFFFFF30];
	v6 =	vmul.f32 v9, v6  }
0xff: {  	v9 =	vld [tilespmem:s16+$0xFFFFFF20];
	[tilespmem:s25+$0xFFFFFF90] =	vst v5  }
0x100: {  	v5 =	vld [tilespmem:s16+$0xFFFFFFA0];
	[tilespmem:s25+$0x10] =	vst v6;
	v6 =	vshll.u32 v11, $0x10  }
0x101: {  	v11 =	vld [tilespmem:s16+$0x20];
	v6 =	vmul.f32 v6, v7  }
0x102: {  	v7 =	vld [tilespmem:s25+$0xFFFFFFB0]  }
0x103: {  	v13 =	vld [tilespmem:s25+$0x30];
	[tilespmem:s25+$0xA0] =	vst v6  }
0x104: {  	v6 =	vshll.u32 v9, $0x10;
	v9 =	vld [tilespmem:s16+$0xB0]  }
0x105: {  	v6 =	vmul.f32 v6, v8;
	v5 =	vshll.u32 v5, $0x10;
	v8 =	vld [tilespmem:s25+$0xB0]  }
0x106: {  	v14 =	vld [tilespmem:s25+$0xFFFFFF40];
	v5 =	vmul.f32 v5, v12;
	v11 =	vshll.u32 v11, $0x10  }
0x107: {  	[tilespmem:s25+$0xFFFFFF20] =	vst v6;
	v6 =	vld [tilespmem:s25+$0xFFFFFFC0];
	v10 =	vmul.f32 v11, v10  }
0x108: {  	v11 =	vld [tilespmem:s16+$0xFFFFFF30];
	[tilespmem:s25+$0xFFFFFFA0] =	vst v5  }
0x109: {  	v5 =	vld [tilespmem:s16+$0xFFFFFFB0];
	[tilespmem:s25+$0x20] =	vst v10;
	v9 =	vshll.u32 v9, $0x10  }
0x10a: {  	v10 =	vld [tilespmem:s16+$0x30];
	v8 =	vmul.f32 v9, v8  }
0x10b: {  	v9 =	vld [tilespmem:s25+$0x40]  }
0x10c: {  	v12 =	vld [tilespmem:s25+$0xFFFFFF50];
	[tilespmem:s25+$0xB0] =	vst v8  }
0x10d: {  	v8 =	vshll.u32 v11, $0x10;
	v11 =	vld [tilespmem:s16+$0xC0]  }
0x10e: {  	v4 =	vmul.f32 v8, v4;
	v5 =	vshll.u32 v5, $0x10;
	v8 =	vld [tilespmem:s25+$0xC0]  }
0x10f: {  	v5 =	vmul.f32 v5, v7;
	v7 =	vld [tilespmem:s25+$0xFFFFFFD0];
	v10 =	vshll.u32 v10, $0x10  }
0x110: {  	[tilespmem:s25+$0xFFFFFF30] =	vst v4;
	v4 =	vmul.f32 v10, v13;
	v10 =	vld [tilespmem:s25+$0x50]  }
0x111: {  	v13 =	vld [tilespmem:s16+$0xFFFFFF40];
	[tilespmem:s25+$0xFFFFFFB0] =	vst v5  }
0x112: {  	v15 =	vld [tilespmem:s16+$0xFFFFFFC0];
	[tilespmem:s25+$0x30] =	vst v4;
	v4 =	vshll.u32 v11, $0x10  }
0x113: {  	v11 =	vld [tilespmem:s16+$0x40];
	v8 =	vmul.f32 v4, v8  }
0x114: {  	v5 =	vld [tilespmem:s25+$0xFFFFFF60]  }
0x115: {  	v4 =	vld [tilespmem:s25+$0xFFFFFFE0];
	[tilespmem:s25+$0xC0] =	vst v8  }
0x116: {  	v8 =	vshll.u32 v13, $0x10;
	v13 =	vld [tilespmem:s16+$0xD0]  }
0x117: {  	v8 =	vmul.f32 v8, v14;
	v14 =	vshll.u32 v15, $0x10;
	v15 =	vld [tilespmem:s25+$0xD0]  }
0x118: {  	v14 =	vmul.f32 v14, v6;
	v11 =	vshll.u32 v11, $0x10;
	v6 =	vld [tilespmem:s25+$0x60]  }
0x119: {  	[tilespmem:s25+$0xFFFFFF40] =	vst v8;
	v8 =	vmul.f32 v11, v9;
	v9 =	vld [tilespmem:s15+$0xFFFFFF70]  }
0x11a: {  	v11 =	vld [tilespmem:s16+$0xFFFFFF50];
	[tilespmem:s25+$0xFFFFFFC0] =	vst v14  }
0x11b: {  	v14 =	vld [tilespmem:s16+$0xFFFFFFD0];
	[tilespmem:s25+$0x40] =	vst v8;
	v8 =	vshll.u32 v13, $0x10  }
0x11c: {  	v13 =	vld [tilespmem:s16+$0x50];
	v8 =	vmul.f32 v8, v15  }
0x11d: {  	v15 =	vld [tilespmem:s15+$0xFFFFFFF0]  }
0x11e: {  	[tilespmem:s25+$0xD0] =	vst v8;
	v8 =	vshll.u32 v9, $0x10;
	v9 =	vld [tilespmem:s15+$0x70];
	s15 =	smov.u32 s16  }
0x11f: {  	v11 =	vshll.u32 v11, $0x10;
	v16 =	vld [tilespmem:s16+$0xE0];
	v8 =	vmul.f32 v8, v1  }
0x120: {  	v11 =	vmul.f32 v11, v12;
	v12 =	vshll.u32 v14, $0x10;
	v14 =	vld [tilespmem:s25+$0xE0]  }
0x121: {  	v1 =	vld [tilespmem:s25+$0xFFFFFF70];
	v7 =	vmul.f32 v12, v7;
	v12 =	vshll.u32 v13, $0x10;
	[tilespmem:s26+$0xFFFFFF70] =	vst v8  }
0x122: {  	[tilespmem:s25+$0xFFFFFF50] =	vst v11;
	v11 =	vld [tilespmem:s25+$0xFFFFFFF0];
	v10 =	vmul.f32 v12, v10;
	v8 =	vshll.u32 v15, $0x10  }
0x123: {  	v12 =	vld [tilespmem:s16+$0xFFFFFF60];
	[tilespmem:s25+$0xFFFFFFD0] =	vst v7;
	v3 =	vmul.f32 v8, v3;
	v7 =	vshll.u32 v9, $0x10  }
.Ltmp3:
0x124: {  	v8 =	vld [tilespmem:s16+$0xFFFFFFE0];
	[tilespmem:s25+$0x50] =	vst v10;
	v10 =	vshll.u32 v16, $0x10;
	v7 =	vmul.f32 v7, v2;
	(pc) =	sbr.rel @p2 .LBB2_5-.Ltmp3, $4  }
0x125: {  	v9 =	vld [tilespmem:s16+$0x60];
	v10 =	vmul.f32 v10, v14;
	[tilespmem:s26+$0xFFFFFFF0] =	vst v3  }
0x126: {  	v2 =	vld [tilespmem:s25+$0x70];
	[tilespmem:s26+$0x70] =	vst v7;
	s26 =	smov.u32 s25  }
0x127: {  	[tilespmem:s25+$0xE0] =	vst v10;
	v7 =	vld [tilespmem:s25+$0xF0];
	v3 =	vmov v11  }
0x128: {  	s16 =	sadd.s32 $0x200, s16;
	v11 =	vshll.u32 v12, $0x10;
	v10 =	vld [tilespmem:s15+$0xF0]  }
0x129: {  	v5 =	vmul.f32 v11, v5;
	v8 =	vshll.u32 v8, $0x10  }
0x12a: {  	v4 =	vmul.f32 v8, v4;
	v8 =	vshll.u32 v9, $0x10  }
0x12b: {  	[tilespmem:s26+$0xFFFFFF60] =	vst v5;
	v5 =	vmul.f32 v8, v6  }
0x12c: {  	[tilespmem:s26+$0xFFFFFFE0] =	vst v4;
	v4 =	vld [tilespmem:s15+$0xFFFFFF70]  }
0x12d: {  	[tilespmem:s26+$0x60] =	vst v5;
	v5 =	vld [tilespmem:s15+$0xFFFFFFF0]  }
0x12e: {  	v6 =	vld [tilespmem:s15+$0x70];
	_ =	sdelay $0x1  }
0x12f: {  	v8 =	vshll.u32 v10, $0x10  }
0x130: {  	v7 =	vmul.f32 v8, v7;
	v4 =	vshll.u32 v4, $0x10  }
0x131: {  	v1 =	vmul.f32 v4, v1;
	v4 =	vshll.u32 v5, $0x10  }
0x132: {  	[tilespmem:s26+$0xF0] =	vst v7;
	v3 =	vmul.f32 v4, v3;
	v4 =	vshll.u32 v6, $0x10  }
0x133: {  	[tilespmem:s26+$0xFFFFFF70] =	vst v1;
	v1 =	vmul.f32 v4, v2  }
0x134: {  	[tilespmem:s26+$0xFFFFFFF0] =	vst v3  }
0x135: {  	p2 =	seq.s32 s10, $0x26;
	[tilespmem:s26+$0x70] =	vst v1  }
0x136: {  	[spmem:s14] =	stream.indirect.scatter.add.f32 [tilespmem:s29], [sflag:$0x4], $0x80, s11, s11, $0xb8;
	[tilespmem:$0x1FA80] =	vst v63  }
0x137: {  	s5 =	sshrl.u32 @!p2 s13, $0x3;
	_ =	swait.ge [sflag:s30], $0x4000  }
0x138: {  	s5 =	sadd.s32 @!p2 s2, s5;
	[sflag:s30] =	ssyncset.done $0x0  }
0x139: {  	s13 =	sadd.s32 @!p2 $0x20, s5;
	s15 =	simm.s32 @!p2 $0x0;
	[sflag:s30] =	ssyncadd.s32 $0xFFFFC000  }
0x13a: {  	[tilespmem:s15], [sflag:$0x4] =	stream.linear.gather @!p2 [hbm4b:s13+s15], $0x80, $0x38;
	[tilespmem:$0x1FA80] =	vst v63  }
0x13b: {  	s13 =	simm.s32 @!p2 $0x4  }
0x13c: {  	_ =	swait.ge @!p2 [sflag:s13], $0x80  }
0x13d: {  	[sflag:s13] =	ssyncset.done @!p2 $0x0  }
0x13e: {  	s16 =	simm.s32 @!p2 $0x80;
	s5 =	sadd.s32 @!p2 $0x30, s5;
	[sflag:s13] =	ssyncadd.s32 @!p2 $0xFFFFFF80  }
0x13f: {  	[tilespmem:s16], [sflag:$0x4] =	stream.linear.gather @!p2 [hbm4b:s5+s15], $0x80, $0x38;
	[tilespmem:$0x1FA80] =	vst v63  }
0x140: {  	_ =	swait.ge @!p2 [sflag:s13], $0x80  }
0x141: {  	[sflag:s13] =	ssyncset.done @!p2 $0x0  }
0x142: {  	s5 =	simm.s32 @!p2 $0x100;
	[sflag:s13] =	ssyncadd.s32 @!p2 $0xFFFFFF80  }
0x143: {  	[tilespmem:s5], [sflag:$0x1] =	stream.indirect.gather @!p2 [hbm4b:s0+s16], $0x80, s15, s16, $0xb8;
	[tilespmem:$0x1FA80] =	vst v63  }
0x144: {  	_ =	swait.ge [sflag:s8], $0x4000  }
0x145: {  	[sflag:s8] =	ssyncset.done $0x0  }
0x146: {  	s13 =	simm.s32 $0x8300;
	[sflag:s8] =	ssyncadd.s32 $0xFFFFC000  }
0x147: {  	s15 =	simm.s32 $0x4300;
	v1 =	vld [tilespmem:s13+$0x80]  }
0x148: {  	v2 =	vld [tilespmem:s15+$0x80]  }
0x149: {  	v3 =	vld [tilespmem:s13+$0xFFFFFF80]  }
0x14a: {  	v4 =	vld [tilespmem:s13+$0xFFFFFF00]  }
0x14b: {  	v5 =	vld [tilespmem:s15+$0xFFFFFF00]  }
0x14c: {  	v6 =	vld [tilespmem:s13+$0x0];
	v1 =	vand.u32 $0xFFFF0000, v1  }
0x14d: {  	v1 =	vmul.f32 v1, v2;
	v2 =	vld [tilespmem:s15+$0xFFFFFF80]  }
0x14e: {  	v7 =	vld [tilespmem:s15+$0x0]  }
0x14f: {  	[tilespmem:s15+$0x80] =	vst v1  }
0x150: {  	v1 =	vand.u32 $0xFFFF0000, v4;
	v4 =	vld [tilespmem:s13+$0x90]  }
0x151: {  	v3 =	vand.u32 $0xFFFF0000, v3;
	v1 =	vmul.f32 v1, v5;
	v5 =	vld [tilespmem:s15+$0x90]  }
0x152: {  	v8 =	vld [tilespmem:s15+$0xFFFFFF10];
	v6 =	vand.u32 $0xFFFF0000, v6;
	v2 =	vmul.f32 v3, v2  }
0x153: {  	v3 =	vld [tilespmem:s15+$0xFFFFFF90];
	[tilespmem:s15+$0xFFFFFF00] =	vst v1;
	v1 =	vmul.f32 v6, v7  }
0x154: {  	v6 =	vld [tilespmem:s13+$0xFFFFFF10];
	[tilespmem:s15+$0xFFFFFF80] =	vst v2  }
0x155: {  	[tilespmem:s15+$0x0] =	vst v1;
	v2 =	vand.u32 $0xFFFF0000, v4;
	v4 =	vld [tilespmem:s13+$0xFFFFFF90]  }
0x156: {  	v1 =	vmul.f32 v2, v5;
	v2 =	vld [tilespmem:s13+$0x10]  }
0x157: {  	v7 =	vld [tilespmem:s15+$0x10]  }
0x158: {  	[tilespmem:s15+$0x90] =	vst v1  }
0x159: {  	v1 =	vand.u32 $0xFFFF0000, v6;
	v6 =	vld [tilespmem:s13+$0xA0]  }
0x15a: {  	v1 =	vmul.f32 v1, v8;
	v8 =	vld [tilespmem:s15+$0xA0];
	v4 =	vand.u32 $0xFFFF0000, v4  }
0x15b: {  	v9 =	vld [tilespmem:s15+$0xFFFFFFA0];
	v3 =	vmul.f32 v4, v3;
	v2 =	vand.u32 $0xFFFF0000, v2  }
0x15c: {  	v5 =	vld [tilespmem:s15+$0xFFFFFF20];
	[tilespmem:s15+$0xFFFFFF10] =	vst v1;
	v2 =	vmul.f32 v2, v7  }
0x15d: {  	v7 =	vld [tilespmem:s13+$0xFFFFFF20];
	[tilespmem:s15+$0xFFFFFF90] =	vst v3  }
0x15e: {  	v3 =	vand.u32 $0xFFFF0000, v6;
	v6 =	vld [tilespmem:s13+$0xFFFFFFA0];
	[tilespmem:s15+$0x10] =	vst v2  }
0x15f: {  	v2 =	vmul.f32 v3, v8;
	v3 =	vld [tilespmem:s13+$0x20]  }
0x160: {  	v4 =	vld [tilespmem:s15+$0x20]  }
0x161: {  	[tilespmem:s15+$0xA0] =	vst v2  }
0x162: {  	v7 =	vand.u32 $0xFFFF0000, v7;
	v2 =	vld [tilespmem:s13+$0xB0]  }
0x163: {  	v10 =	vld [tilespmem:s15+$0xB0];
	v5 =	vmul.f32 v7, v5;
	v6 =	vand.u32 $0xFFFF0000, v6  }
0x164: {  	v1 =	vld [tilespmem:s15+$0xFFFFFF30];
	v6 =	vmul.f32 v6, v9;
	v3 =	vand.u32 $0xFFFF0000, v3  }
0x165: {  	v8 =	vld [tilespmem:s15+$0xFFFFFFB0];
	[tilespmem:s15+$0xFFFFFF20] =	vst v5;
	v3 =	vmul.f32 v3, v4  }
0x166: {  	v4 =	vld [tilespmem:s13+$0xFFFFFF30];
	[tilespmem:s15+$0xFFFFFFA0] =	vst v6  }
0x167: {  	v2 =	vand.u32 $0xFFFF0000, v2;
	v5 =	vld [tilespmem:s13+$0xFFFFFFB0];
	[tilespmem:s15+$0x20] =	vst v3  }
0x168: {  	v2 =	vmul.f32 v2, v10;
	v3 =	vld [tilespmem:s13+$0x30]  }
0x169: {  	v11 =	vld [tilespmem:s15+$0x30]  }
0x16a: {  	v12 =	vld [tilespmem:s15+$0xFFFFFF50];
	[tilespmem:s15+$0xB0] =	vst v2  }
0x16b: {  	v4 =	vand.u32 $0xFFFF0000, v4;
	v2 =	vld [tilespmem:s13+$0xC0]  }
0x16c: {  	v6 =	vld [tilespmem:s15+$0xC0];
	v1 =	vmul.f32 v4, v1;
	v4 =	vand.u32 $0xFFFF0000, v5  }
0x16d: {  	v7 =	vld [tilespmem:s15+$0xFFFFFF40];
	v4 =	vmul.f32 v4, v8;
	v3 =	vand.u32 $0xFFFF0000, v3  }
0x16e: {  	v9 =	vld [tilespmem:s15+$0xFFFFFFC0];
	[tilespmem:s15+$0xFFFFFF30] =	vst v1;
	v1 =	vmul.f32 v3, v11  }
0x16f: {  	v3 =	vld [tilespmem:s13+$0xFFFFFF40];
	[tilespmem:s15+$0xFFFFFFB0] =	vst v4  }
0x170: {  	v2 =	vand.u32 $0xFFFF0000, v2;
	v4 =	vld [tilespmem:s13+$0xFFFFFFC0];
	[tilespmem:s15+$0x30] =	vst v1  }
0x171: {  	v1 =	vmul.f32 v2, v6;
	v2 =	vld [tilespmem:s13+$0x40]  }
0x172: {  	v10 =	vld [tilespmem:s15+$0x40]  }
0x173: {  	v13 =	vld [tilespmem:s15+$0xD0];
	[tilespmem:s15+$0xC0] =	vst v1  }
0x174: {  	v3 =	vand.u32 $0xFFFF0000, v3;
	v1 =	vld [tilespmem:s13+$0xD0]  }
0x175: {  	v5 =	vld [tilespmem:s15+$0xFFFFFF60];
	v3 =	vmul.f32 v3, v7;
	v6 =	vand.u32 $0xFFFF0000, v4  }
0x176: {  	v8 =	vld [tilespmem:s15+$0xFFFFFFD0];
	v7 =	vmul.f32 v6, v9;
	v2 =	vand.u32 $0xFFFF0000, v2  }
0x177: {  	v11 =	vld [tilespmem:s15+$0x50];
	[tilespmem:s15+$0xFFFFFF40] =	vst v3;
	v2 =	vmul.f32 v2, v10  }
0x178: {  	v3 =	vld [tilespmem:s13+$0xFFFFFF50];
	[tilespmem:s15+$0xFFFFFFC0] =	vst v7  }
0x179: {  	v1 =	vand.u32 $0xFFFF0000, v1;
	v7 =	vld [tilespmem:s13+$0xFFFFFFD0];
	[tilespmem:s15+$0x40] =	vst v2  }
0x17a: {  	v1 =	vmul.f32 v1, v13;
	v2 =	vld [tilespmem:s13+$0x50]  }
0x17b: {  	v4 =	vld [tilespmem:s15+$0xFFFFFFE0]  }
0x17c: {  	v6 =	vld [tilespmem:s15+$0x60];
	[tilespmem:s15+$0xD0] =	vst v1  }
0x17d: {  	v1 =	vand.u32 $0xFFFF0000, v3;
	v9 =	vld [tilespmem:s13+$0xE0]  }
0x17e: {  	v10 =	vld [tilespmem:s15+$0xE0];
	v3 =	vmul.f32 v1, v12;
	v7 =	vand.u32 $0xFFFF0000, v7  }
0x17f: {  	v1 =	vld [tilespmem:s15+$0xFFFFFF70];
	v7 =	vmul.f32 v7, v8;
	v2 =	vand.u32 $0xFFFF0000, v2  }
0x180: {  	[tilespmem:s15+$0xFFFFFF50] =	vst v3;
	v3 =	vld [tilespmem:s15+$0xFFFFFFF0];
	v2 =	vmul.f32 v2, v11  }
0x181: {  	v11 =	vld [tilespmem:s13+$0xFFFFFF60];
	[tilespmem:s15+$0xFFFFFFD0] =	vst v7  }
0x182: {  	v7 =	vand.u32 $0xFFFF0000, v9;
	v8 =	vld [tilespmem:s13+$0xFFFFFFE0];
	[tilespmem:s15+$0x50] =	vst v2  }
0x183: {  	v7 =	vmul.f32 v7, v10;
	v9 =	vld [tilespmem:s13+$0x60]  }
0x184: {  	v2 =	vld [tilespmem:s15+$0x70]  }
0x185: {  	[tilespmem:s15+$0xE0] =	vst v7;
	v7 =	vld [tilespmem:s15+$0xF0]  }
0x186: {  	s25 =	simm.s32 $0x4300;
	s5 =	simm.s32 $0x0;
	s16 =	simm.s32 $0x8500;
	v11 =	vand.u32 $0xFFFF0000, v11;
	v10 =	vld [tilespmem:s13+$0xF0]  }
.LBB2_7:
0x187: {  	v12 =	vld [tilespmem:s16+$0x80];
	s5 =	sadd.s32 $0x4, s5;
	v5 =	vmul.f32 v11, v5;
	v8 =	vand.u32 $0xFFFF0000, v8;
	s15 =	sadd.s32 $0x200, s15  }
0x188: {  	v11 =	vld [tilespmem:s15+$0x80];
	p3 =	slt.u32 s5, $0x7C;
	v4 =	vmul.f32 v8, v4;
	v8 =	vand.u32 $0xFFFF0000, v9  }
0x189: {  	v9 =	vld [tilespmem:s16+$0xFFFFFF80];
	[tilespmem:s25+$0xFFFFFF60] =	vst v5;
	v5 =	vmul.f32 v8, v6  }
0x18a: {  	v6 =	vld [tilespmem:s16+$0x0];
	[tilespmem:s25+$0xFFFFFFE0] =	vst v4  }
0x18b: {  	v4 =	vld [tilespmem:s16+$0xFFFFFF00];
	[tilespmem:s25+$0x60] =	vst v5;
	v5 =	vand.u32 $0xFFFF0000, v10  }
0x18c: {  	v8 =	vld [tilespmem:s15+$0xFFFFFF00];
	v10 =	vand.u32 $0xFFFF0000, v12;
	v5 =	vmul.f32 v5, v7  }
0x18d: {  	v7 =	vld [tilespmem:s15+$0xFFFFFF80];
	v10 =	vmul.f32 v10, v11  }
0x18e: {  	v9 =	vand.u32 $0xFFFF0000, v9;
	v11 =	vld [tilespmem:s15+$0x0];
	[tilespmem:s25+$0xF0] =	vst v5  }
0x18f: {  	v5 =	vld [tilespmem:s15+$0xFFFFFF10];
	v6 =	vand.u32 $0xFFFF0000, v6;
	[tilespmem:s15+$0x80] =	vst v10  }
0x190: {  	v4 =	vand.u32 $0xFFFF0000, v4;
	v10 =	vld [tilespmem:s16+$0x90]  }
0x191: {  	v4 =	vmul.f32 v4, v8;
	v8 =	vld [tilespmem:s15+$0x90]  }
0x192: {  	v7 =	vmul.f32 v9, v7;
	v9 =	vld [tilespmem:s15+$0xFFFFFF90]  }
0x193: {  	[tilespmem:s15+$0xFFFFFF00] =	vst v4;
	v4 =	vmul.f32 v6, v11;
	v6 =	vld [tilespmem:s15+$0x10]  }
0x194: {  	v11 =	vld [tilespmem:s16+$0xFFFFFF10];
	[tilespmem:s15+$0xFFFFFF80] =	vst v7  }
0x195: {  	v7 =	vld [tilespmem:s16+$0xFFFFFF90];
	[tilespmem:s15+$0x0] =	vst v4;
	v4 =	vand.u32 $0xFFFF0000, v10  }
0x196: {  	v10 =	vld [tilespmem:s16+$0x10];
	v4 =	vmul.f32 v4, v8  }
0x197: {  	v8 =	vld [tilespmem:s15+$0xFFFFFF20]  }
0x198: {  	v12 =	vld [tilespmem:s15+$0xFFFFFFA0];
	[tilespmem:s15+$0x90] =	vst v4  }
0x199: {  	v4 =	vand.u32 $0xFFFF0000, v11;
	v11 =	vld [tilespmem:s16+$0xA0]  }
0x19a: {  	v4 =	vmul.f32 v4, v5;
	v5 =	vand.u32 $0xFFFF0000, v7;
	v7 =	vld [tilespmem:s15+$0xA0]  }
0x19b: {  	v5 =	vmul.f32 v5, v9;
	v9 =	vand.u32 $0xFFFF0000, v10;
	v10 =	vld [tilespmem:s15+$0x20]  }
0x19c: {  	[tilespmem:s15+$0xFFFFFF10] =	vst v4;
	v4 =	vld [tilespmem:s15+$0xFFFFFF30];
	v6 =	vmul.f32 v9, v6  }
0x19d: {  	v9 =	vld [tilespmem:s16+$0xFFFFFF20];
	[tilespmem:s15+$0xFFFFFF90] =	vst v5  }
0x19e: {  	v5 =	vld [tilespmem:s16+$0xFFFFFFA0];
	[tilespmem:s15+$0x10] =	vst v6;
	v6 =	vand.u32 $0xFFFF0000, v11  }
0x19f: {  	v11 =	vld [tilespmem:s16+$0x20];
	v6 =	vmul.f32 v6, v7  }
0x1a0: {  	v7 =	vld [tilespmem:s15+$0xFFFFFFB0]  }
0x1a1: {  	v13 =	vld [tilespmem:s15+$0x30];
	[tilespmem:s15+$0xA0] =	vst v6  }
0x1a2: {  	v6 =	vand.u32 $0xFFFF0000, v9;
	v9 =	vld [tilespmem:s16+$0xB0]  }
0x1a3: {  	v6 =	vmul.f32 v6, v8;
	v5 =	vand.u32 $0xFFFF0000, v5;
	v8 =	vld [tilespmem:s15+$0xB0]  }
0x1a4: {  	v14 =	vld [tilespmem:s15+$0xFFFFFF40];
	v5 =	vmul.f32 v5, v12;
	v11 =	vand.u32 $0xFFFF0000, v11  }
0x1a5: {  	[tilespmem:s15+$0xFFFFFF20] =	vst v6;
	v6 =	vld [tilespmem:s15+$0xFFFFFFC0];
	v10 =	vmul.f32 v11, v10  }
0x1a6: {  	v11 =	vld [tilespmem:s16+$0xFFFFFF30];
	[tilespmem:s15+$0xFFFFFFA0] =	vst v5  }
0x1a7: {  	v5 =	vld [tilespmem:s16+$0xFFFFFFB0];
	[tilespmem:s15+$0x20] =	vst v10;
	v9 =	vand.u32 $0xFFFF0000, v9  }
0x1a8: {  	v10 =	vld [tilespmem:s16+$0x30];
	v8 =	vmul.f32 v9, v8  }
0x1a9: {  	v9 =	vld [tilespmem:s15+$0x40]  }
0x1aa: {  	v12 =	vld [tilespmem:s15+$0xFFFFFF50];
	[tilespmem:s15+$0xB0] =	vst v8  }
0x1ab: {  	v8 =	vand.u32 $0xFFFF0000, v11;
	v11 =	vld [tilespmem:s16+$0xC0]  }
0x1ac: {  	v4 =	vmul.f32 v8, v4;
	v5 =	vand.u32 $0xFFFF0000, v5;
	v8 =	vld [tilespmem:s15+$0xC0]  }
0x1ad: {  	v5 =	vmul.f32 v5, v7;
	v7 =	vld [tilespmem:s15+$0xFFFFFFD0];
	v10 =	vand.u32 $0xFFFF0000, v10  }
0x1ae: {  	[tilespmem:s15+$0xFFFFFF30] =	vst v4;
	v4 =	vmul.f32 v10, v13;
	v10 =	vld [tilespmem:s15+$0x50]  }
0x1af: {  	v13 =	vld [tilespmem:s16+$0xFFFFFF40];
	[tilespmem:s15+$0xFFFFFFB0] =	vst v5  }
0x1b0: {  	v15 =	vld [tilespmem:s16+$0xFFFFFFC0];
	[tilespmem:s15+$0x30] =	vst v4;
	v4 =	vand.u32 $0xFFFF0000, v11  }
0x1b1: {  	v11 =	vld [tilespmem:s16+$0x40];
	v8 =	vmul.f32 v4, v8  }
0x1b2: {  	v5 =	vld [tilespmem:s15+$0xFFFFFF60]  }
0x1b3: {  	v4 =	vld [tilespmem:s15+$0xFFFFFFE0];
	[tilespmem:s15+$0xC0] =	vst v8  }
0x1b4: {  	v8 =	vand.u32 $0xFFFF0000, v13;
	v13 =	vld [tilespmem:s16+$0xD0]  }
0x1b5: {  	v8 =	vmul.f32 v8, v14;
	v14 =	vand.u32 $0xFFFF0000, v15;
	v15 =	vld [tilespmem:s15+$0xD0]  }
0x1b6: {  	v14 =	vmul.f32 v14, v6;
	v11 =	vand.u32 $0xFFFF0000, v11;
	v6 =	vld [tilespmem:s15+$0x60]  }
0x1b7: {  	[tilespmem:s15+$0xFFFFFF40] =	vst v8;
	v8 =	vmul.f32 v11, v9;
	v9 =	vld [tilespmem:s13+$0xFFFFFF70]  }
0x1b8: {  	v11 =	vld [tilespmem:s16+$0xFFFFFF50];
	[tilespmem:s15+$0xFFFFFFC0] =	vst v14  }
0x1b9: {  	v14 =	vld [tilespmem:s16+$0xFFFFFFD0];
	[tilespmem:s15+$0x40] =	vst v8;
	v8 =	vand.u32 $0xFFFF0000, v13  }
0x1ba: {  	v13 =	vld [tilespmem:s16+$0x50];
	v8 =	vmul.f32 v8, v15  }
0x1bb: {  	v15 =	vld [tilespmem:s13+$0xFFFFFFF0]  }
0x1bc: {  	[tilespmem:s15+$0xD0] =	vst v8;
	v8 =	vand.u32 $0xFFFF0000, v9;
	v9 =	vld [tilespmem:s13+$0x70];
	s13 =	smov.u32 s16  }
0x1bd: {  	v11 =	vand.u32 $0xFFFF0000, v11;
	v16 =	vld [tilespmem:s16+$0xE0];
	v8 =	vmul.f32 v8, v1  }
0x1be: {  	v11 =	vmul.f32 v11, v12;
	v12 =	vand.u32 $0xFFFF0000, v14;
	v14 =	vld [tilespmem:s15+$0xE0]  }
0x1bf: {  	v1 =	vld [tilespmem:s15+$0xFFFFFF70];
	v7 =	vmul.f32 v12, v7;
	v12 =	vand.u32 $0xFFFF0000, v13;
	[tilespmem:s25+$0xFFFFFF70] =	vst v8  }
0x1c0: {  	[tilespmem:s15+$0xFFFFFF50] =	vst v11;
	v11 =	vld [tilespmem:s15+$0xFFFFFFF0];
	v10 =	vmul.f32 v12, v10;
	v8 =	vand.u32 $0xFFFF0000, v15  }
0x1c1: {  	v12 =	vld [tilespmem:s16+$0xFFFFFF60];
	[tilespmem:s15+$0xFFFFFFD0] =	vst v7;
	v3 =	vmul.f32 v8, v3;
	v7 =	vand.u32 $0xFFFF0000, v9  }
.Ltmp4:
0x1c2: {  	v8 =	vld [tilespmem:s16+$0xFFFFFFE0];
	[tilespmem:s15+$0x50] =	vst v10;
	v10 =	vand.u32 $0xFFFF0000, v16;
	v7 =	vmul.f32 v7, v2;
	(pc) =	sbr.rel @p3 .LBB2_7-.Ltmp4, $4  }
0x1c3: {  	v9 =	vld [tilespmem:s16+$0x60];
	v10 =	vmul.f32 v10, v14;
	[tilespmem:s25+$0xFFFFFFF0] =	vst v3  }
0x1c4: {  	v2 =	vld [tilespmem:s15+$0x70];
	[tilespmem:s25+$0x70] =	vst v7;
	s25 =	smov.u32 s15  }
0x1c5: {  	[tilespmem:s15+$0xE0] =	vst v10;
	v7 =	vld [tilespmem:s15+$0xF0];
	v3 =	vmov v11  }
0x1c6: {  	s16 =	sadd.s32 $0x200, s16;
	v11 =	vand.u32 $0xFFFF0000, v12;
	v10 =	vld [tilespmem:s13+$0xF0]  }
0x1c7: {  	v5 =	vmul.f32 v11, v5;
	v8 =	vand.u32 $0xFFFF0000, v8  }
0x1c8: {  	v4 =	vmul.f32 v8, v4;
	v56 =	vand.u32 $0xFFFF0000, v9  }
0x1c9: {  	[tilespmem:s25+$0xFFFFFF60] =	vst v5;
	v57 =	vmul.f32 v56, v6  }
0x1ca: {  	[tilespmem:s25+$0xFFFFFFE0] =	vst v4;
	v58 =	vld [tilespmem:s13+$0xFFFFFF70]  }
0x1cb: {  	[tilespmem:s25+$0x60] =	vst v57;
	v59 =	vld [tilespmem:s13+$0xFFFFFFF0]  }
0x1cc: {  	v60 =	vld [tilespmem:s13+$0x70];
	_ =	sdelay $0x1  }
0x1cd: {  	v61 =	vand.u32 $0xFFFF0000, v10  }
0x1ce: {  	v7 =	vmul.f32 v61, v7;
	v4 =	vand.u32 $0xFFFF0000, v58  }
0x1cf: {  	v1 =	vmul.f32 v4, v1;
	v62 =	vand.u32 $0xFFFF0000, v59  }
0x1d0: {  	[tilespmem:s25+$0xF0] =	vst v7;
	v3 =	vmul.f32 v62, v3;
	v63 =	vand.u32 $0xFFFF0000, v60  }
0x1d1: {  	[tilespmem:s25+$0xFFFFFF70] =	vst v1;
	v1 =	vmul.f32 v63, v2  }
0x1d2: {  	s5 =	sshll.u32 @!p2 s12, $0xB;
	s12 =	simm.s32 @!p2 $0x0;
	[tilespmem:s25+$0xFFFFFFF0] =	vst v3  }
0x1d3: {  	s10 =	sadd.s32 $0x1, s10;
	s5 =	sadd.s32 @!p2 s5, s28;
	s13 =	simm.s32 @!p2 $0x8200;
	[tilespmem:s25+$0x70] =	vst v1  }
0x1d4: {  	[tilespmem:s13], [sflag:$0x3] =	stream.linear.gather @!p2 [hbm4b:s5+s12], $0x4000, $0x38;
	[tilespmem:$0x1FA80] =	vst v63  }
0x1d5: {  	p2 =	sne.s32 s10, $0x27  }
.Ltmp5:
0x1d6: {  	_ = 	snop;
	(pc) =	sbr.rel @p2 .LBB2_4-.Ltmp5, $4  }
0x1d7: {  	[spmem:s14] =	stream.indirect.scatter.add.f32 [tilespmem:s4], [sflag:$0x4], $0x80, s31, s11, $0xb8;
	[tilespmem:$0x1FA80] =	vst v63  }
0x1d8: {  	_ =	swait.ge [sflag:s30], $0x4000  }
0x1d9: {  	[sflag:s30] =	ssyncset.done $0x0  }
0x1da: {  	[sflag:s30] =	ssyncadd.s32 $0xFFFFC000  }
.Ltmp6:
0x1db: {  	(pc) =	sbr.rel @p0 .LBB2_15-.Ltmp6, $2  }
0x1dc: {  	_ =	sdelay $0x2  }
0x1dd: {  	s26 =	smov.u32 s18;
	s16 =	smov.u32 s20  }
0x1de: {  	s5 =	rddreg [dreg:$0x6];
	s10 =	simm.s32 $0x8200  }
0x1df: {  	[tilespmem:s10], [sflag:$0x3] =	stream.linear.gather [hbm4b:s5+s3], $0x4000, $0x38;
	[tilespmem:$0x1FA80] =	vst v63  }
0x1e0: {  	s20 =	rddreg [dreg:$0x13]  }
0x1e1: {  	[tilespmem:s3], [sflag:$0x4] =	stream.linear.gather [hbm4b:s20+s3], $0x80, $0x38;
	[tilespmem:$0x1FA80] =	vst v63  }
0x1e2: {  	_ =	swait.ge [sflag:s30], $0x80  }
0x1e3: {  	[sflag:s30] =	ssyncset.done $0x0  }
0x1e4: {  	s25 =	rddreg [dreg:$0x12];
	[sflag:s30] =	ssyncadd.s32 $0xFFFFFF80  }
0x1e5: {  	[tilespmem:s11], [sflag:$0x4] =	stream.linear.gather [hbm4b:s25+s3], $0x80, $0x38;
	[tilespmem:$0x1FA80] =	vst v63  }
0x1e6: {  	_ =	swait.ge [sflag:s30], $0x80  }
0x1e7: {  	[sflag:s30] =	ssyncset.done $0x0  }
0x1e8: {  	[sflag:s30] =	ssyncadd.s32 $0xFFFFFF80  }
0x1e9: {  	[tilespmem:s29], [sflag:$0x1] =	stream.indirect.gather [hbm4b:s0+s11], $0x80, s3, s11, $0xb8;
	[tilespmem:$0x1FA80] =	vst v63  }
0x1ea: {  	_ =	swait.ge [sflag:s6], $0x4000  }
0x1eb: {  	[sflag:s6] =	ssyncset.done $0x0  }
0x1ec: {  	[sflag:s6] =	ssyncadd.s32 $0xFFFFC000  }
0x1ed: {  	_ =	swait.ge [sflag:s7], $0x4000  }
0x1ee: {  	[sflag:s7] =	ssyncset.done $0x0  }
0x1ef: {  	s10 =	simm.s32 $0x8300;
	[sflag:s7] =	ssyncadd.s32 $0xFFFFC000  }
0x1f0: {  	s12 =	simm.s32 $0x200;
	v1 =	vld [tilespmem:s10+$0x80]  }
0x1f1: {  	v2 =	vld [tilespmem:s12+$0x80]  }
0x1f2: {  	v3 =	vld [tilespmem:s10+$0xFFFFFF80]  }
0x1f3: {  	v4 =	vld [tilespmem:s10+$0xFFFFFF00]  }
0x1f4: {  	v5 =	vld [tilespmem:s12+$0xFFFFFF00]  }
0x1f5: {  	v6 =	vld [tilespmem:s10+$0x0];
	v1 =	vshll.u32 v1, $0x10  }
0x1f6: {  	v1 =	vmul.f32 v1, v2;
	v2 =	vld [tilespmem:s12+$0xFFFFFF80]  }
0x1f7: {  	v7 =	vld [tilespmem:s12+$0x0]  }
0x1f8: {  	[tilespmem:s12+$0x80] =	vst v1  }
0x1f9: {  	v1 =	vshll.u32 v4, $0x10;
	v4 =	vld [tilespmem:s10+$0x90]  }
0x1fa: {  	v3 =	vshll.u32 v3, $0x10;
	v1 =	vmul.f32 v1, v5;
	v5 =	vld [tilespmem:s12+$0x90]  }
0x1fb: {  	v8 =	vld [tilespmem:s12+$0xFFFFFF10];
	v6 =	vshll.u32 v6, $0x10;
	v2 =	vmul.f32 v3, v2  }
0x1fc: {  	v3 =	vld [tilespmem:s12+$0xFFFFFF90];
	[tilespmem:s12+$0xFFFFFF00] =	vst v1;
	v1 =	vmul.f32 v6, v7  }
0x1fd: {  	v6 =	vld [tilespmem:s10+$0xFFFFFF10];
	[tilespmem:s12+$0xFFFFFF80] =	vst v2  }
0x1fe: {  	[tilespmem:s12+$0x0] =	vst v1;
	v2 =	vshll.u32 v4, $0x10;
	v4 =	vld [tilespmem:s10+$0xFFFFFF90]  }
0x1ff: {  	v1 =	vmul.f32 v2, v5;
	v2 =	vld [tilespmem:s10+$0x10]  }
0x200: {  	v7 =	vld [tilespmem:s12+$0x10]  }
0x201: {  	[tilespmem:s12+$0x90] =	vst v1  }
0x202: {  	v1 =	vshll.u32 v6, $0x10;
	v6 =	vld [tilespmem:s10+$0xA0]  }
0x203: {  	v1 =	vmul.f32 v1, v8;
	v8 =	vld [tilespmem:s12+$0xA0];
	v4 =	vshll.u32 v4, $0x10  }
0x204: {  	v9 =	vld [tilespmem:s12+$0xFFFFFFA0];
	v3 =	vmul.f32 v4, v3;
	v2 =	vshll.u32 v2, $0x10  }
0x205: {  	v5 =	vld [tilespmem:s12+$0xFFFFFF20];
	[tilespmem:s12+$0xFFFFFF10] =	vst v1;
	v2 =	vmul.f32 v2, v7  }
0x206: {  	v7 =	vld [tilespmem:s10+$0xFFFFFF20];
	[tilespmem:s12+$0xFFFFFF90] =	vst v3  }
0x207: {  	v3 =	vshll.u32 v6, $0x10;
	v6 =	vld [tilespmem:s10+$0xFFFFFFA0];
	[tilespmem:s12+$0x10] =	vst v2  }
0x208: {  	v2 =	vmul.f32 v3, v8;
	v3 =	vld [tilespmem:s10+$0x20]  }
0x209: {  	v4 =	vld [tilespmem:s12+$0x20]  }
0x20a: {  	[tilespmem:s12+$0xA0] =	vst v2  }
0x20b: {  	v7 =	vshll.u32 v7, $0x10;
	v2 =	vld [tilespmem:s10+$0xB0]  }
0x20c: {  	v10 =	vld [tilespmem:s12+$0xB0];
	v5 =	vmul.f32 v7, v5;
	v6 =	vshll.u32 v6, $0x10  }
0x20d: {  	v1 =	vld [tilespmem:s12+$0xFFFFFF30];
	v6 =	vmul.f32 v6, v9;
	v3 =	vshll.u32 v3, $0x10  }
0x20e: {  	v8 =	vld [tilespmem:s12+$0xFFFFFFB0];
	[tilespmem:s12+$0xFFFFFF20] =	vst v5;
	v3 =	vmul.f32 v3, v4  }
0x20f: {  	v4 =	vld [tilespmem:s10+$0xFFFFFF30];
	[tilespmem:s12+$0xFFFFFFA0] =	vst v6  }
0x210: {  	v2 =	vshll.u32 v2, $0x10;
	v5 =	vld [tilespmem:s10+$0xFFFFFFB0];
	[tilespmem:s12+$0x20] =	vst v3  }
0x211: {  	v2 =	vmul.f32 v2, v10;
	v3 =	vld [tilespmem:s10+$0x30]  }
0x212: {  	v11 =	vld [tilespmem:s12+$0x30]  }
0x213: {  	v12 =	vld [tilespmem:s12+$0xFFFFFF50];
	[tilespmem:s12+$0xB0] =	vst v2  }
0x214: {  	v4 =	vshll.u32 v4, $0x10;
	v2 =	vld [tilespmem:s10+$0xC0]  }
0x215: {  	v6 =	vld [tilespmem:s12+$0xC0];
	v1 =	vmul.f32 v4, v1;
	v4 =	vshll.u32 v5, $0x10  }
0x216: {  	v7 =	vld [tilespmem:s12+$0xFFFFFF40];
	v4 =	vmul.f32 v4, v8;
	v3 =	vshll.u32 v3, $0x10  }
0x217: {  	v9 =	vld [tilespmem:s12+$0xFFFFFFC0];
	[tilespmem:s12+$0xFFFFFF30] =	vst v1;
	v1 =	vmul.f32 v3, v11  }
0x218: {  	v3 =	vld [tilespmem:s10+$0xFFFFFF40];
	[tilespmem:s12+$0xFFFFFFB0] =	vst v4  }
0x219: {  	v2 =	vshll.u32 v2, $0x10;
	v4 =	vld [tilespmem:s10+$0xFFFFFFC0];
	[tilespmem:s12+$0x30] =	vst v1  }
0x21a: {  	v1 =	vmul.f32 v2, v6;
	v2 =	vld [tilespmem:s10+$0x40]  }
0x21b: {  	v10 =	vld [tilespmem:s12+$0x40]  }
0x21c: {  	v13 =	vld [tilespmem:s12+$0xD0];
	[tilespmem:s12+$0xC0] =	vst v1  }
0x21d: {  	v3 =	vshll.u32 v3, $0x10;
	v1 =	vld [tilespmem:s10+$0xD0]  }
0x21e: {  	v5 =	vld [tilespmem:s12+$0xFFFFFF60];
	v3 =	vmul.f32 v3, v7;
	v6 =	vshll.u32 v4, $0x10  }
0x21f: {  	v8 =	vld [tilespmem:s12+$0xFFFFFFD0];
	v7 =	vmul.f32 v6, v9;
	v2 =	vshll.u32 v2, $0x10  }
0x220: {  	v11 =	vld [tilespmem:s12+$0x50];
	[tilespmem:s12+$0xFFFFFF40] =	vst v3;
	v2 =	vmul.f32 v2, v10  }
0x221: {  	v3 =	vld [tilespmem:s10+$0xFFFFFF50];
	[tilespmem:s12+$0xFFFFFFC0] =	vst v7  }
0x222: {  	v1 =	vshll.u32 v1, $0x10;
	v7 =	vld [tilespmem:s10+$0xFFFFFFD0];
	[tilespmem:s12+$0x40] =	vst v2  }
0x223: {  	v1 =	vmul.f32 v1, v13;
	v2 =	vld [tilespmem:s10+$0x50]  }
0x224: {  	v4 =	vld [tilespmem:s12+$0xFFFFFFE0]  }
0x225: {  	v6 =	vld [tilespmem:s12+$0x60];
	[tilespmem:s12+$0xD0] =	vst v1  }
0x226: {  	v1 =	vshll.u32 v3, $0x10;
	v9 =	vld [tilespmem:s10+$0xE0]  }
0x227: {  	v10 =	vld [tilespmem:s12+$0xE0];
	v3 =	vmul.f32 v1, v12;
	v7 =	vshll.u32 v7, $0x10  }
0x228: {  	v1 =	vld [tilespmem:s12+$0xFFFFFF70];
	v7 =	vmul.f32 v7, v8;
	v2 =	vshll.u32 v2, $0x10  }
0x229: {  	[tilespmem:s12+$0xFFFFFF50] =	vst v3;
	v3 =	vld [tilespmem:s12+$0xFFFFFFF0];
	v2 =	vmul.f32 v2, v11  }
0x22a: {  	v11 =	vld [tilespmem:s10+$0xFFFFFF60];
	[tilespmem:s12+$0xFFFFFFD0] =	vst v7  }
0x22b: {  	v7 =	vshll.u32 v9, $0x10;
	v8 =	vld [tilespmem:s10+$0xFFFFFFE0];
	[tilespmem:s12+$0x50] =	vst v2  }
0x22c: {  	v7 =	vmul.f32 v7, v10;
	v9 =	vld [tilespmem:s10+$0x60]  }
0x22d: {  	v2 =	vld [tilespmem:s12+$0x70]  }
0x22e: {  	[tilespmem:s12+$0xE0] =	vst v7;
	v7 =	vld [tilespmem:s12+$0xF0]  }
0x22f: {  	s15 =	simm.s32 $0x8500;
	s13 =	simm.s32 $0x200;
	s5 =	simm.s32 $0x0;
	v11 =	vshll.u32 v11, $0x10;
	v10 =	vld [tilespmem:s10+$0xF0]  }
.LBB2_11:
0x230: {  	v12 =	vld [tilespmem:s15+$0x80];
	s5 =	sadd.s32 $0x4, s5;
	v5 =	vmul.f32 v11, v5;
	v8 =	vshll.u32 v8, $0x10;
	s12 =	sadd.s32 $0x200, s12  }
0x231: {  	v11 =	vld [tilespmem:s12+$0x80];
	p2 =	slt.u32 s5, $0x7C;
	v4 =	vmul.f32 v8, v4;
	v8 =	vshll.u32 v9, $0x10  }
0x232: {  	v9 =	vld [tilespmem:s15+$0xFFFFFF80];
	[tilespmem:s13+$0xFFFFFF60] =	vst v5;
	v5 =	vmul.f32 v8, v6  }
0x233: {  	v6 =	vld [tilespmem:s15+$0x0];
	[tilespmem:s13+$0xFFFFFFE0] =	vst v4  }
0x234: {  	v4 =	vld [tilespmem:s15+$0xFFFFFF00];
	[tilespmem:s13+$0x60] =	vst v5;
	v5 =	vshll.u32 v10, $0x10  }
0x235: {  	v8 =	vld [tilespmem:s12+$0xFFFFFF00];
	v10 =	vshll.u32 v12, $0x10;
	v5 =	vmul.f32 v5, v7  }
0x236: {  	v7 =	vld [tilespmem:s12+$0xFFFFFF80];
	v10 =	vmul.f32 v10, v11  }
0x237: {  	v9 =	vshll.u32 v9, $0x10;
	v11 =	vld [tilespmem:s12+$0x0];
	[tilespmem:s13+$0xF0] =	vst v5  }
0x238: {  	v5 =	vld [tilespmem:s12+$0xFFFFFF10];
	v6 =	vshll.u32 v6, $0x10;
	[tilespmem:s12+$0x80] =	vst v10  }
0x239: {  	v4 =	vshll.u32 v4, $0x10;
	v10 =	vld [tilespmem:s15+$0x90]  }
0x23a: {  	v4 =	vmul.f32 v4, v8;
	v8 =	vld [tilespmem:s12+$0x90]  }
0x23b: {  	v7 =	vmul.f32 v9, v7;
	v9 =	vld [tilespmem:s12+$0xFFFFFF90]  }
0x23c: {  	[tilespmem:s12+$0xFFFFFF00] =	vst v4;
	v4 =	vmul.f32 v6, v11;
	v6 =	vld [tilespmem:s12+$0x10]  }
0x23d: {  	v11 =	vld [tilespmem:s15+$0xFFFFFF10];
	[tilespmem:s12+$0xFFFFFF80] =	vst v7  }
0x23e: {  	v7 =	vld [tilespmem:s15+$0xFFFFFF90];
	[tilespmem:s12+$0x0] =	vst v4;
	v4 =	vshll.u32 v10, $0x10  }
0x23f: {  	v10 =	vld [tilespmem:s15+$0x10];
	v4 =	vmul.f32 v4, v8  }
0x240: {  	v8 =	vld [tilespmem:s12+$0xFFFFFF20]  }
0x241: {  	v12 =	vld [tilespmem:s12+$0xFFFFFFA0];
	[tilespmem:s12+$0x90] =	vst v4  }
0x242: {  	v4 =	vshll.u32 v11, $0x10;
	v11 =	vld [tilespmem:s15+$0xA0]  }
0x243: {  	v4 =	vmul.f32 v4, v5;
	v5 =	vshll.u32 v7, $0x10;
	v7 =	vld [tilespmem:s12+$0xA0]  }
0x244: {  	v5 =	vmul.f32 v5, v9;
	v9 =	vshll.u32 v10, $0x10;
	v10 =	vld [tilespmem:s12+$0x20]  }
0x245: {  	[tilespmem:s12+$0xFFFFFF10] =	vst v4;
	v4 =	vld [tilespmem:s12+$0xFFFFFF30];
	v6 =	vmul.f32 v9, v6  }
0x246: {  	v9 =	vld [tilespmem:s15+$0xFFFFFF20];
	[tilespmem:s12+$0xFFFFFF90] =	vst v5  }
0x247: {  	v5 =	vld [tilespmem:s15+$0xFFFFFFA0];
	[tilespmem:s12+$0x10] =	vst v6;
	v6 =	vshll.u32 v11, $0x10  }
0x248: {  	v11 =	vld [tilespmem:s15+$0x20];
	v6 =	vmul.f32 v6, v7  }
0x249: {  	v7 =	vld [tilespmem:s12+$0xFFFFFFB0]  }
0x24a: {  	v13 =	vld [tilespmem:s12+$0x30];
	[tilespmem:s12+$0xA0] =	vst v6  }
0x24b: {  	v6 =	vshll.u32 v9, $0x10;
	v9 =	vld [tilespmem:s15+$0xB0]  }
0x24c: {  	v6 =	vmul.f32 v6, v8;
	v5 =	vshll.u32 v5, $0x10;
	v8 =	vld [tilespmem:s12+$0xB0]  }
0x24d: {  	v14 =	vld [tilespmem:s12+$0xFFFFFF40];
	v5 =	vmul.f32 v5, v12;
	v11 =	vshll.u32 v11, $0x10  }
0x24e: {  	[tilespmem:s12+$0xFFFFFF20] =	vst v6;
	v6 =	vld [tilespmem:s12+$0xFFFFFFC0];
	v10 =	vmul.f32 v11, v10  }
0x24f: {  	v11 =	vld [tilespmem:s15+$0xFFFFFF30];
	[tilespmem:s12+$0xFFFFFFA0] =	vst v5  }
0x250: {  	v5 =	vld [tilespmem:s15+$0xFFFFFFB0];
	[tilespmem:s12+$0x20] =	vst v10;
	v9 =	vshll.u32 v9, $0x10  }
0x251: {  	v10 =	vld [tilespmem:s15+$0x30];
	v8 =	vmul.f32 v9, v8  }
0x252: {  	v9 =	vld [tilespmem:s12+$0x40]  }
0x253: {  	v12 =	vld [tilespmem:s12+$0xFFFFFF50];
	[tilespmem:s12+$0xB0] =	vst v8  }
0x254: {  	v8 =	vshll.u32 v11, $0x10;
	v11 =	vld [tilespmem:s15+$0xC0]  }
0x255: {  	v4 =	vmul.f32 v8, v4;
	v5 =	vshll.u32 v5, $0x10;
	v8 =	vld [tilespmem:s12+$0xC0]  }
0x256: {  	v5 =	vmul.f32 v5, v7;
	v7 =	vld [tilespmem:s12+$0xFFFFFFD0];
	v10 =	vshll.u32 v10, $0x10  }
0x257: {  	[tilespmem:s12+$0xFFFFFF30] =	vst v4;
	v4 =	vmul.f32 v10, v13;
	v10 =	vld [tilespmem:s12+$0x50]  }
0x258: {  	v13 =	vld [tilespmem:s15+$0xFFFFFF40];
	[tilespmem:s12+$0xFFFFFFB0] =	vst v5  }
0x259: {  	v15 =	vld [tilespmem:s15+$0xFFFFFFC0];
	[tilespmem:s12+$0x30] =	vst v4;
	v4 =	vshll.u32 v11, $0x10  }
0x25a: {  	v11 =	vld [tilespmem:s15+$0x40];
	v8 =	vmul.f32 v4, v8  }
0x25b: {  	v5 =	vld [tilespmem:s12+$0xFFFFFF60]  }
0x25c: {  	v4 =	vld [tilespmem:s12+$0xFFFFFFE0];
	[tilespmem:s12+$0xC0] =	vst v8  }
0x25d: {  	v8 =	vshll.u32 v13, $0x10;
	v13 =	vld [tilespmem:s15+$0xD0]  }
0x25e: {  	v8 =	vmul.f32 v8, v14;
	v14 =	vshll.u32 v15, $0x10;
	v15 =	vld [tilespmem:s12+$0xD0]  }
0x25f: {  	v14 =	vmul.f32 v14, v6;
	v11 =	vshll.u32 v11, $0x10;
	v6 =	vld [tilespmem:s12+$0x60]  }
0x260: {  	[tilespmem:s12+$0xFFFFFF40] =	vst v8;
	v8 =	vmul.f32 v11, v9;
	v9 =	vld [tilespmem:s10+$0xFFFFFF70]  }
0x261: {  	v11 =	vld [tilespmem:s15+$0xFFFFFF50];
	[tilespmem:s12+$0xFFFFFFC0] =	vst v14  }
0x262: {  	v14 =	vld [tilespmem:s15+$0xFFFFFFD0];
	[tilespmem:s12+$0x40] =	vst v8;
	v8 =	vshll.u32 v13, $0x10  }
0x263: {  	v13 =	vld [tilespmem:s15+$0x50];
	v8 =	vmul.f32 v8, v15  }
0x264: {  	v15 =	vld [tilespmem:s10+$0xFFFFFFF0]  }
0x265: {  	[tilespmem:s12+$0xD0] =	vst v8;
	v8 =	vshll.u32 v9, $0x10;
	v9 =	vld [tilespmem:s10+$0x70];
	s10 =	smov.u32 s15  }
0x266: {  	v11 =	vshll.u32 v11, $0x10;
	v16 =	vld [tilespmem:s15+$0xE0];
	v8 =	vmul.f32 v8, v1  }
0x267: {  	v11 =	vmul.f32 v11, v12;
	v12 =	vshll.u32 v14, $0x10;
	v14 =	vld [tilespmem:s12+$0xE0]  }
0x268: {  	v1 =	vld [tilespmem:s12+$0xFFFFFF70];
	v7 =	vmul.f32 v12, v7;
	v12 =	vshll.u32 v13, $0x10;
	[tilespmem:s13+$0xFFFFFF70] =	vst v8  }
0x269: {  	[tilespmem:s12+$0xFFFFFF50] =	vst v11;
	v11 =	vld [tilespmem:s12+$0xFFFFFFF0];
	v10 =	vmul.f32 v12, v10;
	v8 =	vshll.u32 v15, $0x10  }
0x26a: {  	v12 =	vld [tilespmem:s15+$0xFFFFFF60];
	[tilespmem:s12+$0xFFFFFFD0] =	vst v7;
	v3 =	vmul.f32 v8, v3;
	v7 =	vshll.u32 v9, $0x10  }
.Ltmp7:
0x26b: {  	v8 =	vld [tilespmem:s15+$0xFFFFFFE0];
	[tilespmem:s12+$0x50] =	vst v10;
	v10 =	vshll.u32 v16, $0x10;
	v7 =	vmul.f32 v7, v2;
	(pc) =	sbr.rel @p2 .LBB2_11-.Ltmp7, $4  }
0x26c: {  	v9 =	vld [tilespmem:s15+$0x60];
	v10 =	vmul.f32 v10, v14;
	[tilespmem:s13+$0xFFFFFFF0] =	vst v3  }
0x26d: {  	v2 =	vld [tilespmem:s12+$0x70];
	[tilespmem:s13+$0x70] =	vst v7;
	s13 =	smov.u32 s12  }
0x26e: {  	[tilespmem:s12+$0xE0] =	vst v10;
	v7 =	vld [tilespmem:s12+$0xF0];
	v3 =	vmov v11  }
0x26f: {  	s15 =	sadd.s32 $0x200, s15;
	v11 =	vshll.u32 v12, $0x10;
	v10 =	vld [tilespmem:s10+$0xF0]  }
0x270: {  	v5 =	vmul.f32 v11, v5;
	v8 =	vshll.u32 v8, $0x10  }
0x271: {  	v4 =	vmul.f32 v8, v4;
	v8 =	vshll.u32 v9, $0x10  }
0x272: {  	[tilespmem:s13+$0xFFFFFF60] =	vst v5;
	v5 =	vmul.f32 v8, v6  }
0x273: {  	[tilespmem:s13+$0xFFFFFFE0] =	vst v4;
	v4 =	vld [tilespmem:s10+$0xFFFFFF70]  }
0x274: {  	[tilespmem:s13+$0x60] =	vst v5;
	v5 =	vld [tilespmem:s10+$0xFFFFFFF0]  }
0x275: {  	v6 =	vld [tilespmem:s10+$0x70];
	_ =	sdelay $0x1  }
0x276: {  	v8 =	vshll.u32 v10, $0x10  }
0x277: {  	v7 =	vmul.f32 v8, v7;
	v4 =	vshll.u32 v4, $0x10  }
0x278: {  	v1 =	vmul.f32 v4, v1;
	v4 =	vshll.u32 v5, $0x10  }
0x279: {  	[tilespmem:s13+$0xF0] =	vst v7;
	v3 =	vmul.f32 v4, v3;
	v4 =	vshll.u32 v6, $0x10  }
0x27a: {  	[tilespmem:s13+$0xFFFFFF70] =	vst v1;
	v1 =	vmul.f32 v4, v2  }
0x27b: {  	[tilespmem:s13+$0xFFFFFFF0] =	vst v3  }
0x27c: {  	[tilespmem:s13+$0x70] =	vst v1  }
0x27d: {  	[spmem:s14] =	stream.indirect.scatter.add.f32 [tilespmem:s29], [sflag:$0x4], $0x80, s11, s11, $0xb8;
	[tilespmem:$0x1FA80] =	vst v63  }
0x27e: {  	_ =	swait.ge [sflag:s30], $0x4000  }
0x27f: {  	[sflag:s30] =	ssyncset.done $0x0  }
0x280: {  	s5 =	rddreg [dreg:$0x14];
	[sflag:s30] =	ssyncadd.s32 $0xFFFFC000  }
0x281: {  	[tilespmem:s1], [sflag:$0x4] =	stream.linear.gather [hbm4b:s5+s3], $0x80, $0x38;
	[tilespmem:$0x1FA80] =	vst v63  }
0x282: {  	_ =	swait.ge [sflag:s30], $0x80  }
0x283: {  	[sflag:s30] =	ssyncset.done $0x0  }
0x284: {  	s25 =	rddreg [dreg:$0x15];
	[sflag:s30] =	ssyncadd.s32 $0xFFFFFF80  }
0x285: {  	[tilespmem:s31], [sflag:$0x4] =	stream.linear.gather [hbm4b:s25+s3], $0x80, $0x38;
	[tilespmem:$0x1FA80] =	vst v63  }
0x286: {  	_ =	swait.ge [sflag:s30], $0x80  }
0x287: {  	[sflag:s30] =	ssyncset.done $0x0  }
0x288: {  	[sflag:s30] =	ssyncadd.s32 $0xFFFFFF80  }
0x289: {  	[tilespmem:s4], [sflag:$0x2] =	stream.indirect.gather [hbm4b:s0+s11], $0x80, s1, s11, $0xb8;
	[tilespmem:$0x1FA80] =	vst v63  }
0x28a: {  	_ =	swait.ge [sflag:s8], $0x4000  }
0x28b: {  	[sflag:s8] =	ssyncset.done $0x0  }
0x28c: {  	s10 =	simm.s32 $0x8300;
	[sflag:s8] =	ssyncadd.s32 $0xFFFFC000  }
0x28d: {  	s12 =	simm.s32 $0x4300;
	v1 =	vld [tilespmem:s10+$0x80]  }
0x28e: {  	v2 =	vld [tilespmem:s12+$0x80]  }
0x28f: {  	v3 =	vld [tilespmem:s10+$0xFFFFFF80]  }
0x290: {  	v4 =	vld [tilespmem:s10+$0xFFFFFF00]  }
0x291: {  	v5 =	vld [tilespmem:s12+$0xFFFFFF00]  }
0x292: {  	v6 =	vld [tilespmem:s10+$0x0];
	v1 =	vand.u32 $0xFFFF0000, v1  }
0x293: {  	v1 =	vmul.f32 v1, v2;
	v2 =	vld [tilespmem:s12+$0xFFFFFF80]  }
0x294: {  	v7 =	vld [tilespmem:s12+$0x0]  }
0x295: {  	[tilespmem:s12+$0x80] =	vst v1  }
0x296: {  	v1 =	vand.u32 $0xFFFF0000, v4;
	v4 =	vld [tilespmem:s10+$0x90]  }
0x297: {  	v3 =	vand.u32 $0xFFFF0000, v3;
	v1 =	vmul.f32 v1, v5;
	v5 =	vld [tilespmem:s12+$0x90]  }
0x298: {  	v8 =	vld [tilespmem:s12+$0xFFFFFF10];
	v6 =	vand.u32 $0xFFFF0000, v6;
	v2 =	vmul.f32 v3, v2  }
0x299: {  	v3 =	vld [tilespmem:s12+$0xFFFFFF90];
	[tilespmem:s12+$0xFFFFFF00] =	vst v1;
	v1 =	vmul.f32 v6, v7  }
0x29a: {  	v6 =	vld [tilespmem:s10+$0xFFFFFF10];
	[tilespmem:s12+$0xFFFFFF80] =	vst v2  }
0x29b: {  	[tilespmem:s12+$0x0] =	vst v1;
	v2 =	vand.u32 $0xFFFF0000, v4;
	v4 =	vld [tilespmem:s10+$0xFFFFFF90]  }
0x29c: {  	v1 =	vmul.f32 v2, v5;
	v2 =	vld [tilespmem:s10+$0x10]  }
0x29d: {  	v7 =	vld [tilespmem:s12+$0x10]  }
0x29e: {  	[tilespmem:s12+$0x90] =	vst v1  }
0x29f: {  	v1 =	vand.u32 $0xFFFF0000, v6;
	v6 =	vld [tilespmem:s10+$0xA0]  }
0x2a0: {  	v1 =	vmul.f32 v1, v8;
	v8 =	vld [tilespmem:s12+$0xA0];
	v4 =	vand.u32 $0xFFFF0000, v4  }
0x2a1: {  	v9 =	vld [tilespmem:s12+$0xFFFFFFA0];
	v3 =	vmul.f32 v4, v3;
	v2 =	vand.u32 $0xFFFF0000, v2  }
0x2a2: {  	v5 =	vld [tilespmem:s12+$0xFFFFFF20];
	[tilespmem:s12+$0xFFFFFF10] =	vst v1;
	v2 =	vmul.f32 v2, v7  }
0x2a3: {  	v7 =	vld [tilespmem:s10+$0xFFFFFF20];
	[tilespmem:s12+$0xFFFFFF90] =	vst v3  }
0x2a4: {  	v3 =	vand.u32 $0xFFFF0000, v6;
	v6 =	vld [tilespmem:s10+$0xFFFFFFA0];
	[tilespmem:s12+$0x10] =	vst v2  }
0x2a5: {  	v2 =	vmul.f32 v3, v8;
	v3 =	vld [tilespmem:s10+$0x20]  }
0x2a6: {  	v4 =	vld [tilespmem:s12+$0x20]  }
0x2a7: {  	[tilespmem:s12+$0xA0] =	vst v2  }
0x2a8: {  	v7 =	vand.u32 $0xFFFF0000, v7;
	v2 =	vld [tilespmem:s10+$0xB0]  }
0x2a9: {  	v10 =	vld [tilespmem:s12+$0xB0];
	v5 =	vmul.f32 v7, v5;
	v6 =	vand.u32 $0xFFFF0000, v6  }
0x2aa: {  	v1 =	vld [tilespmem:s12+$0xFFFFFF30];
	v6 =	vmul.f32 v6, v9;
	v3 =	vand.u32 $0xFFFF0000, v3  }
0x2ab: {  	v8 =	vld [tilespmem:s12+$0xFFFFFFB0];
	[tilespmem:s12+$0xFFFFFF20] =	vst v5;
	v3 =	vmul.f32 v3, v4  }
0x2ac: {  	v4 =	vld [tilespmem:s10+$0xFFFFFF30];
	[tilespmem:s12+$0xFFFFFFA0] =	vst v6  }
0x2ad: {  	v2 =	vand.u32 $0xFFFF0000, v2;
	v5 =	vld [tilespmem:s10+$0xFFFFFFB0];
	[tilespmem:s12+$0x20] =	vst v3  }
0x2ae: {  	v2 =	vmul.f32 v2, v10;
	v3 =	vld [tilespmem:s10+$0x30]  }
0x2af: {  	v11 =	vld [tilespmem:s12+$0x30]  }
0x2b0: {  	v12 =	vld [tilespmem:s12+$0xFFFFFF50];
	[tilespmem:s12+$0xB0] =	vst v2  }
0x2b1: {  	v4 =	vand.u32 $0xFFFF0000, v4;
	v2 =	vld [tilespmem:s10+$0xC0]  }
0x2b2: {  	v6 =	vld [tilespmem:s12+$0xC0];
	v1 =	vmul.f32 v4, v1;
	v4 =	vand.u32 $0xFFFF0000, v5  }
0x2b3: {  	v7 =	vld [tilespmem:s12+$0xFFFFFF40];
	v4 =	vmul.f32 v4, v8;
	v3 =	vand.u32 $0xFFFF0000, v3  }
0x2b4: {  	v9 =	vld [tilespmem:s12+$0xFFFFFFC0];
	[tilespmem:s12+$0xFFFFFF30] =	vst v1;
	v1 =	vmul.f32 v3, v11  }
0x2b5: {  	v3 =	vld [tilespmem:s10+$0xFFFFFF40];
	[tilespmem:s12+$0xFFFFFFB0] =	vst v4  }
0x2b6: {  	v2 =	vand.u32 $0xFFFF0000, v2;
	v4 =	vld [tilespmem:s10+$0xFFFFFFC0];
	[tilespmem:s12+$0x30] =	vst v1  }
0x2b7: {  	v1 =	vmul.f32 v2, v6;
	v2 =	vld [tilespmem:s10+$0x40]  }
0x2b8: {  	v10 =	vld [tilespmem:s12+$0x40]  }
0x2b9: {  	v13 =	vld [tilespmem:s12+$0xD0];
	[tilespmem:s12+$0xC0] =	vst v1  }
0x2ba: {  	v3 =	vand.u32 $0xFFFF0000, v3;
	v1 =	vld [tilespmem:s10+$0xD0]  }
0x2bb: {  	v5 =	vld [tilespmem:s12+$0xFFFFFF60];
	v3 =	vmul.f32 v3, v7;
	v6 =	vand.u32 $0xFFFF0000, v4  }
0x2bc: {  	v8 =	vld [tilespmem:s12+$0xFFFFFFD0];
	v7 =	vmul.f32 v6, v9;
	v2 =	vand.u32 $0xFFFF0000, v2  }
0x2bd: {  	v11 =	vld [tilespmem:s12+$0x50];
	[tilespmem:s12+$0xFFFFFF40] =	vst v3;
	v2 =	vmul.f32 v2, v10  }
0x2be: {  	v3 =	vld [tilespmem:s10+$0xFFFFFF50];
	[tilespmem:s12+$0xFFFFFFC0] =	vst v7  }
0x2bf: {  	v1 =	vand.u32 $0xFFFF0000, v1;
	v7 =	vld [tilespmem:s10+$0xFFFFFFD0];
	[tilespmem:s12+$0x40] =	vst v2  }
0x2c0: {  	v1 =	vmul.f32 v1, v13;
	v2 =	vld [tilespmem:s10+$0x50]  }
0x2c1: {  	v4 =	vld [tilespmem:s12+$0xFFFFFFE0]  }
0x2c2: {  	v6 =	vld [tilespmem:s12+$0x60];
	[tilespmem:s12+$0xD0] =	vst v1  }
0x2c3: {  	v1 =	vand.u32 $0xFFFF0000, v3;
	v9 =	vld [tilespmem:s10+$0xE0]  }
0x2c4: {  	v10 =	vld [tilespmem:s12+$0xE0];
	v3 =	vmul.f32 v1, v12;
	v7 =	vand.u32 $0xFFFF0000, v7  }
0x2c5: {  	v1 =	vld [tilespmem:s12+$0xFFFFFF70];
	v7 =	vmul.f32 v7, v8;
	v2 =	vand.u32 $0xFFFF0000, v2  }
0x2c6: {  	[tilespmem:s12+$0xFFFFFF50] =	vst v3;
	v3 =	vld [tilespmem:s12+$0xFFFFFFF0];
	v2 =	vmul.f32 v2, v11  }
0x2c7: {  	v11 =	vld [tilespmem:s10+$0xFFFFFF60];
	[tilespmem:s12+$0xFFFFFFD0] =	vst v7  }
0x2c8: {  	v7 =	vand.u32 $0xFFFF0000, v9;
	v8 =	vld [tilespmem:s10+$0xFFFFFFE0];
	[tilespmem:s12+$0x50] =	vst v2  }
0x2c9: {  	v7 =	vmul.f32 v7, v10;
	v9 =	vld [tilespmem:s10+$0x60]  }
0x2ca: {  	v2 =	vld [tilespmem:s12+$0x70]  }
0x2cb: {  	[tilespmem:s12+$0xE0] =	vst v7;
	v7 =	vld [tilespmem:s12+$0xF0]  }
0x2cc: {  	s15 =	simm.s32 $0x8500;
	s13 =	simm.s32 $0x4300;
	s5 =	simm.s32 $0x0;
	v11 =	vand.u32 $0xFFFF0000, v11;
	v10 =	vld [tilespmem:s10+$0xF0]  }
.LBB2_13:
0x2cd: {  	v12 =	vld [tilespmem:s15+$0x80];
	s5 =	sadd.s32 $0x4, s5;
	v5 =	vmul.f32 v11, v5;
	v8 =	vand.u32 $0xFFFF0000, v8;
	s12 =	sadd.s32 $0x200, s12  }
0x2ce: {  	v11 =	vld [tilespmem:s12+$0x80];
	p2 =	slt.u32 s5, $0x7C;
	v4 =	vmul.f32 v8, v4;
	v8 =	vand.u32 $0xFFFF0000, v9  }
0x2cf: {  	v9 =	vld [tilespmem:s15+$0xFFFFFF80];
	[tilespmem:s13+$0xFFFFFF60] =	vst v5;
	v5 =	vmul.f32 v8, v6  }
0x2d0: {  	v6 =	vld [tilespmem:s15+$0x0];
	[tilespmem:s13+$0xFFFFFFE0] =	vst v4  }
0x2d1: {  	v4 =	vld [tilespmem:s15+$0xFFFFFF00];
	[tilespmem:s13+$0x60] =	vst v5;
	v5 =	vand.u32 $0xFFFF0000, v10  }
0x2d2: {  	v8 =	vld [tilespmem:s12+$0xFFFFFF00];
	v10 =	vand.u32 $0xFFFF0000, v12;
	v5 =	vmul.f32 v5, v7  }
0x2d3: {  	v7 =	vld [tilespmem:s12+$0xFFFFFF80];
	v10 =	vmul.f32 v10, v11  }
0x2d4: {  	v9 =	vand.u32 $0xFFFF0000, v9;
	v11 =	vld [tilespmem:s12+$0x0];
	[tilespmem:s13+$0xF0] =	vst v5  }
0x2d5: {  	v5 =	vld [tilespmem:s12+$0xFFFFFF10];
	v6 =	vand.u32 $0xFFFF0000, v6;
	[tilespmem:s12+$0x80] =	vst v10  }
0x2d6: {  	v4 =	vand.u32 $0xFFFF0000, v4;
	v10 =	vld [tilespmem:s15+$0x90]  }
0x2d7: {  	v4 =	vmul.f32 v4, v8;
	v8 =	vld [tilespmem:s12+$0x90]  }
0x2d8: {  	v7 =	vmul.f32 v9, v7;
	v9 =	vld [tilespmem:s12+$0xFFFFFF90]  }
0x2d9: {  	[tilespmem:s12+$0xFFFFFF00] =	vst v4;
	v4 =	vmul.f32 v6, v11;
	v6 =	vld [tilespmem:s12+$0x10]  }
0x2da: {  	v11 =	vld [tilespmem:s15+$0xFFFFFF10];
	[tilespmem:s12+$0xFFFFFF80] =	vst v7  }
0x2db: {  	v7 =	vld [tilespmem:s15+$0xFFFFFF90];
	[tilespmem:s12+$0x0] =	vst v4;
	v4 =	vand.u32 $0xFFFF0000, v10  }
0x2dc: {  	v10 =	vld [tilespmem:s15+$0x10];
	v4 =	vmul.f32 v4, v8  }
0x2dd: {  	v8 =	vld [tilespmem:s12+$0xFFFFFF20]  }
0x2de: {  	v12 =	vld [tilespmem:s12+$0xFFFFFFA0];
	[tilespmem:s12+$0x90] =	vst v4  }
0x2df: {  	v4 =	vand.u32 $0xFFFF0000, v11;
	v11 =	vld [tilespmem:s15+$0xA0]  }
0x2e0: {  	v4 =	vmul.f32 v4, v5;
	v5 =	vand.u32 $0xFFFF0000, v7;
	v7 =	vld [tilespmem:s12+$0xA0]  }
0x2e1: {  	v5 =	vmul.f32 v5, v9;
	v9 =	vand.u32 $0xFFFF0000, v10;
	v10 =	vld [tilespmem:s12+$0x20]  }
0x2e2: {  	[tilespmem:s12+$0xFFFFFF10] =	vst v4;
	v4 =	vld [tilespmem:s12+$0xFFFFFF30];
	v6 =	vmul.f32 v9, v6  }
0x2e3: {  	v9 =	vld [tilespmem:s15+$0xFFFFFF20];
	[tilespmem:s12+$0xFFFFFF90] =	vst v5  }
0x2e4: {  	v5 =	vld [tilespmem:s15+$0xFFFFFFA0];
	[tilespmem:s12+$0x10] =	vst v6;
	v6 =	vand.u32 $0xFFFF0000, v11  }
0x2e5: {  	v11 =	vld [tilespmem:s15+$0x20];
	v6 =	vmul.f32 v6, v7  }
0x2e6: {  	v7 =	vld [tilespmem:s12+$0xFFFFFFB0]  }
0x2e7: {  	v13 =	vld [tilespmem:s12+$0x30];
	[tilespmem:s12+$0xA0] =	vst v6  }
0x2e8: {  	v6 =	vand.u32 $0xFFFF0000, v9;
	v9 =	vld [tilespmem:s15+$0xB0]  }
0x2e9: {  	v6 =	vmul.f32 v6, v8;
	v5 =	vand.u32 $0xFFFF0000, v5;
	v8 =	vld [tilespmem:s12+$0xB0]  }
0x2ea: {  	v14 =	vld [tilespmem:s12+$0xFFFFFF40];
	v5 =	vmul.f32 v5, v12;
	v11 =	vand.u32 $0xFFFF0000, v11  }
0x2eb: {  	[tilespmem:s12+$0xFFFFFF20] =	vst v6;
	v6 =	vld [tilespmem:s12+$0xFFFFFFC0];
	v10 =	vmul.f32 v11, v10  }
0x2ec: {  	v11 =	vld [tilespmem:s15+$0xFFFFFF30];
	[tilespmem:s12+$0xFFFFFFA0] =	vst v5  }
0x2ed: {  	v5 =	vld [tilespmem:s15+$0xFFFFFFB0];
	[tilespmem:s12+$0x20] =	vst v10;
	v9 =	vand.u32 $0xFFFF0000, v9  }
0x2ee: {  	v10 =	vld [tilespmem:s15+$0x30];
	v8 =	vmul.f32 v9, v8  }
0x2ef: {  	v9 =	vld [tilespmem:s12+$0x40]  }
0x2f0: {  	v12 =	vld [tilespmem:s12+$0xFFFFFF50];
	[tilespmem:s12+$0xB0] =	vst v8  }
0x2f1: {  	v8 =	vand.u32 $0xFFFF0000, v11;
	v11 =	vld [tilespmem:s15+$0xC0]  }
0x2f2: {  	v4 =	vmul.f32 v8, v4;
	v5 =	vand.u32 $0xFFFF0000, v5;
	v8 =	vld [tilespmem:s12+$0xC0]  }
0x2f3: {  	v5 =	vmul.f32 v5, v7;
	v7 =	vld [tilespmem:s12+$0xFFFFFFD0];
	v10 =	vand.u32 $0xFFFF0000, v10  }
0x2f4: {  	[tilespmem:s12+$0xFFFFFF30] =	vst v4;
	v4 =	vmul.f32 v10, v13;
	v10 =	vld [tilespmem:s12+$0x50]  }
0x2f5: {  	v13 =	vld [tilespmem:s15+$0xFFFFFF40];
	[tilespmem:s12+$0xFFFFFFB0] =	vst v5  }
0x2f6: {  	v15 =	vld [tilespmem:s15+$0xFFFFFFC0];
	[tilespmem:s12+$0x30] =	vst v4;
	v4 =	vand.u32 $0xFFFF0000, v11  }
0x2f7: {  	v11 =	vld [tilespmem:s15+$0x40];
	v8 =	vmul.f32 v4, v8  }
0x2f8: {  	v5 =	vld [tilespmem:s12+$0xFFFFFF60]  }
0x2f9: {  	v4 =	vld [tilespmem:s12+$0xFFFFFFE0];
	[tilespmem:s12+$0xC0] =	vst v8  }
0x2fa: {  	v8 =	vand.u32 $0xFFFF0000, v13;
	v13 =	vld [tilespmem:s15+$0xD0]  }
0x2fb: {  	v8 =	vmul.f32 v8, v14;
	v14 =	vand.u32 $0xFFFF0000, v15;
	v15 =	vld [tilespmem:s12+$0xD0]  }
0x2fc: {  	v14 =	vmul.f32 v14, v6;
	v11 =	vand.u32 $0xFFFF0000, v11;
	v6 =	vld [tilespmem:s12+$0x60]  }
0x2fd: {  	[tilespmem:s12+$0xFFFFFF40] =	vst v8;
	v8 =	vmul.f32 v11, v9;
	v9 =	vld [tilespmem:s10+$0xFFFFFF70]  }
0x2fe: {  	v11 =	vld [tilespmem:s15+$0xFFFFFF50];
	[tilespmem:s12+$0xFFFFFFC0] =	vst v14  }
0x2ff: {  	v14 =	vld [tilespmem:s15+$0xFFFFFFD0];
	[tilespmem:s12+$0x40] =	vst v8;
	v8 =	vand.u32 $0xFFFF0000, v13  }
0x300: {  	v13 =	vld [tilespmem:s15+$0x50];
	v8 =	vmul.f32 v8, v15  }
0x301: {  	v15 =	vld [tilespmem:s10+$0xFFFFFFF0]  }
0x302: {  	[tilespmem:s12+$0xD0] =	vst v8;
	v8 =	vand.u32 $0xFFFF0000, v9;
	v9 =	vld [tilespmem:s10+$0x70];
	s10 =	smov.u32 s15  }
0x303: {  	v11 =	vand.u32 $0xFFFF0000, v11;
	v16 =	vld [tilespmem:s15+$0xE0];
	v8 =	vmul.f32 v8, v1  }
0x304: {  	v11 =	vmul.f32 v11, v12;
	v12 =	vand.u32 $0xFFFF0000, v14;
	v14 =	vld [tilespmem:s12+$0xE0]  }
0x305: {  	v1 =	vld [tilespmem:s12+$0xFFFFFF70];
	v7 =	vmul.f32 v12, v7;
	v12 =	vand.u32 $0xFFFF0000, v13;
	[tilespmem:s13+$0xFFFFFF70] =	vst v8  }
0x306: {  	[tilespmem:s12+$0xFFFFFF50] =	vst v11;
	v11 =	vld [tilespmem:s12+$0xFFFFFFF0];
	v10 =	vmul.f32 v12, v10;
	v8 =	vand.u32 $0xFFFF0000, v15  }
0x307: {  	v12 =	vld [tilespmem:s15+$0xFFFFFF60];
	[tilespmem:s12+$0xFFFFFFD0] =	vst v7;
	v3 =	vmul.f32 v8, v3;
	v7 =	vand.u32 $0xFFFF0000, v9  }
.Ltmp8:
0x308: {  	v8 =	vld [tilespmem:s15+$0xFFFFFFE0];
	[tilespmem:s12+$0x50] =	vst v10;
	v10 =	vand.u32 $0xFFFF0000, v16;
	v7 =	vmul.f32 v7, v2;
	(pc) =	sbr.rel @p2 .LBB2_13-.Ltmp8, $4  }
0x309: {  	v9 =	vld [tilespmem:s15+$0x60];
	v10 =	vmul.f32 v10, v14;
	[tilespmem:s13+$0xFFFFFFF0] =	vst v3  }
0x30a: {  	v2 =	vld [tilespmem:s12+$0x70];
	[tilespmem:s13+$0x70] =	vst v7;
	s13 =	smov.u32 s12  }
0x30b: {  	[tilespmem:s12+$0xE0] =	vst v10;
	v7 =	vld [tilespmem:s12+$0xF0];
	v3 =	vmov v11  }
0x30c: {  	s15 =	sadd.s32 $0x200, s15;
	v11 =	vand.u32 $0xFFFF0000, v12;
	v10 =	vld [tilespmem:s10+$0xF0]  }
0x30d: {  	v5 =	vmul.f32 v11, v5;
	v8 =	vand.u32 $0xFFFF0000, v8  }
0x30e: {  	v4 =	vmul.f32 v8, v4;
	v56 =	vand.u32 $0xFFFF0000, v9  }
0x30f: {  	[tilespmem:s13+$0xFFFFFF60] =	vst v5;
	v57 =	vmul.f32 v56, v6  }
0x310: {  	[tilespmem:s13+$0xFFFFFFE0] =	vst v4;
	v58 =	vld [tilespmem:s10+$0xFFFFFF70]  }
0x311: {  	[tilespmem:s13+$0x60] =	vst v57;
	v59 =	vld [tilespmem:s10+$0xFFFFFFF0]  }
0x312: {  	v60 =	vld [tilespmem:s10+$0x70];
	_ =	sdelay $0x1  }
0x313: {  	v61 =	vand.u32 $0xFFFF0000, v10  }
0x314: {  	v7 =	vmul.f32 v61, v7;
	v4 =	vand.u32 $0xFFFF0000, v58  }
0x315: {  	v1 =	vmul.f32 v4, v1;
	v62 =	vand.u32 $0xFFFF0000, v59  }
0x316: {  	[tilespmem:s13+$0xF0] =	vst v7;
	v3 =	vmul.f32 v62, v3;
	v63 =	vand.u32 $0xFFFF0000, v60  }
0x317: {  	[tilespmem:s13+$0xFFFFFF70] =	vst v1;
	v1 =	vmul.f32 v63, v2  }
0x318: {  	[tilespmem:s13+$0xFFFFFFF0] =	vst v3  }
.Ltmp9:
0x319: {  	[tilespmem:s13+$0x70] =	vst v1;
	(pc) =	sbr.rel .LBB2_15-.Ltmp9, $4  }
0x31a: {  	[spmem:s14] =	stream.indirect.scatter.add.f32 [tilespmem:s4], [sflag:$0x4], $0x80, s31, s11, $0xb8;
	[tilespmem:$0x1FA80] =	vst v63  }
0x31b: {  	_ =	swait.ge [sflag:s30], $0x4000  }
0x31c: {  	[sflag:s30] =	ssyncset.done $0x0  }
0x31d: {  	[sflag:s30] =	ssyncadd.s32 $0xFFFFC000  }
.LBB2_16:
0x31e: {  	_ =	sfence.sel $0x180000  }
0x31f: {  	[bflag:$0x0] =	sbarrier.arrive $0xFFFF  }
0x320: {  	_ =	strace $0x90000047  }
0x321: {  	s0 =	stileid.u32;
	[bflag:$0x2] =	sbarrier.arrive $0xFFFF  }
0x322: {  	p0 =	sne.s32 s0, $0x0;
	s0 =	rddreg [dreg:$0x4]  }
0x323: {  	s0 =	sadd.s32 @!p0 $0x100000, s0  }
0x324: {  	[sflag:s0] =	ssyncadd.tile.s32 @!p0 $0x1;
	_ =	shalt  }
.Lfunc_end2:
_tile_overlayer_lowered:
.L_overlay_start_2:
0x325: {  	(tag) =	ssettag $0x2  }
0x326: {  	s0 =	rddreg [dreg:$0x0];
	s2 =	stileid.u32  }
0x327: {  	s1 =	rddreg [dreg:$0x1];
	p0 =	sne.s32 s2, $0x0  }
0x328: {  	s3 =	rddreg [dreg:$0x2];
	[bflag:$0x3] =	sbarrier.arrive $0xFFFF;
	s2 =	simm.s32 @!p0 $0x1C04  }
0x329: {  	[timem:s3], [sflag:s2] =	dma.local @!p0 [hbm:s0], s1  }
0x32a: {  	s0 =	simm.s32 @!p0 $0x4  }
0x32b: {  	_ =	swait.ge @!p0 [sflag:s0], s1  }
0x32c: {  	s1 =	ssub.s32 @!p0 $0x0, s1;
	[sflag:s0] =	ssyncset.done @!p0 $0x0  }
0x32d: {  	[sflag:s0] =	ssyncadd.s32 @!p0 s1  }
0x32e: {  	[bflag:$0x3] =	sbarrier.arrive $0xFFFF  }
0x32f: {  	_ =	shalt  }

</sc_bundles>
